<compile_context>
chip_gen: v7x
topology: tpu7x:2x2x1
jax: 0.10.2.dev20260603
libtpu: 0.0.44.dev20260713+nightly
codegen_flags: <defaults>
</compile_context>

<pallas_src>
import functools

import jax
import jax.numpy as jnp
import numpy as np
from jax import lax
from jax.experimental import pallas as pl
from jax.experimental.pallas import tpu as pltpu
from jax.experimental.pallas import tpu_sc as plsc

NB = 8
NPT = 100000
NQ = 4
QPT = NPT // NQ
CH = 2000
NFULL = 12
TAIL = QPT - NFULL * CH

TBL = 2688
NV = 60
NSL = 64
P = 40
OUTW = NSL * P
MRG = OUTW // NQ

GM_X, GM_Y, GM_Z = 0.0, -3.2, -2.0
VOX = 0.4

_ENC5 = [
    [0, 0, 0, 0, 1], [0, 0, 0, 1, 0], [0, 0, 0, 1, 1], [0, 0, 1, 0, 0],
    [0, 0, 1, 0, 1], [0, 0, 1, 1, 0], [0, 0, 1, 1, 1], [0, 1, 0, 0, 0],
    [0, 1, 0, 0, 1], [0, 1, 0, 1, 0], [0, 1, 0, 1, 1], [0, 1, 1, 0, 0],
    [0, 1, 1, 0, 1], [0, 1, 1, 1, 0], [0, 1, 1, 1, 1], [1, 0, 0, 0, 0],
    [1, 0, 0, 0, 1],
]

_MESH = plsc.VectorSubcoreMesh(core_axis_name="c", subcore_axis_name="s")
_SC_PARAMS = pltpu.CompilerParams(needs_layout_passes=False)




def _lin_from_coords(xv, yv, zv):
    fx = (xv - GM_X) / VOX
    fy = (yv - GM_Y) / VOX
    fz = (zv - GM_Z) / VOX
    ix = fx.astype(jnp.int32)
    iy = fy.astype(jnp.int32)
    iz = fz.astype(jnp.int32)
    nz = (xv != 0.0) | (yv != 0.0) | (zv != 0.0)
    ok = ((ix >= 0) & (ix < 16) & (iy >= 0) & (iy < 16)
          & (iz >= 0) & (iz < 10) & nz)
    lin = ix * 160 + iy * 10 + iz
    return jnp.where(ok, lin, 2560)


@jax.jit
def _hist(xs, ys, zs):
    @functools.partial(
        pl.kernel,
        out_type=jax.ShapeDtypeStruct((NB * NQ * TBL,), jnp.int32),
        mesh=_MESH,
        compiler_params=_SC_PARAMS,
        scratch_types=[
            pltpu.VMEM((TBL,), jnp.int32),
            pltpu.VMEM((CH,), jnp.float32),
            pltpu.VMEM((CH,), jnp.float32),
            pltpu.VMEM((CH,), jnp.float32),
            pltpu.VMEM((CH,), jnp.float32),
            pltpu.VMEM((CH,), jnp.float32),
            pltpu.VMEM((CH,), jnp.float32),
            pltpu.SemaphoreType.DMA,
            pltpu.SemaphoreType.DMA,
        ],
    )
    def k(x_hbm, y_hbm, z_hbm, out_hbm, cnt_v,
          xb0, yb0, zb0, xb1, yb1, zb1, sem0, sem1):
        c = lax.axis_index("c")
        s = lax.axis_index("s")
        b = c * 4 + s // 4
        q = s % 4
        base = b * NPT + q * QPT
        iota16 = lax.iota(jnp.int32, 16)
        zero16 = jnp.full((16,), 0, jnp.int32)

        @pl.loop(0, TBL, step=16)
        def _(i):
            cnt_v[pl.ds(i, 16)] = zero16

        def process(xbv, ybv, zbv, off, lanemask):
            xv = xbv[pl.ds(off, 16)]
            yv = ybv[pl.ds(off, 16)]
            zv = zbv[pl.ds(off, 16)]
            lin = _lin_from_coords(xv, yv, zv)
            cnt, lastm = plsc.scan_count(lin, lanemask)
            plsc.addupdate_scatter(cnt_v, [lin], cnt, mask=lastm)

        full = jnp.full((16,), True, jnp.bool_)
        nvec = (TAIL // 16) * 16
        bufs = ((xb0, yb0, zb0), (xb1, yb1, zb1))
        sems = (sem0, sem1)

        def start_chunk(ch, bi):
            xbv, ybv, zbv = bufs[bi]
            if ch < NFULL:
                off = base + ch * CH
                return (
                    pltpu.async_copy(x_hbm.at[pl.ds(off, CH)], xbv, sems[bi]),
                    pltpu.async_copy(y_hbm.at[pl.ds(off, CH)], ybv, sems[bi]),
                    pltpu.async_copy(z_hbm.at[pl.ds(off, CH)], zbv, sems[bi]),
                )
            off = base + NFULL * CH
            return (
                pltpu.async_copy(x_hbm.at[pl.ds(off, TAIL)],
                                 xbv.at[pl.ds(0, TAIL)], sems[bi]),
                pltpu.async_copy(y_hbm.at[pl.ds(off, TAIL)],
                                 ybv.at[pl.ds(0, TAIL)], sems[bi]),
                pltpu.async_copy(z_hbm.at[pl.ds(off, TAIL)],
                                 zbv.at[pl.ds(0, TAIL)], sems[bi]),
            )

        hs = start_chunk(0, 0)
        for ch in range(NFULL + 1):
            bi = ch % 2
            hs_next = start_chunk(ch + 1, 1 - bi) if ch < NFULL else None
            for h in hs:
                h.wait()
            xbv, ybv, zbv = bufs[bi]
            if ch < NFULL:
                @pl.loop(0, CH, step=16)
                def _(i):
                    process(xbv, ybv, zbv, i, full)
            else:
                @pl.loop(0, nvec, step=16)
                def _(i):
                    process(xbv, ybv, zbv, i, full)

                process(xbv, ybv, zbv, nvec, iota16 < (TAIL - nvec))
            hs = hs_next

        pltpu.sync_copy(cnt_v, out_hbm.at[pl.ds((b * NQ + q) * TBL, TBL)])

    return k(xs, ys, zs)


def _topk_body(cp_ref, kp_ref, tc_ref, ba_ref, sl_ref, vl_ref, kc_ref):
    iota = lax.broadcasted_iota(jnp.int32, (NB, TBL), 1)
    iota64 = lax.broadcasted_iota(jnp.int32, (NB, NSL), 1)
    cq = [cp_ref[:, qq, :] for qq in range(NQ)]
    counts = cq[0] + cq[1] + cq[2] + cq[3]
    counts = jnp.where(iota < 2560, counts, -1)
    big = jnp.int32(1 << 30)

    def step(v, carry):
        counts, slot, tcnt, ba1, ba2, ba3, vlx, vly, vlz = carry
        m = jnp.max(counts, axis=1, keepdims=True)
        idx = jnp.min(jnp.where(counts == m, iota, big), axis=1,
                      keepdims=True)
        oh = iota == idx
        oh64 = iota64 == v
        tcnt = jnp.where(oh64, m, tcnt)
        p0 = jnp.sum(jnp.where(oh, cq[0], 0), axis=1, keepdims=True)
        p1 = jnp.sum(jnp.where(oh, cq[1], 0), axis=1, keepdims=True)
        p2 = jnp.sum(jnp.where(oh, cq[2], 0), axis=1, keepdims=True)
        s1 = p0
        s2 = s1 + p1
        s3 = s2 + p2
        ba1 = jnp.where(oh64, s1, ba1)
        ba2 = jnp.where(oh64, s2, ba2)
        ba3 = jnp.where(oh64, s3, ba3)
        slot = jnp.where(oh, v, slot)
        i0 = idx // 160
        r = idx % 160
        i1 = r // 10
        i2 = r % 10
        cx = GM_X + i0.astype(jnp.float32) * VOX + VOX / 2
        cy = GM_Y + i1.astype(jnp.float32) * VOX + VOX / 2
        cz = GM_Z + i2.astype(jnp.float32) * VOX + VOX / 2
        vlx = jnp.where(oh64, cx, vlx)
        vly = jnp.where(oh64, cy, vly)
        vlz = jnp.where(oh64, cz, vlz)
        counts = jnp.where(oh, -1, counts)
        return counts, slot, tcnt, ba1, ba2, ba3, vlx, vly, vlz

    zt = jnp.full((NB, NSL), 0, jnp.int32)
    init = (
        counts,
        jnp.full((NB, TBL), 63, jnp.int32),
        zt, zt, zt, zt,
        jnp.full((NB, NSL), 1e9, jnp.float32),
        jnp.full((NB, NSL), 1e9, jnp.float32),
        jnp.full((NB, NSL), 1e9, jnp.float32),
    )
    (_, slot, tcnt, ba1, ba2, ba3,
     vlx, vly, vlz) = lax.fori_loop(0, NV, step, init)
    tc_ref[...] = tcnt
    ba_ref[:, 0, :] = zt
    ba_ref[:, 1, :] = ba1
    ba_ref[:, 2, :] = ba2
    ba_ref[:, 3, :] = ba3
    sl_ref[...] = slot
    vl_ref[:, 0, :] = vlx
    vl_ref[:, 1, :] = vly
    vl_ref[:, 2, :] = vlz

    kv = kp_ref[...]
    st = [jnp.full((NB, NSL), 0.0, jnp.float32) for _ in range(6)]
    for j in range(17):
        dx = kv[:, 3 * j + 0:3 * j + 1] - vlx
        dy = kv[:, 3 * j + 1:3 * j + 2] - vly
        dz = kv[:, 3 * j + 2:3 * j + 3] - vlz
        d = jnp.sqrt(dx * dx + dy * dy + dz * dz + 1e-12)
        md = jnp.min(d, axis=1, keepdims=True)
        mi = jnp.min(jnp.where(d == md, iota64, big), axis=1, keepdims=True)
        oh = iota64 == mi
        cur = [jnp.sum(jnp.where(oh, sk, 0.0), axis=1, keepdims=True)
               for sk in st]
        iszero = ((cur[0] == 0.0) & (cur[1] == 0.0) & (cur[2] == 0.0)
                  & (cur[3] == 0.0) & (cur[4] == 0.0) & (cur[5] == 0.0))
        enc = [jnp.float32(x) for x in _ENC5[j]] + [md]
        for kk in range(6):
            new = jnp.where(iszero, enc[kk], (cur[kk] + enc[kk]) / 2.0)
            st[kk] = jnp.where(oh, new, st[kk])
    for kk in range(6):
        kc_ref[:, kk, :] = st[kk]


@jax.jit
def _topk(cp, kr):
    return pl.pallas_call(
        _topk_body,
        out_shape=[
            jax.ShapeDtypeStruct((NB, NSL), jnp.int32),
            jax.ShapeDtypeStruct((NB, NQ, NSL), jnp.int32),
            jax.ShapeDtypeStruct((NB, TBL), jnp.int32),
            jax.ShapeDtypeStruct((NB, 3, NSL), jnp.float32),
            jax.ShapeDtypeStruct((NB, 6, NSL), jnp.float32),
        ],
    )(cp, kr)


@jax.jit
def _select(xs, ys, zs, sl, ba, tc):
    @functools.partial(
        pl.kernel,
        out_type=(jax.ShapeDtypeStruct((NB * OUTW,), jnp.float32),
                  jax.ShapeDtypeStruct((NB * OUTW,), jnp.float32),
                  jax.ShapeDtypeStruct((NB * OUTW,), jnp.float32)),
        mesh=_MESH,
        compiler_params=_SC_PARAMS,
        scratch_types=[
            pltpu.VMEM((TBL,), jnp.int32),
            pltpu.VMEM((NSL,), jnp.int32),
            pltpu.VMEM((NSL,), jnp.int32),
            pltpu.VMEM((OUTW,), jnp.float32),
            pltpu.VMEM((OUTW,), jnp.float32),
            pltpu.VMEM((OUTW,), jnp.float32),
            pltpu.VMEM((CH,), jnp.float32),
            pltpu.VMEM((CH,), jnp.float32),
            pltpu.VMEM((CH,), jnp.float32),
            pltpu.VMEM((CH,), jnp.float32),
            pltpu.VMEM((CH,), jnp.float32),
            pltpu.VMEM((CH,), jnp.float32),
            pltpu.VMEM((MRG,), jnp.float32),
            pltpu.VMEM((MRG,), jnp.float32),
            pltpu.VMEM((MRG,), jnp.float32),
            pltpu.VMEM((MRG,), jnp.float32),
            pltpu.VMEM((MRG,), jnp.float32),
            pltpu.VMEM((MRG,), jnp.float32),
            pltpu.VMEM((MRG,), jnp.float32),
            pltpu.VMEM_SHARED((16 * 3 * OUTW,), jnp.float32),
            pltpu.SemaphoreType.DMA,
            pltpu.SemaphoreType.DMA,
        ],
    )
    def k(x_hbm, y_hbm, z_hbm, sl_hbm, ba_hbm, tc_hbm,
          px_hbm, py_hbm, pz_hbm,
          slot_v, fill_v, cnts_v, lx, ly, lz, xb0, yb0, zb0, xb1, yb1, zb1,
          mx, my, mz, tmp, fx, fy, fz, shared, sem0, sem1):
        c = lax.axis_index("c")
        s = lax.axis_index("s")
        b = c * 4 + s // 4
        q = s % 4
        base = b * NPT + q * QPT
        iota16 = lax.iota(jnp.int32, 16)
        zerof = jnp.full((16,), 0.0, jnp.float32)

        pltpu.sync_copy(sl_hbm.at[pl.ds(b * TBL, TBL)], slot_v)
        pltpu.sync_copy(ba_hbm.at[pl.ds((b * NQ + q) * NSL, NSL)], fill_v)
        pltpu.sync_copy(tc_hbm.at[pl.ds(b * NSL, NSL)], cnts_v)

        @pl.loop(0, OUTW, step=16)
        def _(i):
            lx[pl.ds(i, 16)] = zerof
            ly[pl.ds(i, 16)] = zerof
            lz[pl.ds(i, 16)] = zerof

        def process(xbv, ybv, zbv, off, lanemask):
            xv = xbv[pl.ds(off, 16)]
            yv = ybv[pl.ds(off, 16)]
            zv = zbv[pl.ds(off, 16)]
            lin = _lin_from_coords(xv, yv, zv)
            slv = plsc.load_gather(slot_v, [lin])
            elig = (slv != 63) & lanemask
            cnt, lastm = plsc.scan_count(slv, elig)
            fillv = plsc.load_gather(fill_v, [slv])
            rank = fillv + cnt - 1
            w = elig & (rank < P)
            addr = jnp.where(w, slv * P + rank, 0)
            plsc.store_scatter(lx, [addr], xv, mask=w)
            plsc.store_scatter(ly, [addr], yv, mask=w)
            plsc.store_scatter(lz, [addr], zv, mask=w)
            plsc.addupdate_scatter(fill_v, [slv], cnt, mask=lastm)

        full = jnp.full((16,), True, jnp.bool_)
        nvec = (TAIL // 16) * 16
        bufs = ((xb0, yb0, zb0), (xb1, yb1, zb1))
        sems = (sem0, sem1)

        def start_chunk(ch, bi):
            xbv, ybv, zbv = bufs[bi]
            if ch < NFULL:
                off = base + ch * CH
                return (
                    pltpu.async_copy(x_hbm.at[pl.ds(off, CH)], xbv, sems[bi]),
                    pltpu.async_copy(y_hbm.at[pl.ds(off, CH)], ybv, sems[bi]),
                    pltpu.async_copy(z_hbm.at[pl.ds(off, CH)], zbv, sems[bi]),
                )
            off = base + NFULL * CH
            return (
                pltpu.async_copy(x_hbm.at[pl.ds(off, TAIL)],
                                 xbv.at[pl.ds(0, TAIL)], sems[bi]),
                pltpu.async_copy(y_hbm.at[pl.ds(off, TAIL)],
                                 ybv.at[pl.ds(0, TAIL)], sems[bi]),
                pltpu.async_copy(z_hbm.at[pl.ds(off, TAIL)],
                                 zbv.at[pl.ds(0, TAIL)], sems[bi]),
            )

        hs = start_chunk(0, 0)
        for ch in range(NFULL + 1):
            bi = ch % 2
            hs_next = start_chunk(ch + 1, 1 - bi) if ch < NFULL else None
            for h in hs:
                h.wait()
            xbv, ybv, zbv = bufs[bi]
            if ch < NFULL:
                @pl.loop(0, CH, step=16)
                def _(i):
                    process(xbv, ybv, zbv, i, full)
            else:
                @pl.loop(0, nvec, step=16)
                def _(i):
                    process(xbv, ybv, zbv, i, full)

                process(xbv, ybv, zbv, nvec, iota16 < (TAIL - nvec))
            hs = hs_next

        shbase = s * (3 * OUTW)
        pltpu.sync_copy(lx, shared.at[pl.ds(shbase, OUTW)])
        pltpu.sync_copy(ly, shared.at[pl.ds(shbase + OUTW, OUTW)])
        pltpu.sync_copy(lz, shared.at[pl.ds(shbase + 2 * OUTW, OUTW)])
        plsc.subcore_barrier()

        s0 = s - q
        lo = q * MRG
        qb = s0 * (3 * OUTW) + lo
        pltpu.sync_copy(shared.at[pl.ds(qb, MRG)], mx)
        pltpu.sync_copy(shared.at[pl.ds(qb + OUTW, MRG)], my)
        pltpu.sync_copy(shared.at[pl.ds(qb + 2 * OUTW, MRG)], mz)
        for kq in range(1, NQ):
            kb = (s0 + kq) * (3 * OUTW) + lo
            pltpu.sync_copy(shared.at[pl.ds(kb, MRG)], tmp)

            @pl.loop(0, MRG, step=16)
            def _(i):
                mx[pl.ds(i, 16)] = mx[pl.ds(i, 16)] + tmp[pl.ds(i, 16)]

            pltpu.sync_copy(shared.at[pl.ds(kb + OUTW, MRG)], tmp)

            @pl.loop(0, MRG, step=16)
            def _(i):
                my[pl.ds(i, 16)] = my[pl.ds(i, 16)] + tmp[pl.ds(i, 16)]

            pltpu.sync_copy(shared.at[pl.ds(kb + 2 * OUTW, MRG)], tmp)

            @pl.loop(0, MRG, step=16)
            def _(i):
                mz[pl.ds(i, 16)] = mz[pl.ds(i, 16)] + tmp[pl.ds(i, 16)]

        pltpu.sync_copy(x_hbm.at[pl.ds(b * NPT, 16)], xb0.at[pl.ds(0, 16)])
        pltpu.sync_copy(y_hbm.at[pl.ds(b * NPT, 16)], yb0.at[pl.ds(0, 16)])
        pltpu.sync_copy(z_hbm.at[pl.ds(b * NPT, 16)], zb0.at[pl.ds(0, 16)])
        zero16 = jnp.full((16,), 0, jnp.int32)
        p0x = plsc.load_gather(xb0, [zero16])
        p0y = plsc.load_gather(yb0, [zero16])
        p0z = plsc.load_gather(zb0, [zero16])

        @pl.loop(0, MRG, step=16)
        def _(i):
            la = i + iota16
            vloc = la // P
            p = la % P
            vglob = q * (MRG // P) + vloc
            cv = plsc.load_gather(cnts_v, [vglob])
            msel = p % jnp.maximum(cv, 1)
            src = vloc * P + msel
            empty = cv == 0
            gx = jnp.where(empty, p0x, plsc.load_gather(mx, [src]))
            gy = jnp.where(empty, p0y, plsc.load_gather(my, [src]))
            gz = jnp.where(empty, p0z, plsc.load_gather(mz, [src]))
            fx[pl.ds(i, 16)] = gx
            fy[pl.ds(i, 16)] = gy
            fz[pl.ds(i, 16)] = gz

        pltpu.sync_copy(fx, px_hbm.at[pl.ds(b * OUTW + lo, MRG)])
        pltpu.sync_copy(fy, py_hbm.at[pl.ds(b * OUTW + lo, MRG)])
        pltpu.sync_copy(fz, pz_hbm.at[pl.ds(b * OUTW + lo, MRG)])

    return k(xs, ys, zs, sl, ba, tc)


def kernel(pc, kpts):
    xs = pc[:, :, 0].reshape(-1)
    ys = pc[:, :, 1].reshape(-1)
    zs = pc[:, :, 2].reshape(-1)
    kr = kpts[:, :, jnp.array([2, 0, 1])].reshape(NB, 51)
    cp = _hist(xs, ys, zs).reshape(NB, NQ, TBL)
    tcnt, bas, slot, vl3, kc = _topk(cp, kr)
    px, py, pz = _select(xs, ys, zs, slot.reshape(-1), bas.reshape(-1),
                         tcnt.reshape(-1))
    pts = jnp.stack([px.reshape(NB, OUTW), py.reshape(NB, OUTW),
                     pz.reshape(NB, OUTW)],
                    axis=-1).reshape(NB, NSL, P, 3)[:, :NV]
    vl = jnp.transpose(vl3, (0, 2, 1))[:, :NV]
    vl_exp = jnp.broadcast_to(vl[:, :, None, :], (NB, NV, P, 3))
    kpt_cond = jnp.transpose(kc, (0, 2, 1))[:, :NV]
    return pts, vl_exp, kpt_cond

# --- scband reference (transcript-rebuilt; emitter-appended) ---
"""Pipeline reference for scband-conditional-point-cloud-diffusion-model-68762426409358 (READ-ONLY COPY).

The authoritative reference and input builder live on the scoring server;
editing this copy changes nothing except your own understanding.
"""

import jax, jax.numpy as jnp
import numpy as np

GRID_MIN = jnp.array([0.0, -3.2, -2.0], dtype=jnp.float32)
VOXEL_SIZE = 0.4
VOXEL_POINT_MAX = 40
VOXEL_NUM = 60
DIMS = (16, 16, 10)  # int((grid_max - grid_min)/voxel_size)
N_BINS = DIMS[0] * DIMS[1] * DIMS[2]

# KPT_ENCODING first 5 entries (6th slot is overwritten with min distance in forward)
KPT_ENC5 = np.array([
    [0,0,0,0,1],[0,0,0,1,0],[0,0,0,1,1],[0,0,1,0,0],[0,0,1,0,1],
    [0,0,1,1,0],[0,0,1,1,1],[0,1,0,0,0],[0,1,0,0,1],[0,1,0,1,0],
    [0,1,0,1,1],[0,1,1,0,0],[0,1,1,0,1],[0,1,1,1,0],[0,1,1,1,1],
    [1,0,0,0,0],[1,0,0,0,1]], dtype=np.float32)


def _process_one(pc_b, kpts_b):
    # voxelize: torch .long() truncates toward zero, match with astype(int32)
    valid_nonzero = jnp.any(pc_b != 0, axis=1)
    vl_idx = ((pc_b - GRID_MIN) / VOXEL_SIZE).astype(jnp.int32)
    dims = jnp.array(DIMS, dtype=jnp.int32)
    in_range = jnp.all((vl_idx >= 0) & (vl_idx < dims), axis=1)
    valid = valid_nonzero & in_range
    lin = vl_idx[:, 0] * (DIMS[1] * DIMS[2]) + vl_idx[:, 1] * DIMS[2] + vl_idx[:, 2]
    lin = jnp.where(valid, lin, N_BINS)  # invalid points -> overflow bin
    # histogram over voxel bins (torch.unique(..., return_counts=True) equivalent)
    counts = jnp.bincount(lin, length=N_BINS + 1)[:N_BINS]
    # sort descending by count, keep voxel_num most-populated voxels
    top_counts, top_bins = jax.lax.top_k(counts, VOXEL_NUM)
    i0 = top_bins // (DIMS[1] * DIMS[2])
    rem = top_bins % (DIMS[1] * DIMS[2])
    i1 = rem // DIMS[2]
    i2 = rem % DIMS[2]
    idx3 = jnp.stack([i0, i1, i2], axis=1).astype(jnp.float32)
    vl_id = GRID_MIN + idx3 * VOXEL_SIZE + VOXEL_SIZE / 2.0  # (V,3) voxel centers

    def gather_voxel(bin_id, cnt):
        member = (lin == bin_id).astype(jnp.float32)
        _, idxs = jax.lax.top_k(member, VOXEL_POINT_MAX)  # member point indices first
        cnt_c = jnp.maximum(cnt, 1)
        pos = jnp.arange(VOXEL_POINT_MAX, dtype=jnp.int32) % cnt_c  # repeat-to-fill like torch repeat()[:P]
        sel = jnp.take(idxs, pos)
        return jnp.take(pc_b, sel, axis=0)  # (P,3)

    pts = jax.vmap(gather_voxel)(top_bins, top_counts)  # (V,P,3)

    # keypoint condition: cdist(kpts[:, [2,0,1]], vl_ids), nearest voxel per keypoint
    kpts_r = kpts_b[:, jnp.array([2, 0, 1])]
    diff = kpts_r[:, None, :] - vl_id[None, :, :]
    dist = jnp.sqrt(jnp.sum(diff * diff, axis=-1) + 1e-12)
    min_d = jnp.min(dist, axis=1)
    min_i = jnp.argmin(dist, axis=1)
    kpt_cond = jnp.zeros((VOXEL_NUM, 6), dtype=jnp.float32)
    enc_table = jnp.asarray(KPT_ENC5)
    for j in range(enc_table.shape[0]):
        enc = jnp.concatenate([enc_table[j], min_d[j:j + 1]])
        idx = min_i[j]
        cur = kpt_cond[idx]
        is_zero = jnp.all(cur == 0.0)
        new = jnp.where(is_zero, enc, (cur + enc) / 2.0)
        kpt_cond = kpt_cond.at[idx].set(new)
    return pts, vl_id, kpt_cond


def setup_inputs(seed: int = 0) -> dict:
    key = jax.random.key(seed)
    k1, k2 = jax.random.split(key)
    pc = jax.random.normal(k1, (8, 100000, 3), dtype=jnp.float32) * 1.5
    kpts = jax.random.normal(k2, (8, 17, 3), dtype=jnp.float32)
    return {"pc": pc, "kpts": kpts}


def reference(pc, kpts):
    pts, vl_id, kpt_cond = jax.vmap(_process_one)(pc, kpts)
    B, V, P, _ = pts.shape
    vl_exp = jnp.broadcast_to(vl_id[:, :, None, :], (B, V, P, 3))
    return pts, vl_exp, kpt_cond

if __name__ == "__main__":
    import jax
    _d = setup_inputs()
    print(jax.jit(kernel)(*tuple(_d.values())))

</pallas_src>

<mosaic_0001>
#map = affine_map<(d0, d1) -> (0)>
module attributes {stable_mosaic.version = 14 : i64} {
  func.func @k(%arg0: i32, %arg1: i32, %arg2: memref<800000xf32, #tpu.memory_space<hbm>>, %arg3: memref<800000xf32, #tpu.memory_space<hbm>>, %arg4: memref<800000xf32, #tpu.memory_space<hbm>>, %arg5: memref<86016xi32, #tpu.memory_space<hbm>>, %arg6: memref<2688xi32, #tpu.memory_space<vmem>>, %arg7: memref<2000xf32, #tpu.memory_space<vmem>>, %arg8: memref<2000xf32, #tpu.memory_space<vmem>>, %arg9: memref<2000xf32, #tpu.memory_space<vmem>>, %arg10: memref<2000xf32, #tpu.memory_space<vmem>>, %arg11: memref<2000xf32, #tpu.memory_space<vmem>>, %arg12: memref<2000xf32, #tpu.memory_space<vmem>>, %arg13: memref<!tpu.dma_semaphore, #tpu.memory_space<semaphore_mem>>, %arg14: memref<!tpu.dma_semaphore, #tpu.memory_space<semaphore_mem>>) attributes {dimension_semantics = [#tpu.dimension_semantics<core_parallel>, #tpu.dimension_semantics<subcore_parallel>], iteration_bounds = array<i64: 2, 16>, scalar_prefetch = 0 : i64, scratch_operands = 9 : i64, tpu.core_type = #tpu.core_type<sc_vector_subcore>, window_params = [{transform_indices = #map}, {transform_indices = #map}, {transform_indices = #map}, {transform_indices = #map}]} {
    %mul3A = arith.constant 4 : i32
    %mul3A_0 = arith.muli %arg0, %mul3A : i32
    %jit3A = arith.constant 4 : i32
    %div3A = arith.divsi %arg1, %jit3A : i32
    %sign3A = arith.constant 0 : i32
    %sign3A_1 = arith.cmpi sgt, %arg1, %sign3A : i32
    %sign3A_2 = arith.extui %sign3A_1 : i1 to i32
    %sign3A_3 = arith.constant 0 : i32
    %sign3A_4 = arith.cmpi slt, %arg1, %sign3A_3 : i32
    %sign3A_5 = arith.extui %sign3A_4 : i1 to i32
    %sign3A_6 = arith.subi %sign3A_2, %sign3A_5 : i32
    %sign3A_7 = arith.constant 0 : i32
    %sign3A_8 = arith.cmpi sgt, %jit3A, %sign3A_7 : i32
    %sign3A_9 = arith.extui %sign3A_8 : i1 to i32
    %sign3A_10 = arith.constant 0 : i32
    %sign3A_11 = arith.cmpi slt, %jit3A, %sign3A_10 : i32
    %sign3A_12 = arith.extui %sign3A_11 : i1 to i32
    %sign3A_13 = arith.subi %sign3A_9, %sign3A_12 : i32
    %ne3A = arith.cmpi ne, %sign3A_6, %sign3A_13 : i32
    %rem3A = arith.remsi %arg1, %jit3A : i32
    %ne3A_14 = arith.constant 0 : i32
    %ne3A_15 = arith.cmpi ne, %rem3A, %ne3A_14 : i32
    %and3A = arith.andi %ne3A, %ne3A_15 : i1
    %sub3A = arith.constant 1 : i32
    %sub3A_16 = arith.subi %div3A, %sub3A : i32
    %select_n3A = arith.select %and3A, %sub3A_16, %div3A : i32
    %add3A = arith.addi %mul3A_0, %select_n3A : i32
    %jit3A_17 = arith.constant 4 : i32
    %eq3A = arith.constant 0 : i32
    %eq3A_18 = arith.cmpi eq, %jit3A_17, %eq3A : i32
    %jit3A_19 = arith.constant 1 : i32
    %select_n3A_20 = arith.select %eq3A_18, %jit3A_19, %jit3A_17 : i32
    %rem3A_21 = arith.remsi %arg1, %select_n3A_20 : i32
    %ne3A_22 = arith.constant 0 : i32
    %ne3A_23 = arith.cmpi ne, %rem3A_21, %ne3A_22 : i32
    %lt3A = arith.constant 0 : i32
    %lt3A_24 = arith.cmpi slt, %rem3A_21, %lt3A : i32
    %lt3A_25 = arith.constant 0 : i32
    %lt3A_26 = arith.cmpi slt, %select_n3A_20, %lt3A_25 : i32
    %ne3A_27 = arith.xori %lt3A_24, %lt3A_26 : i1
    %and3A_28 = arith.andi %ne3A_27, %ne3A_23 : i1
    %add3A_29 = arith.addi %rem3A_21, %select_n3A_20 : i32
    %select_n3A_30 = arith.select %and3A_28, %add3A_29, %rem3A_21 : i32
    %mul3A_31 = arith.constant 100000 : i32
    %mul3A_32 = arith.muli %add3A, %mul3A_31 : i32
    %mul3A_33 = arith.constant 25000 : i32
    %mul3A_34 = arith.muli %select_n3A_30, %mul3A_33 : i32
    %add3A_35 = arith.addi %mul3A_32, %mul3A_34 : i32
    %iota3A = tpu.iota {dimensions = array<i32: 0>} : vector<16xi32>
    %broadcast_in_dim3A = arith.constant 0 : i32
    %broadcast_in_dim3A_36 = vector.broadcast %broadcast_in_dim3A : i32 to vector<16xi32>
    %scan3A = arith.constant 0 : i32
    %scan3A_37 = arith.constant 168 : i32
    %scan3A_38 = arith.addi %scan3A, %scan3A_37 : i32
    %scan3A_39 = arith.constant 1 : i32
    scf.for %scan3A_390 = %scan3A to %scan3A_38 step %scan3A_39  : i32 {
      %mul3A_391 = arith.constant 16 : i32
      %mul3A_392 = arith.muli %scan3A_390, %mul3A_391 : i32
      %add3A_393 = arith.constant 0 : i32
      %add3A_394 = arith.addi %add3A_393, %mul3A_392 : i32
      %swap3A = arith.index_cast %add3A_394 : i32 to index
      %swap3A_395 = tpu.vector_load %arg6[%swap3A] {strides = array<i32>} : memref<2688xi32, #tpu.memory_space<vmem>>, vector<16xi32>,
      tpu.vector_store %arg6[%swap3A], %broadcast_in_dim3A_36 {strides = array<i32>} : memref<2688xi32, #tpu.memory_space<vmem>>, vector<16xi32>,
    }
    %scan3A_40 = arith.constant 168 : i32
    %broadcast_in_dim3A_41 = arith.constant true
    %broadcast_in_dim3A_42 = vector.broadcast %broadcast_in_dim3A_41 : i1 to vector<16xi1>
    %add3A_43 = arith.constant 0 : i32
    %add3A_44 = arith.addi %add3A_35, %add3A_43 : i32
    %dma_start3A = tpu.memref_slice %arg2[%add3A_44] : memref<800000xf32, #tpu.memory_space<hbm>> -> memref<2000xf32, #tpu.memory_space<hbm>>
    %dma_start3A_45 = tpu.memref_slice %arg2[%add3A_44] : memref<800000xf32, #tpu.memory_space<hbm>> -> memref<2000xf32, #tpu.memory_space<hbm>>
    tpu.enqueue_dma source(%dma_start3A_45 : memref<2000xf32, #tpu.memory_space<hbm>>) target(%arg7 : memref<2000xf32, #tpu.memory_space<vmem>>) target_semaphore(%arg13 : memref<!tpu.dma_semaphore, #tpu.memory_space<semaphore_mem>>)
    %dma_start3A_46 = tpu.memref_slice %arg3[%add3A_44] : memref<800000xf32, #tpu.memory_space<hbm>> -> memref<2000xf32, #tpu.memory_space<hbm>>
    %dma_start3A_47 = tpu.memref_slice %arg3[%add3A_44] : memref<800000xf32, #tpu.memory_space<hbm>> -> memref<2000xf32, #tpu.memory_space<hbm>>
    tpu.enqueue_dma source(%dma_start3A_47 : memref<2000xf32, #tpu.memory_space<hbm>>) target(%arg8 : memref<2000xf32, #tpu.memory_space<vmem>>) target_semaphore(%arg13 : memref<!tpu.dma_semaphore, #tpu.memory_space<semaphore_mem>>)
    %dma_start3A_48 = tpu.memref_slice %arg4[%add3A_44] : memref<800000xf32, #tpu.memory_space<hbm>> -> memref<2000xf32, #tpu.memory_space<hbm>>
    %dma_start3A_49 = tpu.memref_slice %arg4[%add3A_44] : memref<800000xf32, #tpu.memory_space<hbm>> -> memref<2000xf32, #tpu.memory_space<hbm>>
    tpu.enqueue_dma source(%dma_start3A_49 : memref<2000xf32, #tpu.memory_space<hbm>>) target(%arg9 : memref<2000xf32, #tpu.memory_space<vmem>>) target_semaphore(%arg13 : memref<!tpu.dma_semaphore, #tpu.memory_space<semaphore_mem>>)
    %add3A_50 = arith.constant 2000 : i32
    %add3A_51 = arith.addi %add3A_35, %add3A_50 : i32
    %dma_start3A_52 = tpu.memref_slice %arg2[%add3A_51] : memref<800000xf32, #tpu.memory_space<hbm>> -> memref<2000xf32, #tpu.memory_space<hbm>>
    %dma_start3A_53 = tpu.memref_slice %arg2[%add3A_51] : memref<800000xf32, #tpu.memory_space<hbm>> -> memref<2000xf32, #tpu.memory_space<hbm>>
    tpu.enqueue_dma source(%dma_start3A_53 : memref<2000xf32, #tpu.memory_space<hbm>>) target(%arg10 : memref<2000xf32, #tpu.memory_space<vmem>>) target_semaphore(%arg14 : memref<!tpu.dma_semaphore, #tpu.memory_space<semaphore_mem>>)
    %dma_start3A_54 = tpu.memref_slice %arg3[%add3A_51] : memref<800000xf32, #tpu.memory_space<hbm>> -> memref<2000xf32, #tpu.memory_space<hbm>>
    %dma_start3A_55 = tpu.memref_slice %arg3[%add3A_51] : memref<800000xf32, #tpu.memory_space<hbm>> -> memref<2000xf32, #tpu.memory_space<hbm>>
    tpu.enqueue_dma source(%dma_start3A_55 : memref<2000xf32, #tpu.memory_space<hbm>>) target(%arg11 : memref<2000xf32, #tpu.memory_space<vmem>>) target_semaphore(%arg14 : memref<!tpu.dma_semaphore, #tpu.memory_space<semaphore_mem>>)
    %dma_start3A_56 = tpu.memref_slice %arg4[%add3A_51] : memref<800000xf32, #tpu.memory_space<hbm>> -> memref<2000xf32, #tpu.memory_space<hbm>>
    %dma_start3A_57 = tpu.memref_slice %arg4[%add3A_51] : memref<800000xf32, #tpu.memory_space<hbm>> -> memref<2000xf32, #tpu.memory_space<hbm>>
    tpu.enqueue_dma source(%dma_start3A_57 : memref<2000xf32, #tpu.memory_space<hbm>>) target(%arg12 : memref<2000xf32, #tpu.memory_space<vmem>>) target_semaphore(%arg14 : memref<!tpu.dma_semaphore, #tpu.memory_space<semaphore_mem>>)
    %dma_wait3A = tpu.memref_slice %arg2[%add3A_44] : memref<800000xf32, #tpu.memory_space<hbm>> -> memref<2000xf32, #tpu.memory_space<hbm>>
    %dma_wait3A_58 = tpu.memref_slice %arg2[%add3A_44] : memref<800000xf32, #tpu.memory_space<hbm>> -> memref<2000xf32, #tpu.memory_space<hbm>>
    tpu.wait_dma2 semaphore(%arg13 : memref<!tpu.dma_semaphore, #tpu.memory_space<semaphore_mem>>) src(%dma_wait3A_58 : memref<2000xf32, #tpu.memory_space<hbm>>) dst(%arg7 : memref<2000xf32, #tpu.memory_space<vmem>>)
    %dma_wait3A_59 = tpu.memref_slice %arg3[%add3A_44] : memref<800000xf32, #tpu.memory_space<hbm>> -> memref<2000xf32, #tpu.memory_space<hbm>>
    %dma_wait3A_60 = tpu.memref_slice %arg3[%add3A_44] : memref<800000xf32, #tpu.memory_space<hbm>> -> memref<2000xf32, #tpu.memory_space<hbm>>
    tpu.wait_dma2 semaphore(%arg13 : memref<!tpu.dma_semaphore, #tpu.memory_space<semaphore_mem>>) src(%dma_wait3A_60 : memref<2000xf32, #tpu.memory_space<hbm>>) dst(%arg8 : memref<2000xf32, #tpu.memory_space<vmem>>)
    %dma_wait3A_61 = tpu.memref_slice %arg4[%add3A_44] : memref<800000xf32, #tpu.memory_space<hbm>> -> memref<2000xf32, #tpu.memory_space<hbm>>
    %dma_wait3A_62 = tpu.memref_slice %arg4[%add3A_44] : memref<800000xf32, #tpu.memory_space<hbm>> -> memref<2000xf32, #tpu.memory_space<hbm>>
    tpu.wait_dma2 semaphore(%arg13 : memref<!tpu.dma_semaphore, #tpu.memory_space<semaphore_mem>>) src(%dma_wait3A_62 : memref<2000xf32, #tpu.memory_space<hbm>>) dst(%arg9 : memref<2000xf32, #tpu.memory_space<vmem>>)
    %scan3A_63 = arith.constant 0 : i32
    %scan3A_64 = arith.constant 125 : i32
    %scan3A_65 = arith.addi %scan3A_63, %scan3A_64 : i32
    %scan3A_66 = arith.constant 1 : i32
    scf.for %scan3A_390 = %scan3A_63 to %scan3A_65 step %scan3A_66  : i32 {
      %mul3A_391 = arith.constant 16 : i32
      %mul3A_392 = arith.muli %scan3A_390, %mul3A_391 : i32
      %add3A_393 = arith.constant 0 : i32
      %add3A_394 = arith.addi %add3A_393, %mul3A_392 : i32
      %get3A_395 = arith.index_cast %add3A_394 : i32 to index
      %get3A_396 = tpu.vector_load %arg7[%get3A_395] {strides = array<i32>} : memref<2000xf32, #tpu.memory_space<vmem>>, vector<16xf32>,
      %get3A_397 = arith.index_cast %add3A_394 : i32 to index
      %get3A_398 = tpu.vector_load %arg8[%get3A_397] {strides = array<i32>} : memref<2000xf32, #tpu.memory_space<vmem>>, vector<16xf32>,
      %get3A_399 = arith.index_cast %add3A_394 : i32 to index
      %get3A_400 = tpu.vector_load %arg9[%get3A_399] {strides = array<i32>} : memref<2000xf32, #tpu.memory_space<vmem>>, vector<16xf32>,
      %sub3A_401 = arith.constant 0.000000e+00 : f32
      %sub3A_402 = vector.broadcast %sub3A_401 : f32 to vector<16xf32>
      %sub3A_403 = arith.subf %get3A_396, %sub3A_402 : vector<16xf32>
      %div3A_404 = arith.constant 4.000000e-01 : f32
      %div3A_405 = vector.broadcast %div3A_404 : f32 to vector<16xf32>
      %div3A_406 = arith.divf %sub3A_403, %div3A_405 : vector<16xf32>
      %sub3A_407 = arith.constant -3.200000e+00 : f32
      %sub3A_408 = vector.broadcast %sub3A_407 : f32 to vector<16xf32>
      %sub3A_409 = arith.subf %get3A_398, %sub3A_408 : vector<16xf32>
      %div3A_410 = arith.constant 4.000000e-01 : f32
      %div3A_411 = vector.broadcast %div3A_410 : f32 to vector<16xf32>
      %div3A_412 = arith.divf %sub3A_409, %div3A_411 : vector<16xf32>
      %sub3A_413 = arith.constant -2.000000e+00 : f32
      %sub3A_414 = vector.broadcast %sub3A_413 : f32 to vector<16xf32>
      %sub3A_415 = arith.subf %get3A_400, %sub3A_414 : vector<16xf32>
      %div3A_416 = arith.constant 4.000000e-01 : f32
      %div3A_417 = vector.broadcast %div3A_416 : f32 to vector<16xf32>
      %div3A_418 = arith.divf %sub3A_415, %div3A_417 : vector<16xf32>
      %convert_element_type3A_419 = arith.fptosi %div3A_406 : vector<16xf32> to vector<16xi32>
      %convert_element_type3A_420 = arith.fptosi %div3A_412 : vector<16xf32> to vector<16xi32>
      %convert_element_type3A_421 = arith.fptosi %div3A_418 : vector<16xf32> to vector<16xi32>
      %ne3A_422 = arith.constant 0.000000e+00 : f32
      %ne3A_423 = vector.broadcast %ne3A_422 : f32 to vector<16xf32>
      %ne3A_424 = arith.cmpf one, %get3A_396, %ne3A_423 : vector<16xf32>
      %ne3A_425 = arith.constant 0.000000e+00 : f32
      %ne3A_426 = vector.broadcast %ne3A_425 : f32 to vector<16xf32>
      %ne3A_427 = arith.cmpf one, %get3A_398, %ne3A_426 : vector<16xf32>
      %or3A_428 = arith.ori %ne3A_424, %ne3A_427 : vector<16xi1>
      %ne3A_429 = arith.constant 0.000000e+00 : f32
      %ne3A_430 = vector.broadcast %ne3A_429 : f32 to vector<16xf32>
      %ne3A_431 = arith.cmpf one, %get3A_400, %ne3A_430 : vector<16xf32>
      %or3A_432 = arith.ori %or3A_428, %ne3A_431 : vector<16xi1>
      %ge3A_433 = arith.constant 0 : i32
      %ge3A_434 = vector.broadcast %ge3A_433 : i32 to vector<16xi32>
      %ge3A_435 = arith.cmpi sge, %convert_element_type3A_419, %ge3A_434 : vector<16xi32>
      %lt3A_436 = arith.constant 16 : i32
      %lt3A_437 = vector.broadcast %lt3A_436 : i32 to vector<16xi32>
      %lt3A_438 = arith.cmpi slt, %convert_element_type3A_419, %lt3A_437 : vector<16xi32>
      %and3A_439 = arith.andi %ge3A_435, %lt3A_438 : vector<16xi1>
      %ge3A_440 = arith.constant 0 : i32
      %ge3A_441 = vector.broadcast %ge3A_440 : i32 to vector<16xi32>
      %ge3A_442 = arith.cmpi sge, %convert_element_type3A_420, %ge3A_441 : vector<16xi32>
      %and3A_443 = arith.andi %and3A_439, %ge3A_442 : vector<16xi1>
      %lt3A_444 = arith.constant 16 : i32
      %lt3A_445 = vector.broadcast %lt3A_444 : i32 to vector<16xi32>
      %lt3A_446 = arith.cmpi slt, %convert_element_type3A_420, %lt3A_445 : vector<16xi32>
      %and3A_447 = arith.andi %and3A_443, %lt3A_446 : vector<16xi1>
      %ge3A_448 = arith.constant 0 : i32
      %ge3A_449 = vector.broadcast %ge3A_448 : i32 to vector<16xi32>
      %ge3A_450 = arith.cmpi sge, %convert_element_type3A_421, %ge3A_449 : vector<16xi32>
      %and3A_451 = arith.andi %and3A_447, %ge3A_450 : vector<16xi1>
      %lt3A_452 = arith.constant 10 : i32
      %lt3A_453 = vector.broadcast %lt3A_452 : i32 to vector<16xi32>
      %lt3A_454 = arith.cmpi slt, %convert_element_type3A_421, %lt3A_453 : vector<16xi32>
      %and3A_455 = arith.andi %and3A_451, %lt3A_454 : vector<16xi1>
      %and3A_456 = arith.andi %and3A_455, %or3A_432 : vector<16xi1>
      %mul3A_457 = arith.constant 160 : i32
      %mul3A_458 = vector.broadcast %mul3A_457 : i32 to vector<16xi32>
      %mul3A_459 = arith.muli %convert_element_type3A_419, %mul3A_458 : vector<16xi32>
      %mul3A_460 = arith.constant 10 : i32
      %mul3A_461 = vector.broadcast %mul3A_460 : i32 to vector<16xi32>
      %mul3A_462 = arith.muli %convert_element_type3A_420, %mul3A_461 : vector<16xi32>
      %add3A_463 = arith.addi %mul3A_459, %mul3A_462 : vector<16xi32>
      %add3A_464 = arith.addi %add3A_463, %convert_element_type3A_421 : vector<16xi32>
      %jit3A_465 = arith.constant 2560 : i32
      %broadcast_in_dim3A_466 = vector.broadcast %jit3A_465 : i32 to vector<16xi32>
      %select_n3A_467 = arith.select %and3A_456, %add3A_464, %broadcast_in_dim3A_466 : vector<16xi1>, vector<16xi32>
      %unique3A_468, %unique3A_469 = tpu.scan_count mask(%broadcast_in_dim3A_42 : vector<16xi1>) value(%select_n3A_467 : vector<16xi32>) : vector<16xi1>, vector<16xi32>
      tpu.vector_store_idx %arg6[%select_n3A_467], %unique3A_469 masked %unique3A_468 {add = true} : memref<2688xi32, #tpu.memory_space<vmem>>[vector<16xi32>], vector<16xi32>, vector<16xi1>
    }
    %scan3A_67 = arith.constant 125 : i32
    %add3A_68 = arith.constant 4000 : i32
    %add3A_69 = arith.addi %add3A_35, %add3A_68 : i32
    %dma_start3A_70 = tpu.memref_slice %arg2[%add3A_69] : memref<800000xf32, #tpu.memory_space<hbm>> -> memref<2000xf32, #tpu.memory_space<hbm>>
    %dma_start3A_71 = tpu.memref_slice %arg2[%add3A_69] : memref<800000xf32, #tpu.memory_space<hbm>> -> memref<2000xf32, #tpu.memory_space<hbm>>
    tpu.enqueue_dma source(%dma_start3A_71 : memref<2000xf32, #tpu.memory_space<hbm>>) target(%arg7 : memref<2000xf32, #tpu.memory_space<vmem>>) target_semaphore(%arg13 : memref<!tpu.dma_semaphore, #tpu.memory_space<semaphore_mem>>)
    %dma_start3A_72 = tpu.memref_slice %arg3[%add3A_69] : memref<800000xf32, #tpu.memory_space<hbm>> -> memref<2000xf32, #tpu.memory_space<hbm>>
    %dma_start3A_73 = tpu.memref_slice %arg3[%add3A_69] : memref<800000xf32, #tpu.memory_space<hbm>> -> memref<2000xf32, #tpu.memory_space<hbm>>
    tpu.enqueue_dma source(%dma_start3A_73 : memref<2000xf32, #tpu.memory_space<hbm>>) target(%arg8 : memref<2000xf32, #tpu.memory_space<vmem>>) target_semaphore(%arg13 : memref<!tpu.dma_semaphore, #tpu.memory_space<semaphore_mem>>)
    %dma_start3A_74 = tpu.memref_slice %arg4[%add3A_69] : memref<800000xf32, #tpu.memory_space<hbm>> -> memref<2000xf32, #tpu.memory_space<hbm>>
    %dma_start3A_75 = tpu.memref_slice %arg4[%add3A_69] : memref<800000xf32, #tpu.memory_space<hbm>> -> memref<2000xf32, #tpu.memory_space<hbm>>
    tpu.enqueue_dma source(%dma_start3A_75 : memref<2000xf32, #tpu.memory_space<hbm>>) target(%arg9 : memref<2000xf32, #tpu.memory_space<vmem>>) target_semaphore(%arg13 : memref<!tpu.dma_semaphore, #tpu.memory_space<semaphore_mem>>)
    %dma_wait3A_76 = tpu.memref_slice %arg2[%add3A_51] : memref<800000xf32, #tpu.memory_space<hbm>> -> memref<2000xf32, #tpu.memory_space<hbm>>
    %dma_wait3A_77 = tpu.memref_slice %arg2[%add3A_51] : memref<800000xf32, #tpu.memory_space<hbm>> -> memref<2000xf32, #tpu.memory_space<hbm>>
    tpu.wait_dma2 semaphore(%arg14 : memref<!tpu.dma_semaphore, #tpu.memory_space<semaphore_mem>>) src(%dma_wait3A_77 : memref<2000xf32, #tpu.memory_space<hbm>>) dst(%arg10 : memref<2000xf32, #tpu.memory_space<vmem>>)
    %dma_wait3A_78 = tpu.memref_slice %arg3[%add3A_51] : memref<800000xf32, #tpu.memory_space<hbm>> -> memref<2000xf32, #tpu.memory_space<hbm>>
    %dma_wait3A_79 = tpu.memref_slice %arg3[%add3A_51] : memref<800000xf32, #tpu.memory_space<hbm>> -> memref<2000xf32, #tpu.memory_space<hbm>>
    tpu.wait_dma2 semaphore(%arg14 : memref<!tpu.dma_semaphore, #tpu.memory_space<semaphore_mem>>) src(%dma_wait3A_79 : memref<2000xf32, #tpu.memory_space<hbm>>) dst(%arg11 : memref<2000xf32, #tpu.memory_space<vmem>>)
    %dma_wait3A_80 = tpu.memref_slice %arg4[%add3A_51] : memref<800000xf32, #tpu.memory_space<hbm>> -> memref<2000xf32, #tpu.memory_space<hbm>>
    %dma_wait3A_81 = tpu.memref_slice %arg4[%add3A_51] : memref<800000xf32, #tpu.memory_space<hbm>> -> memref<2000xf32, #tpu.memory_space<hbm>>
    tpu.wait_dma2 semaphore(%arg14 : memref<!tpu.dma_semaphore, #tpu.memory_space<semaphore_mem>>) src(%dma_wait3A_81 : memref<2000xf32, #tpu.memory_space<hbm>>) dst(%arg12 : memref<2000xf32, #tpu.memory_space<vmem>>)
    %scan3A_82 = arith.constant 0 : i32
    %scan3A_83 = arith.constant 125 : i32
    %scan3A_84 = arith.addi %scan3A_82, %scan3A_83 : i32
    %scan3A_85 = arith.constant 1 : i32
    scf.for %scan3A_390 = %scan3A_82 to %scan3A_84 step %scan3A_85  : i32 {
      %mul3A_391 = arith.constant 16 : i32
      %mul3A_392 = arith.muli %scan3A_390, %mul3A_391 : i32
      %add3A_393 = arith.constant 0 : i32
      %add3A_394 = arith.addi %add3A_393, %mul3A_392 : i32
      %get3A_395 = arith.index_cast %add3A_394 : i32 to index
      %get3A_396 = tpu.vector_load %arg10[%get3A_395] {strides = array<i32>} : memref<2000xf32, #tpu.memory_space<vmem>>, vector<16xf32>,
      %get3A_397 = arith.index_cast %add3A_394 : i32 to index
      %get3A_398 = tpu.vector_load %arg11[%get3A_397] {strides = array<i32>} : memref<2000xf32, #tpu.memory_space<vmem>>, vector<16xf32>,
      %get3A_399 = arith.index_cast %add3A_394 : i32 to index
      %get3A_400 = tpu.vector_load %arg12[%get3A_399] {strides = array<i32>} : memref<2000xf32, #tpu.memory_space<vmem>>, vector<16xf32>,
      %sub3A_401 = arith.constant 0.000000e+00 : f32
      %sub3A_402 = vector.broadcast %sub3A_401 : f32 to vector<16xf32>
      %sub3A_403 = arith.subf %get3A_396, %sub3A_402 : vector<16xf32>
      %div3A_404 = arith.constant 4.000000e-01 : f32
      %div3A_405 = vector.broadcast %div3A_404 : f32 to vector<16xf32>
      %div3A_406 = arith.divf %sub3A_403, %div3A_405 : vector<16xf32>
      %sub3A_407 = arith.constant -3.200000e+00 : f32
      %sub3A_408 = vector.broadcast %sub3A_407 : f32 to vector<16xf32>
      %sub3A_409 = arith.subf %get3A_398, %sub3A_408 : vector<16xf32>
      %div3A_410 = arith.constant 4.000000e-01 : f32
      %div3A_411 = vector.broadcast %div3A_410 : f32 to vector<16xf32>
      %div3A_412 = arith.divf %sub3A_409, %div3A_411 : vector<16xf32>
      %sub3A_413 = arith.constant -2.000000e+00 : f32
      %sub3A_414 = vector.broadcast %sub3A_413 : f32 to vector<16xf32>
      %sub3A_415 = arith.subf %get3A_400, %sub3A_414 : vector<16xf32>
      %div3A_416 = arith.constant 4.000000e-01 : f32
      %div3A_417 = vector.broadcast %div3A_416 : f32 to vector<16xf32>
      %div3A_418 = arith.divf %sub3A_415, %div3A_417 : vector<16xf32>
      %convert_element_type3A_419 = arith.fptosi %div3A_406 : vector<16xf32> to vector<16xi32>
      %convert_element_type3A_420 = arith.fptosi %div3A_412 : vector<16xf32> to vector<16xi32>
      %convert_element_type3A_421 = arith.fptosi %div3A_418 : vector<16xf32> to vector<16xi32>
      %ne3A_422 = arith.constant 0.000000e+00 : f32
      %ne3A_423 = vector.broadcast %ne3A_422 : f32 to vector<16xf32>
      %ne3A_424 = arith.cmpf one, %get3A_396, %ne3A_423 : vector<16xf32>
      %ne3A_425 = arith.constant 0.000000e+00 : f32
      %ne3A_426 = vector.broadcast %ne3A_425 : f32 to vector<16xf32>
      %ne3A_427 = arith.cmpf one, %get3A_398, %ne3A_426 : vector<16xf32>
      %or3A_428 = arith.ori %ne3A_424, %ne3A_427 : vector<16xi1>
      %ne3A_429 = arith.constant 0.000000e+00 : f32
      %ne3A_430 = vector.broadcast %ne3A_429 : f32 to vector<16xf32>
      %ne3A_431 = arith.cmpf one, %get3A_400, %ne3A_430 : vector<16xf32>
      %or3A_432 = arith.ori %or3A_428, %ne3A_431 : vector<16xi1>
      %ge3A_433 = arith.constant 0 : i32
      %ge3A_434 = vector.broadcast %ge3A_433 : i32 to vector<16xi32>
      %ge3A_435 = arith.cmpi sge, %convert_element_type3A_419, %ge3A_434 : vector<16xi32>
      %lt3A_436 = arith.constant 16 : i32
      %lt3A_437 = vector.broadcast %lt3A_436 : i32 to vector<16xi32>
      %lt3A_438 = arith.cmpi slt, %convert_element_type3A_419, %lt3A_437 : vector<16xi32>
      %and3A_439 = arith.andi %ge3A_435, %lt3A_438 : vector<16xi1>
      %ge3A_440 = arith.constant 0 : i32
      %ge3A_441 = vector.broadcast %ge3A_440 : i32 to vector<16xi32>
      %ge3A_442 = arith.cmpi sge, %convert_element_type3A_420, %ge3A_441 : vector<16xi32>
      %and3A_443 = arith.andi %and3A_439, %ge3A_442 : vector<16xi1>
      %lt3A_444 = arith.constant 16 : i32
      %lt3A_445 = vector.broadcast %lt3A_444 : i32 to vector<16xi32>
      %lt3A_446 = arith.cmpi slt, %convert_element_type3A_420, %lt3A_445 : vector<16xi32>
      %and3A_447 = arith.andi %and3A_443, %lt3A_446 : vector<16xi1>
      %ge3A_448 = arith.constant 0 : i32
      %ge3A_449 = vector.broadcast %ge3A_448 : i32 to vector<16xi32>
      %ge3A_450 = arith.cmpi sge, %convert_element_type3A_421, %ge3A_449 : vector<16xi32>
      %and3A_451 = arith.andi %and3A_447, %ge3A_450 : vector<16xi1>
      %lt3A_452 = arith.constant 10 : i32
      %lt3A_453 = vector.broadcast %lt3A_452 : i32 to vector<16xi32>
      %lt3A_454 = arith.cmpi slt, %convert_element_type3A_421, %lt3A_453 : vector<16xi32>
      %and3A_455 = arith.andi %and3A_451, %lt3A_454 : vector<16xi1>
      %and3A_456 = arith.andi %and3A_455, %or3A_432 : vector<16xi1>
      %mul3A_457 = arith.constant 160 : i32
      %mul3A_458 = vector.broadcast %mul3A_457 : i32 to vector<16xi32>
      %mul3A_459 = arith.muli %convert_element_type3A_419, %mul3A_458 : vector<16xi32>
      %mul3A_460 = arith.constant 10 : i32
      %mul3A_461 = vector.broadcast %mul3A_460 : i32 to vector<16xi32>
      %mul3A_462 = arith.muli %convert_element_type3A_420, %mul3A_461 : vector<16xi32>
      %add3A_463 = arith.addi %mul3A_459, %mul3A_462 : vector<16xi32>
      %add3A_464 = arith.addi %add3A_463, %convert_element_type3A_421 : vector<16xi32>
      %jit3A_465 = arith.constant 2560 : i32
      %broadcast_in_dim3A_466 = vector.broadcast %jit3A_465 : i32 to vector<16xi32>
      %select_n3A_467 = arith.select %and3A_456, %add3A_464, %broadcast_in_dim3A_466 : vector<16xi1>, vector<16xi32>
      %unique3A_468, %unique3A_469 = tpu.scan_count mask(%broadcast_in_dim3A_42 : vector<16xi1>) value(%select_n3A_467 : vector<16xi32>) : vector<16xi1>, vector<16xi32>
      tpu.vector_store_idx %arg6[%select_n3A_467], %unique3A_469 masked %unique3A_468 {add = true} : memref<2688xi32, #tpu.memory_space<vmem>>[vector<16xi32>], vector<16xi32>, vector<16xi1>
    }
    %scan3A_86 = arith.constant 125 : i32
    %add3A_87 = arith.constant 6000 : i32
    %add3A_88 = arith.addi %add3A_35, %add3A_87 : i32
    %dma_start3A_89 = tpu.memref_slice %arg2[%add3A_88] : memref<800000xf32, #tpu.memory_space<hbm>> -> memref<2000xf32, #tpu.memory_space<hbm>>
    %dma_start3A_90 = tpu.memref_slice %arg2[%add3A_88] : memref<800000xf32, #tpu.memory_space<hbm>> -> memref<2000xf32, #tpu.memory_space<hbm>>
    tpu.enqueue_dma source(%dma_start3A_90 : memref<2000xf32, #tpu.memory_space<hbm>>) target(%arg10 : memref<2000xf32, #tpu.memory_space<vmem>>) target_semaphore(%arg14 : memref<!tpu.dma_semaphore, #tpu.memory_space<semaphore_mem>>)
    %dma_start3A_91 = tpu.memref_slice %arg3[%add3A_88] : memref<800000xf32, #tpu.memory_space<hbm>> -> memref<2000xf32, #tpu.memory_space<hbm>>
    %dma_start3A_92 = tpu.memref_slice %arg3[%add3A_88] : memref<800000xf32, #tpu.memory_space<hbm>> -> memref<2000xf32, #tpu.memory_space<hbm>>
    tpu.enqueue_dma source(%dma_start3A_92 : memref<2000xf32, #tpu.memory_space<hbm>>) target(%arg11 : memref<2000xf32, #tpu.memory_space<vmem>>) target_semaphore(%arg14 : memref<!tpu.dma_semaphore, #tpu.memory_space<semaphore_mem>>)
    %dma_start3A_93 = tpu.memref_slice %arg4[%add3A_88] : memref<800000xf32, #tpu.memory_space<hbm>> -> memref<2000xf32, #tpu.memory_space<hbm>>
    %dma_start3A_94 = tpu.memref_slice %arg4[%add3A_88] : memref<800000xf32, #tpu.memory_space<hbm>> -> memref<2000xf32, #tpu.memory_space<hbm>>
    tpu.enqueue_dma source(%dma_start3A_94 : memref<2000xf32, #tpu.memory_space<hbm>>) target(%arg12 : memref<2000xf32, #tpu.memory_space<vmem>>) target_semaphore(%arg14 : memref<!tpu.dma_semaphore, #tpu.memory_space<semaphore_mem>>)
    %dma_wait3A_95 = tpu.memref_slice %arg2[%add3A_69] : memref<800000xf32, #tpu.memory_space<hbm>> -> memref<2000xf32, #tpu.memory_space<hbm>>
    %dma_wait3A_96 = tpu.memref_slice %arg2[%add3A_69] : memref<800000xf32, #tpu.memory_space<hbm>> -> memref<2000xf32, #tpu.memory_space<hbm>>
    tpu.wait_dma2 semaphore(%arg13 : memref<!tpu.dma_semaphore, #tpu.memory_space<semaphore_mem>>) src(%dma_wait3A_96 : memref<2000xf32, #tpu.memory_space<hbm>>) dst(%arg7 : memref<2000xf32, #tpu.memory_space<vmem>>)
    %dma_wait3A_97 = tpu.memref_slice %arg3[%add3A_69] : memref<800000xf32, #tpu.memory_space<hbm>> -> memref<2000xf32, #tpu.memory_space<hbm>>
    %dma_wait3A_98 = tpu.memref_slice %arg3[%add3A_69] : memref<800000xf32, #tpu.memory_space<hbm>> -> memref<2000xf32, #tpu.memory_space<hbm>>
    tpu.wait_dma2 semaphore(%arg13 : memref<!tpu.dma_semaphore, #tpu.memory_space<semaphore_mem>>) src(%dma_wait3A_98 : memref<2000xf32, #tpu.memory_space<hbm>>) dst(%arg8 : memref<2000xf32, #tpu.memory_space<vmem>>)
    %dma_wait3A_99 = tpu.memref_slice %arg4[%add3A_69] : memref<800000xf32, #tpu.memory_space<hbm>> -> memref<2000xf32, #tpu.memory_space<hbm>>
    %dma_wait3A_100 = tpu.memref_slice %arg4[%add3A_69] : memref<800000xf32, #tpu.memory_space<hbm>> -> memref<2000xf32, #tpu.memory_space<hbm>>
    tpu.wait_dma2 semaphore(%arg13 : memref<!tpu.dma_semaphore, #tpu.memory_space<semaphore_mem>>) src(%dma_wait3A_100 : memref<2000xf32, #tpu.memory_space<hbm>>) dst(%arg9 : memref<2000xf32, #tpu.memory_space<vmem>>)
    %scan3A_101 = arith.constant 0 : i32
    %scan3A_102 = arith.constant 125 : i32
    %scan3A_103 = arith.addi %scan3A_101, %scan3A_102 : i32
    %scan3A_104 = arith.constant 1 : i32
    scf.for %scan3A_390 = %scan3A_101 to %scan3A_103 step %scan3A_104  : i32 {
      %mul3A_391 = arith.constant 16 : i32
      %mul3A_392 = arith.muli %scan3A_390, %mul3A_391 : i32
      %add3A_393 = arith.constant 0 : i32
      %add3A_394 = arith.addi %add3A_393, %mul3A_392 : i32
      %get3A_395 = arith.index_cast %add3A_394 : i32 to index
      %get3A_396 = tpu.vector_load %arg7[%get3A_395] {strides = array<i32>} : memref<2000xf32, #tpu.memory_space<vmem>>, vector<16xf32>,
      %get3A_397 = arith.index_cast %add3A_394 : i32 to index
      %get3A_398 = tpu.vector_load %arg8[%get3A_397] {strides = array<i32>} : memref<2000xf32, #tpu.memory_space<vmem>>, vector<16xf32>,
      %get3A_399 = arith.index_cast %add3A_394 : i32 to index
      %get3A_400 = tpu.vector_load %arg9[%get3A_399] {strides = array<i32>} : memref<2000xf32, #tpu.memory_space<vmem>>, vector<16xf32>,
      %sub3A_401 = arith.constant 0.000000e+00 : f32
      %sub3A_402 = vector.broadcast %sub3A_401 : f32 to vector<16xf32>
      %sub3A_403 = arith.subf %get3A_396, %sub3A_402 : vector<16xf32>
      %div3A_404 = arith.constant 4.000000e-01 : f32
      %div3A_405 = vector.broadcast %div3A_404 : f32 to vector<16xf32>
      %div3A_406 = arith.divf %sub3A_403, %div3A_405 : vector<16xf32>
      %sub3A_407 = arith.constant -3.200000e+00 : f32
      %sub3A_408 = vector.broadcast %sub3A_407 : f32 to vector<16xf32>
      %sub3A_409 = arith.subf %get3A_398, %sub3A_408 : vector<16xf32>
      %div3A_410 = arith.constant 4.000000e-01 : f32
      %div3A_411 = vector.broadcast %div3A_410 : f32 to vector<16xf32>
      %div3A_412 = arith.divf %sub3A_409, %div3A_411 : vector<16xf32>
      %sub3A_413 = arith.constant -2.000000e+00 : f32
      %sub3A_414 = vector.broadcast %sub3A_413 : f32 to vector<16xf32>
      %sub3A_415 = arith.subf %get3A_400, %sub3A_414 : vector<16xf32>
      %div3A_416 = arith.constant 4.000000e-01 : f32
      %div3A_417 = vector.broadcast %div3A_416 : f32 to vector<16xf32>
      %div3A_418 = arith.divf %sub3A_415, %div3A_417 : vector<16xf32>
      %convert_element_type3A_419 = arith.fptosi %div3A_406 : vector<16xf32> to vector<16xi32>
      %convert_element_type3A_420 = arith.fptosi %div3A_412 : vector<16xf32> to vector<16xi32>
      %convert_element_type3A_421 = arith.fptosi %div3A_418 : vector<16xf32> to vector<16xi32>
      %ne3A_422 = arith.constant 0.000000e+00 : f32
      %ne3A_423 = vector.broadcast %ne3A_422 : f32 to vector<16xf32>
      %ne3A_424 = arith.cmpf one, %get3A_396, %ne3A_423 : vector<16xf32>
      %ne3A_425 = arith.constant 0.000000e+00 : f32
      %ne3A_426 = vector.broadcast %ne3A_425 : f32 to vector<16xf32>
      %ne3A_427 = arith.cmpf one, %get3A_398, %ne3A_426 : vector<16xf32>
      %or3A_428 = arith.ori %ne3A_424, %ne3A_427 : vector<16xi1>
      %ne3A_429 = arith.constant 0.000000e+00 : f32
      %ne3A_430 = vector.broadcast %ne3A_429 : f32 to vector<16xf32>
      %ne3A_431 = arith.cmpf one, %get3A_400, %ne3A_430 : vector<16xf32>
      %or3A_432 = arith.ori %or3A_428, %ne3A_431 : vector<16xi1>
      %ge3A_433 = arith.constant 0 : i32
      %ge3A_434 = vector.broadcast %ge3A_433 : i32 to vector<16xi32>
      %ge3A_435 = arith.cmpi sge, %convert_element_type3A_419, %ge3A_434 : vector<16xi32>
      %lt3A_436 = arith.constant 16 : i32
      %lt3A_437 = vector.broadcast %lt3A_436 : i32 to vector<16xi32>
      %lt3A_438 = arith.cmpi slt, %convert_element_type3A_419, %lt3A_437 : vector<16xi32>
      %and3A_439 = arith.andi %ge3A_435, %lt3A_438 : vector<16xi1>
      %ge3A_440 = arith.constant 0 : i32
      %ge3A_441 = vector.broadcast %ge3A_440 : i32 to vector<16xi32>
      %ge3A_442 = arith.cmpi sge, %convert_element_type3A_420, %ge3A_441 : vector<16xi32>
      %and3A_443 = arith.andi %and3A_439, %ge3A_442 : vector<16xi1>
      %lt3A_444 = arith.constant 16 : i32
      %lt3A_445 = vector.broadcast %lt3A_444 : i32 to vector<16xi32>
      %lt3A_446 = arith.cmpi slt, %convert_element_type3A_420, %lt3A_445 : vector<16xi32>
      %and3A_447 = arith.andi %and3A_443, %lt3A_446 : vector<16xi1>
      %ge3A_448 = arith.constant 0 : i32
      %ge3A_449 = vector.broadcast %ge3A_448 : i32 to vector<16xi32>
      %ge3A_450 = arith.cmpi sge, %convert_element_type3A_421, %ge3A_449 : vector<16xi32>
      %and3A_451 = arith.andi %and3A_447, %ge3A_450 : vector<16xi1>
      %lt3A_452 = arith.constant 10 : i32
      %lt3A_453 = vector.broadcast %lt3A_452 : i32 to vector<16xi32>
      %lt3A_454 = arith.cmpi slt, %convert_element_type3A_421, %lt3A_453 : vector<16xi32>
      %and3A_455 = arith.andi %and3A_451, %lt3A_454 : vector<16xi1>
      %and3A_456 = arith.andi %and3A_455, %or3A_432 : vector<16xi1>
      %mul3A_457 = arith.constant 160 : i32
      %mul3A_458 = vector.broadcast %mul3A_457 : i32 to vector<16xi32>
      %mul3A_459 = arith.muli %convert_element_type3A_419, %mul3A_458 : vector<16xi32>
      %mul3A_460 = arith.constant 10 : i32
      %mul3A_461 = vector.broadcast %mul3A_460 : i32 to vector<16xi32>
      %mul3A_462 = arith.muli %convert_element_type3A_420, %mul3A_461 : vector<16xi32>
      %add3A_463 = arith.addi %mul3A_459, %mul3A_462 : vector<16xi32>
      %add3A_464 = arith.addi %add3A_463, %convert_element_type3A_421 : vector<16xi32>
      %jit3A_465 = arith.constant 2560 : i32
      %broadcast_in_dim3A_466 = vector.broadcast %jit3A_465 : i32 to vector<16xi32>
      %select_n3A_467 = arith.select %and3A_456, %add3A_464, %broadcast_in_dim3A_466 : vector<16xi1>, vector<16xi32>
      %unique3A_468, %unique3A_469 = tpu.scan_count mask(%broadcast_in_dim3A_42 : vector<16xi1>) value(%select_n3A_467 : vector<16xi32>) : vector<16xi1>, vector<16xi32>
      tpu.vector_store_idx %arg6[%select_n3A_467], %unique3A_469 masked %unique3A_468 {add = true} : memref<2688xi32, #tpu.memory_space<vmem>>[vector<16xi32>], vector<16xi32>, vector<16xi1>
    }
    %scan3A_105 = arith.constant 125 : i32
    %add3A_106 = arith.constant 8000 : i32
    %add3A_107 = arith.addi %add3A_35, %add3A_106 : i32
    %dma_start3A_108 = tpu.memref_slice %arg2[%add3A_107] : memref<800000xf32, #tpu.memory_space<hbm>> -> memref<2000xf32, #tpu.memory_space<hbm>>
    %dma_start3A_109 = tpu.memref_slice %arg2[%add3A_107] : memref<800000xf32, #tpu.memory_space<hbm>> -> memref<2000xf32, #tpu.memory_space<hbm>>
    tpu.enqueue_dma source(%dma_start3A_109 : memref<2000xf32, #tpu.memory_space<hbm>>) target(%arg7 : memref<2000xf32, #tpu.memory_space<vmem>>) target_semaphore(%arg13 : memref<!tpu.dma_semaphore, #tpu.memory_space<semaphore_mem>>)
    %dma_start3A_110 = tpu.memref_slice %arg3[%add3A_107] : memref<800000xf32, #tpu.memory_space<hbm>> -> memref<2000xf32, #tpu.memory_space<hbm>>
    %dma_start3A_111 = tpu.memref_slice %arg3[%add3A_107] : memref<800000xf32, #tpu.memory_space<hbm>> -> memref<2000xf32, #tpu.memory_space<hbm>>
    tpu.enqueue_dma source(%dma_start3A_111 : memref<2000xf32, #tpu.memory_space<hbm>>) target(%arg8 : memref<2000xf32, #tpu.memory_space<vmem>>) target_semaphore(%arg13 : memref<!tpu.dma_semaphore, #tpu.memory_space<semaphore_mem>>)
    %dma_start3A_112 = tpu.memref_slice %arg4[%add3A_107] : memref<800000xf32, #tpu.memory_space<hbm>> -> memref<2000xf32, #tpu.memory_space<hbm>>
    %dma_start3A_113 = tpu.memref_slice %arg4[%add3A_107] : memref<800000xf32, #tpu.memory_space<hbm>> -> memref<2000xf32, #tpu.memory_space<hbm>>
    tpu.enqueue_dma source(%dma_start3A_113 : memref<2000xf32, #tpu.memory_space<hbm>>) target(%arg9 : memref<2000xf32, #tpu.memory_space<vmem>>) target_semaphore(%arg13 : memref<!tpu.dma_semaphore, #tpu.memory_space<semaphore_mem>>)
    %dma_wait3A_114 = tpu.memref_slice %arg2[%add3A_88] : memref<800000xf32, #tpu.memory_space<hbm>> -> memref<2000xf32, #tpu.memory_space<hbm>>
    %dma_wait3A_115 = tpu.memref_slice %arg2[%add3A_88] : memref<800000xf32, #tpu.memory_space<hbm>> -> memref<2000xf32, #tpu.memory_space<hbm>>
    tpu.wait_dma2 semaphore(%arg14 : memref<!tpu.dma_semaphore, #tpu.memory_space<semaphore_mem>>) src(%dma_wait3A_115 : memref<2000xf32, #tpu.memory_space<hbm>>) dst(%arg10 : memref<2000xf32, #tpu.memory_space<vmem>>)
    %dma_wait3A_116 = tpu.memref_slice %arg3[%add3A_88] : memref<800000xf32, #tpu.memory_space<hbm>> -> memref<2000xf32, #tpu.memory_space<hbm>>
    %dma_wait3A_117 = tpu.memref_slice %arg3[%add3A_88] : memref<800000xf32, #tpu.memory_space<hbm>> -> memref<2000xf32, #tpu.memory_space<hbm>>
    tpu.wait_dma2 semaphore(%arg14 : memref<!tpu.dma_semaphore, #tpu.memory_space<semaphore_mem>>) src(%dma_wait3A_117 : memref<2000xf32, #tpu.memory_space<hbm>>) dst(%arg11 : memref<2000xf32, #tpu.memory_space<vmem>>)
    %dma_wait3A_118 = tpu.memref_slice %arg4[%add3A_88] : memref<800000xf32, #tpu.memory_space<hbm>> -> memref<2000xf32, #tpu.memory_space<hbm>>
    %dma_wait3A_119 = tpu.memref_slice %arg4[%add3A_88] : memref<800000xf32, #tpu.memory_space<hbm>> -> memref<2000xf32, #tpu.memory_space<hbm>>
    tpu.wait_dma2 semaphore(%arg14 : memref<!tpu.dma_semaphore, #tpu.memory_space<semaphore_mem>>) src(%dma_wait3A_119 : memref<2000xf32, #tpu.memory_space<hbm>>) dst(%arg12 : memref<2000xf32, #tpu.memory_space<vmem>>)
    %scan3A_120 = arith.constant 0 : i32
    %scan3A_121 = arith.constant 125 : i32
    %scan3A_122 = arith.addi %scan3A_120, %scan3A_121 : i32
    %scan3A_123 = arith.constant 1 : i32
    scf.for %scan3A_390 = %scan3A_120 to %scan3A_122 step %scan3A_123  : i32 {
      %mul3A_391 = arith.constant 16 : i32
      %mul3A_392 = arith.muli %scan3A_390, %mul3A_391 : i32
      %add3A_393 = arith.constant 0 : i32
      %add3A_394 = arith.addi %add3A_393, %mul3A_392 : i32
      %get3A_395 = arith.index_cast %add3A_394 : i32 to index
      %get3A_396 = tpu.vector_load %arg10[%get3A_395] {strides = array<i32>} : memref<2000xf32, #tpu.memory_space<vmem>>, vector<16xf32>,
      %get3A_397 = arith.index_cast %add3A_394 : i32 to index
      %get3A_398 = tpu.vector_load %arg11[%get3A_397] {strides = array<i32>} : memref<2000xf32, #tpu.memory_space<vmem>>, vector<16xf32>,
      %get3A_399 = arith.index_cast %add3A_394 : i32 to index
      %get3A_400 = tpu.vector_load %arg12[%get3A_399] {strides = array<i32>} : memref<2000xf32, #tpu.memory_space<vmem>>, vector<16xf32>,
      %sub3A_401 = arith.constant 0.000000e+00 : f32
      %sub3A_402 = vector.broadcast %sub3A_401 : f32 to vector<16xf32>
      %sub3A_403 = arith.subf %get3A_396, %sub3A_402 : vector<16xf32>
      %div3A_404 = arith.constant 4.000000e-01 : f32
      %div3A_405 = vector.broadcast %div3A_404 : f32 to vector<16xf32>
      %div3A_406 = arith.divf %sub3A_403, %div3A_405 : vector<16xf32>
      %sub3A_407 = arith.constant -3.200000e+00 : f32
      %sub3A_408 = vector.broadcast %sub3A_407 : f32 to vector<16xf32>
      %sub3A_409 = arith.subf %get3A_398, %sub3A_408 : vector<16xf32>
      %div3A_410 = arith.constant 4.000000e-01 : f32
      %div3A_411 = vector.broadcast %div3A_410 : f32 to vector<16xf32>
      %div3A_412 = arith.divf %sub3A_409, %div3A_411 : vector<16xf32>
      %sub3A_413 = arith.constant -2.000000e+00 : f32
      %sub3A_414 = vector.broadcast %sub3A_413 : f32 to vector<16xf32>
      %sub3A_415 = arith.subf %get3A_400, %sub3A_414 : vector<16xf32>
      %div3A_416 = arith.constant 4.000000e-01 : f32
      %div3A_417 = vector.broadcast %div3A_416 : f32 to vector<16xf32>
      %div3A_418 = arith.divf %sub3A_415, %div3A_417 : vector<16xf32>
      %convert_element_type3A_419 = arith.fptosi %div3A_406 : vector<16xf32> to vector<16xi32>
      %convert_element_type3A_420 = arith.fptosi %div3A_412 : vector<16xf32> to vector<16xi32>
      %convert_element_type3A_421 = arith.fptosi %div3A_418 : vector<16xf32> to vector<16xi32>
      %ne3A_422 = arith.constant 0.000000e+00 : f32
      %ne3A_423 = vector.broadcast %ne3A_422 : f32 to vector<16xf32>
      %ne3A_424 = arith.cmpf one, %get3A_396, %ne3A_423 : vector<16xf32>
      %ne3A_425 = arith.constant 0.000000e+00 : f32
      %ne3A_426 = vector.broadcast %ne3A_425 : f32 to vector<16xf32>
      %ne3A_427 = arith.cmpf one, %get3A_398, %ne3A_426 : vector<16xf32>
      %or3A_428 = arith.ori %ne3A_424, %ne3A_427 : vector<16xi1>
      %ne3A_429 = arith.constant 0.000000e+00 : f32
      %ne3A_430 = vector.broadcast %ne3A_429 : f32 to vector<16xf32>
      %ne3A_431 = arith.cmpf one, %get3A_400, %ne3A_430 : vector<16xf32>
      %or3A_432 = arith.ori %or3A_428, %ne3A_431 : vector<16xi1>
      %ge3A_433 = arith.constant 0 : i32
      %ge3A_434 = vector.broadcast %ge3A_433 : i32 to vector<16xi32>
      %ge3A_435 = arith.cmpi sge, %convert_element_type3A_419, %ge3A_434 : vector<16xi32>
      %lt3A_436 = arith.constant 16 : i32
      %lt3A_437 = vector.broadcast %lt3A_436 : i32 to vector<16xi32>
      %lt3A_438 = arith.cmpi slt, %convert_element_type3A_419, %lt3A_437 : vector<16xi32>
      %and3A_439 = arith.andi %ge3A_435, %lt3A_438 : vector<16xi1>
      %ge3A_440 = arith.constant 0 : i32
      %ge3A_441 = vector.broadcast %ge3A_440 : i32 to vector<16xi32>
      %ge3A_442 = arith.cmpi sge, %convert_element_type3A_420, %ge3A_441 : vector<16xi32>
      %and3A_443 = arith.andi %and3A_439, %ge3A_442 : vector<16xi1>
      %lt3A_444 = arith.constant 16 : i32
      %lt3A_445 = vector.broadcast %lt3A_444 : i32 to vector<16xi32>
      %lt3A_446 = arith.cmpi slt, %convert_element_type3A_420, %lt3A_445 : vector<16xi32>
      %and3A_447 = arith.andi %and3A_443, %lt3A_446 : vector<16xi1>
      %ge3A_448 = arith.constant 0 : i32
      %ge3A_449 = vector.broadcast %ge3A_448 : i32 to vector<16xi32>
      %ge3A_450 = arith.cmpi sge, %convert_element_type3A_421, %ge3A_449 : vector<16xi32>
      %and3A_451 = arith.andi %and3A_447, %ge3A_450 : vector<16xi1>
      %lt3A_452 = arith.constant 10 : i32
      %lt3A_453 = vector.broadcast %lt3A_452 : i32 to vector<16xi32>
      %lt3A_454 = arith.cmpi slt, %convert_element_type3A_421, %lt3A_453 : vector<16xi32>
      %and3A_455 = arith.andi %and3A_451, %lt3A_454 : vector<16xi1>
      %and3A_456 = arith.andi %and3A_455, %or3A_432 : vector<16xi1>
      %mul3A_457 = arith.constant 160 : i32
      %mul3A_458 = vector.broadcast %mul3A_457 : i32 to vector<16xi32>
      %mul3A_459 = arith.muli %convert_element_type3A_419, %mul3A_458 : vector<16xi32>
      %mul3A_460 = arith.constant 10 : i32
      %mul3A_461 = vector.broadcast %mul3A_460 : i32 to vector<16xi32>
      %mul3A_462 = arith.muli %convert_element_type3A_420, %mul3A_461 : vector<16xi32>
      %add3A_463 = arith.addi %mul3A_459, %mul3A_462 : vector<16xi32>
      %add3A_464 = arith.addi %add3A_463, %convert_element_type3A_421 : vector<16xi32>
      %jit3A_465 = arith.constant 2560 : i32
      %broadcast_in_dim3A_466 = vector.broadcast %jit3A_465 : i32 to vector<16xi32>
      %select_n3A_467 = arith.select %and3A_456, %add3A_464, %broadcast_in_dim3A_466 : vector<16xi1>, vector<16xi32>
      %unique3A_468, %unique3A_469 = tpu.scan_count mask(%broadcast_in_dim3A_42 : vector<16xi1>) value(%select_n3A_467 : vector<16xi32>) : vector<16xi1>, vector<16xi32>
      tpu.vector_store_idx %arg6[%select_n3A_467], %unique3A_469 masked %unique3A_468 {add = true} : memref<2688xi32, #tpu.memory_space<vmem>>[vector<16xi32>], vector<16xi32>, vector<16xi1>
    }
    %scan3A_124 = arith.constant 125 : i32
    %add3A_125 = arith.constant 10000 : i32
    %add3A_126 = arith.addi %add3A_35, %add3A_125 : i32
    %dma_start3A_127 = tpu.memref_slice %arg2[%add3A_126] : memref<800000xf32, #tpu.memory_space<hbm>> -> memref<2000xf32, #tpu.memory_space<hbm>>
    %dma_start3A_128 = tpu.memref_slice %arg2[%add3A_126] : memref<800000xf32, #tpu.memory_space<hbm>> -> memref<2000xf32, #tpu.memory_space<hbm>>
    tpu.enqueue_dma source(%dma_start3A_128 : memref<2000xf32, #tpu.memory_space<hbm>>) target(%arg10 : memref<2000xf32, #tpu.memory_space<vmem>>) target_semaphore(%arg14 : memref<!tpu.dma_semaphore, #tpu.memory_space<semaphore_mem>>)
    %dma_start3A_129 = tpu.memref_slice %arg3[%add3A_126] : memref<800000xf32, #tpu.memory_space<hbm>> -> memref<2000xf32, #tpu.memory_space<hbm>>
    %dma_start3A_130 = tpu.memref_slice %arg3[%add3A_126] : memref<800000xf32, #tpu.memory_space<hbm>> -> memref<2000xf32, #tpu.memory_space<hbm>>
    tpu.enqueue_dma source(%dma_start3A_130 : memref<2000xf32, #tpu.memory_space<hbm>>) target(%arg11 : memref<2000xf32, #tpu.memory_space<vmem>>) target_semaphore(%arg14 : memref<!tpu.dma_semaphore, #tpu.memory_space<semaphore_mem>>)
    %dma_start3A_131 = tpu.memref_slice %arg4[%add3A_126] : memref<800000xf32, #tpu.memory_space<hbm>> -> memref<2000xf32, #tpu.memory_space<hbm>>
    %dma_start3A_132 = tpu.memref_slice %arg4[%add3A_126] : memref<800000xf32, #tpu.memory_space<hbm>> -> memref<2000xf32, #tpu.memory_space<hbm>>
    tpu.enqueue_dma source(%dma_start3A_132 : memref<2000xf32, #tpu.memory_space<hbm>>) target(%arg12 : memref<2000xf32, #tpu.memory_space<vmem>>) target_semaphore(%arg14 : memref<!tpu.dma_semaphore, #tpu.memory_space<semaphore_mem>>)
    %dma_wait3A_133 = tpu.memref_slice %arg2[%add3A_107] : memref<800000xf32, #tpu.memory_space<hbm>> -> memref<2000xf32, #tpu.memory_space<hbm>>
    %dma_wait3A_134 = tpu.memref_slice %arg2[%add3A_107] : memref<800000xf32, #tpu.memory_space<hbm>> -> memref<2000xf32, #tpu.memory_space<hbm>>
    tpu.wait_dma2 semaphore(%arg13 : memref<!tpu.dma_semaphore, #tpu.memory_space<semaphore_mem>>) src(%dma_wait3A_134 : memref<2000xf32, #tpu.memory_space<hbm>>) dst(%arg7 : memref<2000xf32, #tpu.memory_space<vmem>>)
    %dma_wait3A_135 = tpu.memref_slice %arg3[%add3A_107] : memref<800000xf32, #tpu.memory_space<hbm>> -> memref<2000xf32, #tpu.memory_space<hbm>>
    %dma_wait3A_136 = tpu.memref_slice %arg3[%add3A_107] : memref<800000xf32, #tpu.memory_space<hbm>> -> memref<2000xf32, #tpu.memory_space<hbm>>
    tpu.wait_dma2 semaphore(%arg13 : memref<!tpu.dma_semaphore, #tpu.memory_space<semaphore_mem>>) src(%dma_wait3A_136 : memref<2000xf32, #tpu.memory_space<hbm>>) dst(%arg8 : memref<2000xf32, #tpu.memory_space<vmem>>)
    %dma_wait3A_137 = tpu.memref_slice %arg4[%add3A_107] : memref<800000xf32, #tpu.memory_space<hbm>> -> memref<2000xf32, #tpu.memory_space<hbm>>
    %dma_wait3A_138 = tpu.memref_slice %arg4[%add3A_107] : memref<800000xf32, #tpu.memory_space<hbm>> -> memref<2000xf32, #tpu.memory_space<hbm>>
    tpu.wait_dma2 semaphore(%arg13 : memref<!tpu.dma_semaphore, #tpu.memory_space<semaphore_mem>>) src(%dma_wait3A_138 : memref<2000xf32, #tpu.memory_space<hbm>>) dst(%arg9 : memref<2000xf32, #tpu.memory_space<vmem>>)
    %scan3A_139 = arith.constant 0 : i32
    %scan3A_140 = arith.constant 125 : i32
    %scan3A_141 = arith.addi %scan3A_139, %scan3A_140 : i32
    %scan3A_142 = arith.constant 1 : i32
    scf.for %scan3A_390 = %scan3A_139 to %scan3A_141 step %scan3A_142  : i32 {
      %mul3A_391 = arith.constant 16 : i32
      %mul3A_392 = arith.muli %scan3A_390, %mul3A_391 : i32
      %add3A_393 = arith.constant 0 : i32
      %add3A_394 = arith.addi %add3A_393, %mul3A_392 : i32
      %get3A_395 = arith.index_cast %add3A_394 : i32 to index
      %get3A_396 = tpu.vector_load %arg7[%get3A_395] {strides = array<i32>} : memref<2000xf32, #tpu.memory_space<vmem>>, vector<16xf32>,
      %get3A_397 = arith.index_cast %add3A_394 : i32 to index
      %get3A_398 = tpu.vector_load %arg8[%get3A_397] {strides = array<i32>} : memref<2000xf32, #tpu.memory_space<vmem>>, vector<16xf32>,
      %get3A_399 = arith.index_cast %add3A_394 : i32 to index
      %get3A_400 = tpu.vector_load %arg9[%get3A_399] {strides = array<i32>} : memref<2000xf32, #tpu.memory_space<vmem>>, vector<16xf32>,
      %sub3A_401 = arith.constant 0.000000e+00 : f32
      %sub3A_402 = vector.broadcast %sub3A_401 : f32 to vector<16xf32>
      %sub3A_403 = arith.subf %get3A_396, %sub3A_402 : vector<16xf32>
      %div3A_404 = arith.constant 4.000000e-01 : f32
      %div3A_405 = vector.broadcast %div3A_404 : f32 to vector<16xf32>
      %div3A_406 = arith.divf %sub3A_403, %div3A_405 : vector<16xf32>
      %sub3A_407 = arith.constant -3.200000e+00 : f32
      %sub3A_408 = vector.broadcast %sub3A_407 : f32 to vector<16xf32>
      %sub3A_409 = arith.subf %get3A_398, %sub3A_408 : vector<16xf32>
      %div3A_410 = arith.constant 4.000000e-01 : f32
      %div3A_411 = vector.broadcast %div3A_410 : f32 to vector<16xf32>
      %div3A_412 = arith.divf %sub3A_409, %div3A_411 : vector<16xf32>
      %sub3A_413 = arith.constant -2.000000e+00 : f32
      %sub3A_414 = vector.broadcast %sub3A_413 : f32 to vector<16xf32>
      %sub3A_415 = arith.subf %get3A_400, %sub3A_414 : vector<16xf32>
      %div3A_416 = arith.constant 4.000000e-01 : f32
      %div3A_417 = vector.broadcast %div3A_416 : f32 to vector<16xf32>
      %div3A_418 = arith.divf %sub3A_415, %div3A_417 : vector<16xf32>
      %convert_element_type3A_419 = arith.fptosi %div3A_406 : vector<16xf32> to vector<16xi32>
      %convert_element_type3A_420 = arith.fptosi %div3A_412 : vector<16xf32> to vector<16xi32>
      %convert_element_type3A_421 = arith.fptosi %div3A_418 : vector<16xf32> to vector<16xi32>
      %ne3A_422 = arith.constant 0.000000e+00 : f32
      %ne3A_423 = vector.broadcast %ne3A_422 : f32 to vector<16xf32>
      %ne3A_424 = arith.cmpf one, %get3A_396, %ne3A_423 : vector<16xf32>
      %ne3A_425 = arith.constant 0.000000e+00 : f32
      %ne3A_426 = vector.broadcast %ne3A_425 : f32 to vector<16xf32>
      %ne3A_427 = arith.cmpf one, %get3A_398, %ne3A_426 : vector<16xf32>
      %or3A_428 = arith.ori %ne3A_424, %ne3A_427 : vector<16xi1>
      %ne3A_429 = arith.constant 0.000000e+00 : f32
      %ne3A_430 = vector.broadcast %ne3A_429 : f32 to vector<16xf32>
      %ne3A_431 = arith.cmpf one, %get3A_400, %ne3A_430 : vector<16xf32>
      %or3A_432 = arith.ori %or3A_428, %ne3A_431 : vector<16xi1>
      %ge3A_433 = arith.constant 0 : i32
      %ge3A_434 = vector.broadcast %ge3A_433 : i32 to vector<16xi32>
      %ge3A_435 = arith.cmpi sge, %convert_element_type3A_419, %ge3A_434 : vector<16xi32>
      %lt3A_436 = arith.constant 16 : i32
      %lt3A_437 = vector.broadcast %lt3A_436 : i32 to vector<16xi32>
      %lt3A_438 = arith.cmpi slt, %convert_element_type3A_419, %lt3A_437 : vector<16xi32>
      %and3A_439 = arith.andi %ge3A_435, %lt3A_438 : vector<16xi1>
      %ge3A_440 = arith.constant 0 : i32
      %ge3A_441 = vector.broadcast %ge3A_440 : i32 to vector<16xi32>
      %ge3A_442 = arith.cmpi sge, %convert_element_type3A_420, %ge3A_441 : vector<16xi32>
      %and3A_443 = arith.andi %and3A_439, %ge3A_442 : vector<16xi1>
      %lt3A_444 = arith.constant 16 : i32
      %lt3A_445 = vector.broadcast %lt3A_444 : i32 to vector<16xi32>
      %lt3A_446 = arith.cmpi slt, %convert_element_type3A_420, %lt3A_445 : vector<16xi32>
      %and3A_447 = arith.andi %and3A_443, %lt3A_446 : vector<16xi1>
      %ge3A_448 = arith.constant 0 : i32
      %ge3A_449 = vector.broadcast %ge3A_448 : i32 to vector<16xi32>
      %ge3A_450 = arith.cmpi sge, %convert_element_type3A_421, %ge3A_449 : vector<16xi32>
      %and3A_451 = arith.andi %and3A_447, %ge3A_450 : vector<16xi1>
      %lt3A_452 = arith.constant 10 : i32
      %lt3A_453 = vector.broadcast %lt3A_452 : i32 to vector<16xi32>
      %lt3A_454 = arith.cmpi slt, %convert_element_type3A_421, %lt3A_453 : vector<16xi32>
      %and3A_455 = arith.andi %and3A_451, %lt3A_454 : vector<16xi1>
      %and3A_456 = arith.andi %and3A_455, %or3A_432 : vector<16xi1>
      %mul3A_457 = arith.constant 160 : i32
      %mul3A_458 = vector.broadcast %mul3A_457 : i32 to vector<16xi32>
      %mul3A_459 = arith.muli %convert_element_type3A_419, %mul3A_458 : vector<16xi32>
      %mul3A_460 = arith.constant 10 : i32
      %mul3A_461 = vector.broadcast %mul3A_460 : i32 to vector<16xi32>
      %mul3A_462 = arith.muli %convert_element_type3A_420, %mul3A_461 : vector<16xi32>
      %add3A_463 = arith.addi %mul3A_459, %mul3A_462 : vector<16xi32>
      %add3A_464 = arith.addi %add3A_463, %convert_element_type3A_421 : vector<16xi32>
      %jit3A_465 = arith.constant 2560 : i32
      %broadcast_in_dim3A_466 = vector.broadcast %jit3A_465 : i32 to vector<16xi32>
      %select_n3A_467 = arith.select %and3A_456, %add3A_464, %broadcast_in_dim3A_466 : vector<16xi1>, vector<16xi32>
      %unique3A_468, %unique3A_469 = tpu.scan_count mask(%broadcast_in_dim3A_42 : vector<16xi1>) value(%select_n3A_467 : vector<16xi32>) : vector<16xi1>, vector<16xi32>
      tpu.vector_store_idx %arg6[%select_n3A_467], %unique3A_469 masked %unique3A_468 {add = true} : memref<2688xi32, #tpu.memory_space<vmem>>[vector<16xi32>], vector<16xi32>, vector<16xi1>
    }
    %scan3A_143 = arith.constant 125 : i32
    %add3A_144 = arith.constant 12000 : i32
    %add3A_145 = arith.addi %add3A_35, %add3A_144 : i32
    %dma_start3A_146 = tpu.memref_slice %arg2[%add3A_145] : memref<800000xf32, #tpu.memory_space<hbm>> -> memref<2000xf32, #tpu.memory_space<hbm>>
    %dma_start3A_147 = tpu.memref_slice %arg2[%add3A_145] : memref<800000xf32, #tpu.memory_space<hbm>> -> memref<2000xf32, #tpu.memory_space<hbm>>
    tpu.enqueue_dma source(%dma_start3A_147 : memref<2000xf32, #tpu.memory_space<hbm>>) target(%arg7 : memref<2000xf32, #tpu.memory_space<vmem>>) target_semaphore(%arg13 : memref<!tpu.dma_semaphore, #tpu.memory_space<semaphore_mem>>)
    %dma_start3A_148 = tpu.memref_slice %arg3[%add3A_145] : memref<800000xf32, #tpu.memory_space<hbm>> -> memref<2000xf32, #tpu.memory_space<hbm>>
    %dma_start3A_149 = tpu.memref_slice %arg3[%add3A_145] : memref<800000xf32, #tpu.memory_space<hbm>> -> memref<2000xf32, #tpu.memory_space<hbm>>
    tpu.enqueue_dma source(%dma_start3A_149 : memref<2000xf32, #tpu.memory_space<hbm>>) target(%arg8 : memref<2000xf32, #tpu.memory_space<vmem>>) target_semaphore(%arg13 : memref<!tpu.dma_semaphore, #tpu.memory_space<semaphore_mem>>)
    %dma_start3A_150 = tpu.memref_slice %arg4[%add3A_145] : memref<800000xf32, #tpu.memory_space<hbm>> -> memref<2000xf32, #tpu.memory_space<hbm>>
    %dma_start3A_151 = tpu.memref_slice %arg4[%add3A_145] : memref<800000xf32, #tpu.memory_space<hbm>> -> memref<2000xf32, #tpu.memory_space<hbm>>
    tpu.enqueue_dma source(%dma_start3A_151 : memref<2000xf32, #tpu.memory_space<hbm>>) target(%arg9 : memref<2000xf32, #tpu.memory_space<vmem>>) target_semaphore(%arg13 : memref<!tpu.dma_semaphore, #tpu.memory_space<semaphore_mem>>)
    %dma_wait3A_152 = tpu.memref_slice %arg2[%add3A_126] : memref<800000xf32, #tpu.memory_space<hbm>> -> memref<2000xf32, #tpu.memory_space<hbm>>
    %dma_wait3A_153 = tpu.memref_slice %arg2[%add3A_126] : memref<800000xf32, #tpu.memory_space<hbm>> -> memref<2000xf32, #tpu.memory_space<hbm>>
    tpu.wait_dma2 semaphore(%arg14 : memref<!tpu.dma_semaphore, #tpu.memory_space<semaphore_mem>>) src(%dma_wait3A_153 : memref<2000xf32, #tpu.memory_space<hbm>>) dst(%arg10 : memref<2000xf32, #tpu.memory_space<vmem>>)
    %dma_wait3A_154 = tpu.memref_slice %arg3[%add3A_126] : memref<800000xf32, #tpu.memory_space<hbm>> -> memref<2000xf32, #tpu.memory_space<hbm>>
    %dma_wait3A_155 = tpu.memref_slice %arg3[%add3A_126] : memref<800000xf32, #tpu.memory_space<hbm>> -> memref<2000xf32, #tpu.memory_space<hbm>>
    tpu.wait_dma2 semaphore(%arg14 : memref<!tpu.dma_semaphore, #tpu.memory_space<semaphore_mem>>) src(%dma_wait3A_155 : memref<2000xf32, #tpu.memory_space<hbm>>) dst(%arg11 : memref<2000xf32, #tpu.memory_space<vmem>>)
    %dma_wait3A_156 = tpu.memref_slice %arg4[%add3A_126] : memref<800000xf32, #tpu.memory_space<hbm>> -> memref<2000xf32, #tpu.memory_space<hbm>>
    %dma_wait3A_157 = tpu.memref_slice %arg4[%add3A_126] : memref<800000xf32, #tpu.memory_space<hbm>> -> memref<2000xf32, #tpu.memory_space<hbm>>
    tpu.wait_dma2 semaphore(%arg14 : memref<!tpu.dma_semaphore, #tpu.memory_space<semaphore_mem>>) src(%dma_wait3A_157 : memref<2000xf32, #tpu.memory_space<hbm>>) dst(%arg12 : memref<2000xf32, #tpu.memory_space<vmem>>)
    %scan3A_158 = arith.constant 0 : i32
    %scan3A_159 = arith.constant 125 : i32
    %scan3A_160 = arith.addi %scan3A_158, %scan3A_159 : i32
    %scan3A_161 = arith.constant 1 : i32
    scf.for %scan3A_390 = %scan3A_158 to %scan3A_160 step %scan3A_161  : i32 {
      %mul3A_391 = arith.constant 16 : i32
      %mul3A_392 = arith.muli %scan3A_390, %mul3A_391 : i32
      %add3A_393 = arith.constant 0 : i32
      %add3A_394 = arith.addi %add3A_393, %mul3A_392 : i32
      %get3A_395 = arith.index_cast %add3A_394 : i32 to index
      %get3A_396 = tpu.vector_load %arg10[%get3A_395] {strides = array<i32>} : memref<2000xf32, #tpu.memory_space<vmem>>, vector<16xf32>,
      %get3A_397 = arith.index_cast %add3A_394 : i32 to index
      %get3A_398 = tpu.vector_load %arg11[%get3A_397] {strides = array<i32>} : memref<2000xf32, #tpu.memory_space<vmem>>, vector<16xf32>,
      %get3A_399 = arith.index_cast %add3A_394 : i32 to index
      %get3A_400 = tpu.vector_load %arg12[%get3A_399] {strides = array<i32>} : memref<2000xf32, #tpu.memory_space<vmem>>, vector<16xf32>,
      %sub3A_401 = arith.constant 0.000000e+00 : f32
      %sub3A_402 = vector.broadcast %sub3A_401 : f32 to vector<16xf32>
      %sub3A_403 = arith.subf %get3A_396, %sub3A_402 : vector<16xf32>
      %div3A_404 = arith.constant 4.000000e-01 : f32
      %div3A_405 = vector.broadcast %div3A_404 : f32 to vector<16xf32>
      %div3A_406 = arith.divf %sub3A_403, %div3A_405 : vector<16xf32>
      %sub3A_407 = arith.constant -3.200000e+00 : f32
      %sub3A_408 = vector.broadcast %sub3A_407 : f32 to vector<16xf32>
      %sub3A_409 = arith.subf %get3A_398, %sub3A_408 : vector<16xf32>
      %div3A_410 = arith.constant 4.000000e-01 : f32
      %div3A_411 = vector.broadcast %div3A_410 : f32 to vector<16xf32>
      %div3A_412 = arith.divf %sub3A_409, %div3A_411 : vector<16xf32>
      %sub3A_413 = arith.constant -2.000000e+00 : f32
      %sub3A_414 = vector.broadcast %sub3A_413 : f32 to vector<16xf32>
      %sub3A_415 = arith.subf %get3A_400, %sub3A_414 : vector<16xf32>
      %div3A_416 = arith.constant 4.000000e-01 : f32
      %div3A_417 = vector.broadcast %div3A_416 : f32 to vector<16xf32>
      %div3A_418 = arith.divf %sub3A_415, %div3A_417 : vector<16xf32>
      %convert_element_type3A_419 = arith.fptosi %div3A_406 : vector<16xf32> to vector<16xi32>
      %convert_element_type3A_420 = arith.fptosi %div3A_412 : vector<16xf32> to vector<16xi32>
      %convert_element_type3A_421 = arith.fptosi %div3A_418 : vector<16xf32> to vector<16xi32>
      %ne3A_422 = arith.constant 0.000000e+00 : f32
      %ne3A_423 = vector.broadcast %ne3A_422 : f32 to vector<16xf32>
      %ne3A_424 = arith.cmpf one, %get3A_396, %ne3A_423 : vector<16xf32>
      %ne3A_425 = arith.constant 0.000000e+00 : f32
      %ne3A_426 = vector.broadcast %ne3A_425 : f32 to vector<16xf32>
      %ne3A_427 = arith.cmpf one, %get3A_398, %ne3A_426 : vector<16xf32>
      %or3A_428 = arith.ori %ne3A_424, %ne3A_427 : vector<16xi1>
      %ne3A_429 = arith.constant 0.000000e+00 : f32
      %ne3A_430 = vector.broadcast %ne3A_429 : f32 to vector<16xf32>
      %ne3A_431 = arith.cmpf one, %get3A_400, %ne3A_430 : vector<16xf32>
      %or3A_432 = arith.ori %or3A_428, %ne3A_431 : vector<16xi1>
      %ge3A_433 = arith.constant 0 : i32
      %ge3A_434 = vector.broadcast %ge3A_433 : i32 to vector<16xi32>
      %ge3A_435 = arith.cmpi sge, %convert_element_type3A_419, %ge3A_434 : vector<16xi32>
      %lt3A_436 = arith.constant 16 : i32
      %lt3A_437 = vector.broadcast %lt3A_436 : i32 to vector<16xi32>
      %lt3A_438 = arith.cmpi slt, %convert_element_type3A_419, %lt3A_437 : vector<16xi32>
      %and3A_439 = arith.andi %ge3A_435, %lt3A_438 : vector<16xi1>
      %ge3A_440 = arith.constant 0 : i32
      %ge3A_441 = vector.broadcast %ge3A_440 : i32 to vector<16xi32>
      %ge3A_442 = arith.cmpi sge, %convert_element_type3A_420, %ge3A_441 : vector<16xi32>
      %and3A_443 = arith.andi %and3A_439, %ge3A_442 : vector<16xi1>
      %lt3A_444 = arith.constant 16 : i32
      %lt3A_445 = vector.broadcast %lt3A_444 : i32 to vector<16xi32>
      %lt3A_446 = arith.cmpi slt, %convert_element_type3A_420, %lt3A_445 : vector<16xi32>
      %and3A_447 = arith.andi %and3A_443, %lt3A_446 : vector<16xi1>
      %ge3A_448 = arith.constant 0 : i32
      %ge3A_449 = vector.broadcast %ge3A_448 : i32 to vector<16xi32>
      %ge3A_450 = arith.cmpi sge, %convert_element_type3A_421, %ge3A_449 : vector<16xi32>
      %and3A_451 = arith.andi %and3A_447, %ge3A_450 : vector<16xi1>
      %lt3A_452 = arith.constant 10 : i32
      %lt3A_453 = vector.broadcast %lt3A_452 : i32 to vector<16xi32>
      %lt3A_454 = arith.cmpi slt, %convert_element_type3A_421, %lt3A_453 : vector<16xi32>
      %and3A_455 = arith.andi %and3A_451, %lt3A_454 : vector<16xi1>
      %and3A_456 = arith.andi %and3A_455, %or3A_432 : vector<16xi1>
      %mul3A_457 = arith.constant 160 : i32
      %mul3A_458 = vector.broadcast %mul3A_457 : i32 to vector<16xi32>
      %mul3A_459 = arith.muli %convert_element_type3A_419, %mul3A_458 : vector<16xi32>
      %mul3A_460 = arith.constant 10 : i32
      %mul3A_461 = vector.broadcast %mul3A_460 : i32 to vector<16xi32>
      %mul3A_462 = arith.muli %convert_element_type3A_420, %mul3A_461 : vector<16xi32>
      %add3A_463 = arith.addi %mul3A_459, %mul3A_462 : vector<16xi32>
      %add3A_464 = arith.addi %add3A_463, %convert_element_type3A_421 : vector<16xi32>
      %jit3A_465 = arith.constant 2560 : i32
      %broadcast_in_dim3A_466 = vector.broadcast %jit3A_465 : i32 to vector<16xi32>
      %select_n3A_467 = arith.select %and3A_456, %add3A_464, %broadcast_in_dim3A_466 : vector<16xi1>, vector<16xi32>
      %unique3A_468, %unique3A_469 = tpu.scan_count mask(%broadcast_in_dim3A_42 : vector<16xi1>) value(%select_n3A_467 : vector<16xi32>) : vector<16xi1>, vector<16xi32>
      tpu.vector_store_idx %arg6[%select_n3A_467], %unique3A_469 masked %unique3A_468 {add = true} : memref<2688xi32, #tpu.memory_space<vmem>>[vector<16xi32>], vector<16xi32>, vector<16xi1>
    }
    %scan3A_162 = arith.constant 125 : i32
    %add3A_163 = arith.constant 14000 : i32
    %add3A_164 = arith.addi %add3A_35, %add3A_163 : i32
    %dma_start3A_165 = tpu.memref_slice %arg2[%add3A_164] : memref<800000xf32, #tpu.memory_space<hbm>> -> memref<2000xf32, #tpu.memory_space<hbm>>
    %dma_start3A_166 = tpu.memref_slice %arg2[%add3A_164] : memref<800000xf32, #tpu.memory_space<hbm>> -> memref<2000xf32, #tpu.memory_space<hbm>>
    tpu.enqueue_dma source(%dma_start3A_166 : memref<2000xf32, #tpu.memory_space<hbm>>) target(%arg10 : memref<2000xf32, #tpu.memory_space<vmem>>) target_semaphore(%arg14 : memref<!tpu.dma_semaphore, #tpu.memory_space<semaphore_mem>>)
    %dma_start3A_167 = tpu.memref_slice %arg3[%add3A_164] : memref<800000xf32, #tpu.memory_space<hbm>> -> memref<2000xf32, #tpu.memory_space<hbm>>
    %dma_start3A_168 = tpu.memref_slice %arg3[%add3A_164] : memref<800000xf32, #tpu.memory_space<hbm>> -> memref<2000xf32, #tpu.memory_space<hbm>>
    tpu.enqueue_dma source(%dma_start3A_168 : memref<2000xf32, #tpu.memory_space<hbm>>) target(%arg11 : memref<2000xf32, #tpu.memory_space<vmem>>) target_semaphore(%arg14 : memref<!tpu.dma_semaphore, #tpu.memory_space<semaphore_mem>>)
    %dma_start3A_169 = tpu.memref_slice %arg4[%add3A_164] : memref<800000xf32, #tpu.memory_space<hbm>> -> memref<2000xf32, #tpu.memory_space<hbm>>
    %dma_start3A_170 = tpu.memref_slice %arg4[%add3A_164] : memref<800000xf32, #tpu.memory_space<hbm>> -> memref<2000xf32, #tpu.memory_space<hbm>>
    tpu.enqueue_dma source(%dma_start3A_170 : memref<2000xf32, #tpu.memory_space<hbm>>) target(%arg12 : memref<2000xf32, #tpu.memory_space<vmem>>) target_semaphore(%arg14 : memref<!tpu.dma_semaphore, #tpu.memory_space<semaphore_mem>>)
    %dma_wait3A_171 = tpu.memref_slice %arg2[%add3A_145] : memref<800000xf32, #tpu.memory_space<hbm>> -> memref<2000xf32, #tpu.memory_space<hbm>>
    %dma_wait3A_172 = tpu.memref_slice %arg2[%add3A_145] : memref<800000xf32, #tpu.memory_space<hbm>> -> memref<2000xf32, #tpu.memory_space<hbm>>
    tpu.wait_dma2 semaphore(%arg13 : memref<!tpu.dma_semaphore, #tpu.memory_space<semaphore_mem>>) src(%dma_wait3A_172 : memref<2000xf32, #tpu.memory_space<hbm>>) dst(%arg7 : memref<2000xf32, #tpu.memory_space<vmem>>)
    %dma_wait3A_173 = tpu.memref_slice %arg3[%add3A_145] : memref<800000xf32, #tpu.memory_space<hbm>> -> memref<2000xf32, #tpu.memory_space<hbm>>
    %dma_wait3A_174 = tpu.memref_slice %arg3[%add3A_145] : memref<800000xf32, #tpu.memory_space<hbm>> -> memref<2000xf32, #tpu.memory_space<hbm>>
    tpu.wait_dma2 semaphore(%arg13 : memref<!tpu.dma_semaphore, #tpu.memory_space<semaphore_mem>>) src(%dma_wait3A_174 : memref<2000xf32, #tpu.memory_space<hbm>>) dst(%arg8 : memref<2000xf32, #tpu.memory_space<vmem>>)
    %dma_wait3A_175 = tpu.memref_slice %arg4[%add3A_145] : memref<800000xf32, #tpu.memory_space<hbm>> -> memref<2000xf32, #tpu.memory_space<hbm>>
    %dma_wait3A_176 = tpu.memref_slice %arg4[%add3A_145] : memref<800000xf32, #tpu.memory_space<hbm>> -> memref<2000xf32, #tpu.memory_space<hbm>>
    tpu.wait_dma2 semaphore(%arg13 : memref<!tpu.dma_semaphore, #tpu.memory_space<semaphore_mem>>) src(%dma_wait3A_176 : memref<2000xf32, #tpu.memory_space<hbm>>) dst(%arg9 : memref<2000xf32, #tpu.memory_space<vmem>>)
    %scan3A_177 = arith.constant 0 : i32
    %scan3A_178 = arith.constant 125 : i32
    %scan3A_179 = arith.addi %scan3A_177, %scan3A_178 : i32
    %scan3A_180 = arith.constant 1 : i32
    scf.for %scan3A_390 = %scan3A_177 to %scan3A_179 step %scan3A_180  : i32 {
      %mul3A_391 = arith.constant 16 : i32
      %mul3A_392 = arith.muli %scan3A_390, %mul3A_391 : i32
      %add3A_393 = arith.constant 0 : i32
      %add3A_394 = arith.addi %add3A_393, %mul3A_392 : i32
      %get3A_395 = arith.index_cast %add3A_394 : i32 to index
      %get3A_396 = tpu.vector_load %arg7[%get3A_395] {strides = array<i32>} : memref<2000xf32, #tpu.memory_space<vmem>>, vector<16xf32>,
      %get3A_397 = arith.index_cast %add3A_394 : i32 to index
      %get3A_398 = tpu.vector_load %arg8[%get3A_397] {strides = array<i32>} : memref<2000xf32, #tpu.memory_space<vmem>>, vector<16xf32>,
      %get3A_399 = arith.index_cast %add3A_394 : i32 to index
      %get3A_400 = tpu.vector_load %arg9[%get3A_399] {strides = array<i32>} : memref<2000xf32, #tpu.memory_space<vmem>>, vector<16xf32>,
      %sub3A_401 = arith.constant 0.000000e+00 : f32
      %sub3A_402 = vector.broadcast %sub3A_401 : f32 to vector<16xf32>
      %sub3A_403 = arith.subf %get3A_396, %sub3A_402 : vector<16xf32>
      %div3A_404 = arith.constant 4.000000e-01 : f32
      %div3A_405 = vector.broadcast %div3A_404 : f32 to vector<16xf32>
      %div3A_406 = arith.divf %sub3A_403, %div3A_405 : vector<16xf32>
      %sub3A_407 = arith.constant -3.200000e+00 : f32
      %sub3A_408 = vector.broadcast %sub3A_407 : f32 to vector<16xf32>
      %sub3A_409 = arith.subf %get3A_398, %sub3A_408 : vector<16xf32>
      %div3A_410 = arith.constant 4.000000e-01 : f32
      %div3A_411 = vector.broadcast %div3A_410 : f32 to vector<16xf32>
      %div3A_412 = arith.divf %sub3A_409, %div3A_411 : vector<16xf32>
      %sub3A_413 = arith.constant -2.000000e+00 : f32
      %sub3A_414 = vector.broadcast %sub3A_413 : f32 to vector<16xf32>
      %sub3A_415 = arith.subf %get3A_400, %sub3A_414 : vector<16xf32>
      %div3A_416 = arith.constant 4.000000e-01 : f32
      %div3A_417 = vector.broadcast %div3A_416 : f32 to vector<16xf32>
      %div3A_418 = arith.divf %sub3A_415, %div3A_417 : vector<16xf32>
      %convert_element_type3A_419 = arith.fptosi %div3A_406 : vector<16xf32> to vector<16xi32>
      %convert_element_type3A_420 = arith.fptosi %div3A_412 : vector<16xf32> to vector<16xi32>
      %convert_element_type3A_421 = arith.fptosi %div3A_418 : vector<16xf32> to vector<16xi32>
      %ne3A_422 = arith.constant 0.000000e+00 : f32
      %ne3A_423 = vector.broadcast %ne3A_422 : f32 to vector<16xf32>
      %ne3A_424 = arith.cmpf one, %get3A_396, %ne3A_423 : vector<16xf32>
      %ne3A_425 = arith.constant 0.000000e+00 : f32
      %ne3A_426 = vector.broadcast %ne3A_425 : f32 to vector<16xf32>
      %ne3A_427 = arith.cmpf one, %get3A_398, %ne3A_426 : vector<16xf32>
      %or3A_428 = arith.ori %ne3A_424, %ne3A_427 : vector<16xi1>
      %ne3A_429 = arith.constant 0.000000e+00 : f32
      %ne3A_430 = vector.broadcast %ne3A_429 : f32 to vector<16xf32>
      %ne3A_431 = arith.cmpf one, %get3A_400, %ne3A_430 : vector<16xf32>
      %or3A_432 = arith.ori %or3A_428, %ne3A_431 : vector<16xi1>
      %ge3A_433 = arith.constant 0 : i32
      %ge3A_434 = vector.broadcast %ge3A_433 : i32 to vector<16xi32>
      %ge3A_435 = arith.cmpi sge, %convert_element_type3A_419, %ge3A_434 : vector<16xi32>
      %lt3A_436 = arith.constant 16 : i32
      %lt3A_437 = vector.broadcast %lt3A_436 : i32 to vector<16xi32>
      %lt3A_438 = arith.cmpi slt, %convert_element_type3A_419, %lt3A_437 : vector<16xi32>
      %and3A_439 = arith.andi %ge3A_435, %lt3A_438 : vector<16xi1>
      %ge3A_440 = arith.constant 0 : i32
      %ge3A_441 = vector.broadcast %ge3A_440 : i32 to vector<16xi32>
      %ge3A_442 = arith.cmpi sge, %convert_element_type3A_420, %ge3A_441 : vector<16xi32>
      %and3A_443 = arith.andi %and3A_439, %ge3A_442 : vector<16xi1>
      %lt3A_444 = arith.constant 16 : i32
      %lt3A_445 = vector.broadcast %lt3A_444 : i32 to vector<16xi32>
      %lt3A_446 = arith.cmpi slt, %convert_element_type3A_420, %lt3A_445 : vector<16xi32>
      %and3A_447 = arith.andi %and3A_443, %lt3A_446 : vector<16xi1>
      %ge3A_448 = arith.constant 0 : i32
      %ge3A_449 = vector.broadcast %ge3A_448 : i32 to vector<16xi32>
      %ge3A_450 = arith.cmpi sge, %convert_element_type3A_421, %ge3A_449 : vector<16xi32>
      %and3A_451 = arith.andi %and3A_447, %ge3A_450 : vector<16xi1>
      %lt3A_452 = arith.constant 10 : i32
      %lt3A_453 = vector.broadcast %lt3A_452 : i32 to vector<16xi32>
      %lt3A_454 = arith.cmpi slt, %convert_element_type3A_421, %lt3A_453 : vector<16xi32>
      %and3A_455 = arith.andi %and3A_451, %lt3A_454 : vector<16xi1>
      %and3A_456 = arith.andi %and3A_455, %or3A_432 : vector<16xi1>
      %mul3A_457 = arith.constant 160 : i32
      %mul3A_458 = vector.broadcast %mul3A_457 : i32 to vector<16xi32>
      %mul3A_459 = arith.muli %convert_element_type3A_419, %mul3A_458 : vector<16xi32>
      %mul3A_460 = arith.constant 10 : i32
      %mul3A_461 = vector.broadcast %mul3A_460 : i32 to vector<16xi32>
      %mul3A_462 = arith.muli %convert_element_type3A_420, %mul3A_461 : vector<16xi32>
      %add3A_463 = arith.addi %mul3A_459, %mul3A_462 : vector<16xi32>
      %add3A_464 = arith.addi %add3A_463, %convert_element_type3A_421 : vector<16xi32>
      %jit3A_465 = arith.constant 2560 : i32
      %broadcast_in_dim3A_466 = vector.broadcast %jit3A_465 : i32 to vector<16xi32>
      %select_n3A_467 = arith.select %and3A_456, %add3A_464, %broadcast_in_dim3A_466 : vector<16xi1>, vector<16xi32>
      %unique3A_468, %unique3A_469 = tpu.scan_count mask(%broadcast_in_dim3A_42 : vector<16xi1>) value(%select_n3A_467 : vector<16xi32>) : vector<16xi1>, vector<16xi32>
      tpu.vector_store_idx %arg6[%select_n3A_467], %unique3A_469 masked %unique3A_468 {add = true} : memref<2688xi32, #tpu.memory_space<vmem>>[vector<16xi32>], vector<16xi32>, vector<16xi1>
    }
    %scan3A_181 = arith.constant 125 : i32
    %add3A_182 = arith.constant 16000 : i32
    %add3A_183 = arith.addi %add3A_35, %add3A_182 : i32
    %dma_start3A_184 = tpu.memref_slice %arg2[%add3A_183] : memref<800000xf32, #tpu.memory_space<hbm>> -> memref<2000xf32, #tpu.memory_space<hbm>>
    %dma_start3A_185 = tpu.memref_slice %arg2[%add3A_183] : memref<800000xf32, #tpu.memory_space<hbm>> -> memref<2000xf32, #tpu.memory_space<hbm>>
    tpu.enqueue_dma source(%dma_start3A_185 : memref<2000xf32, #tpu.memory_space<hbm>>) target(%arg7 : memref<2000xf32, #tpu.memory_space<vmem>>) target_semaphore(%arg13 : memref<!tpu.dma_semaphore, #tpu.memory_space<semaphore_mem>>)
    %dma_start3A_186 = tpu.memref_slice %arg3[%add3A_183] : memref<800000xf32, #tpu.memory_space<hbm>> -> memref<2000xf32, #tpu.memory_space<hbm>>
    %dma_start3A_187 = tpu.memref_slice %arg3[%add3A_183] : memref<800000xf32, #tpu.memory_space<hbm>> -> memref<2000xf32, #tpu.memory_space<hbm>>
    tpu.enqueue_dma source(%dma_start3A_187 : memref<2000xf32, #tpu.memory_space<hbm>>) target(%arg8 : memref<2000xf32, #tpu.memory_space<vmem>>) target_semaphore(%arg13 : memref<!tpu.dma_semaphore, #tpu.memory_space<semaphore_mem>>)
    %dma_start3A_188 = tpu.memref_slice %arg4[%add3A_183] : memref<800000xf32, #tpu.memory_space<hbm>> -> memref<2000xf32, #tpu.memory_space<hbm>>
    %dma_start3A_189 = tpu.memref_slice %arg4[%add3A_183] : memref<800000xf32, #tpu.memory_space<hbm>> -> memref<2000xf32, #tpu.memory_space<hbm>>
    tpu.enqueue_dma source(%dma_start3A_189 : memref<2000xf32, #tpu.memory_space<hbm>>) target(%arg9 : memref<2000xf32, #tpu.memory_space<vmem>>) target_semaphore(%arg13 : memref<!tpu.dma_semaphore, #tpu.memory_space<semaphore_mem>>)
    %dma_wait3A_190 = tpu.memref_slice %arg2[%add3A_164] : memref<800000xf32, #tpu.memory_space<hbm>> -> memref<2000xf32, #tpu.memory_space<hbm>>
    %dma_wait3A_191 = tpu.memref_slice %arg2[%add3A_164] : memref<800000xf32, #tpu.memory_space<hbm>> -> memref<2000xf32, #tpu.memory_space<hbm>>
    tpu.wait_dma2 semaphore(%arg14 : memref<!tpu.dma_semaphore, #tpu.memory_space<semaphore_mem>>) src(%dma_wait3A_191 : memref<2000xf32, #tpu.memory_space<hbm>>) dst(%arg10 : memref<2000xf32, #tpu.memory_space<vmem>>)
    %dma_wait3A_192 = tpu.memref_slice %arg3[%add3A_164] : memref<800000xf32, #tpu.memory_space<hbm>> -> memref<2000xf32, #tpu.memory_space<hbm>>
    %dma_wait3A_193 = tpu.memref_slice %arg3[%add3A_164] : memref<800000xf32, #tpu.memory_space<hbm>> -> memref<2000xf32, #tpu.memory_space<hbm>>
    tpu.wait_dma2 semaphore(%arg14 : memref<!tpu.dma_semaphore, #tpu.memory_space<semaphore_mem>>) src(%dma_wait3A_193 : memref<2000xf32, #tpu.memory_space<hbm>>) dst(%arg11 : memref<2000xf32, #tpu.memory_space<vmem>>)
    %dma_wait3A_194 = tpu.memref_slice %arg4[%add3A_164] : memref<800000xf32, #tpu.memory_space<hbm>> -> memref<2000xf32, #tpu.memory_space<hbm>>
    %dma_wait3A_195 = tpu.memref_slice %arg4[%add3A_164] : memref<800000xf32, #tpu.memory_space<hbm>> -> memref<2000xf32, #tpu.memory_space<hbm>>
    tpu.wait_dma2 semaphore(%arg14 : memref<!tpu.dma_semaphore, #tpu.memory_space<semaphore_mem>>) src(%dma_wait3A_195 : memref<2000xf32, #tpu.memory_space<hbm>>) dst(%arg12 : memref<2000xf32, #tpu.memory_space<vmem>>)
    %scan3A_196 = arith.constant 0 : i32
    %scan3A_197 = arith.constant 125 : i32
    %scan3A_198 = arith.addi %scan3A_196, %scan3A_197 : i32
    %scan3A_199 = arith.constant 1 : i32
    scf.for %scan3A_390 = %scan3A_196 to %scan3A_198 step %scan3A_199  : i32 {
      %mul3A_391 = arith.constant 16 : i32
      %mul3A_392 = arith.muli %scan3A_390, %mul3A_391 : i32
      %add3A_393 = arith.constant 0 : i32
      %add3A_394 = arith.addi %add3A_393, %mul3A_392 : i32
      %get3A_395 = arith.index_cast %add3A_394 : i32 to index
      %get3A_396 = tpu.vector_load %arg10[%get3A_395] {strides = array<i32>} : memref<2000xf32, #tpu.memory_space<vmem>>, vector<16xf32>,
      %get3A_397 = arith.index_cast %add3A_394 : i32 to index
      %get3A_398 = tpu.vector_load %arg11[%get3A_397] {strides = array<i32>} : memref<2000xf32, #tpu.memory_space<vmem>>, vector<16xf32>,
      %get3A_399 = arith.index_cast %add3A_394 : i32 to index
      %get3A_400 = tpu.vector_load %arg12[%get3A_399] {strides = array<i32>} : memref<2000xf32, #tpu.memory_space<vmem>>, vector<16xf32>,
      %sub3A_401 = arith.constant 0.000000e+00 : f32
      %sub3A_402 = vector.broadcast %sub3A_401 : f32 to vector<16xf32>
      %sub3A_403 = arith.subf %get3A_396, %sub3A_402 : vector<16xf32>
      %div3A_404 = arith.constant 4.000000e-01 : f32
      %div3A_405 = vector.broadcast %div3A_404 : f32 to vector<16xf32>
      %div3A_406 = arith.divf %sub3A_403, %div3A_405 : vector<16xf32>
      %sub3A_407 = arith.constant -3.200000e+00 : f32
      %sub3A_408 = vector.broadcast %sub3A_407 : f32 to vector<16xf32>
      %sub3A_409 = arith.subf %get3A_398, %sub3A_408 : vector<16xf32>
      %div3A_410 = arith.constant 4.000000e-01 : f32
      %div3A_411 = vector.broadcast %div3A_410 : f32 to vector<16xf32>
      %div3A_412 = arith.divf %sub3A_409, %div3A_411 : vector<16xf32>
      %sub3A_413 = arith.constant -2.000000e+00 : f32
      %sub3A_414 = vector.broadcast %sub3A_413 : f32 to vector<16xf32>
      %sub3A_415 = arith.subf %get3A_400, %sub3A_414 : vector<16xf32>
      %div3A_416 = arith.constant 4.000000e-01 : f32
      %div3A_417 = vector.broadcast %div3A_416 : f32 to vector<16xf32>
      %div3A_418 = arith.divf %sub3A_415, %div3A_417 : vector<16xf32>
      %convert_element_type3A_419 = arith.fptosi %div3A_406 : vector<16xf32> to vector<16xi32>
      %convert_element_type3A_420 = arith.fptosi %div3A_412 : vector<16xf32> to vector<16xi32>
      %convert_element_type3A_421 = arith.fptosi %div3A_418 : vector<16xf32> to vector<16xi32>
      %ne3A_422 = arith.constant 0.000000e+00 : f32
      %ne3A_423 = vector.broadcast %ne3A_422 : f32 to vector<16xf32>
      %ne3A_424 = arith.cmpf one, %get3A_396, %ne3A_423 : vector<16xf32>
      %ne3A_425 = arith.constant 0.000000e+00 : f32
      %ne3A_426 = vector.broadcast %ne3A_425 : f32 to vector<16xf32>
      %ne3A_427 = arith.cmpf one, %get3A_398, %ne3A_426 : vector<16xf32>
      %or3A_428 = arith.ori %ne3A_424, %ne3A_427 : vector<16xi1>
      %ne3A_429 = arith.constant 0.000000e+00 : f32
      %ne3A_430 = vector.broadcast %ne3A_429 : f32 to vector<16xf32>
      %ne3A_431 = arith.cmpf one, %get3A_400, %ne3A_430 : vector<16xf32>
      %or3A_432 = arith.ori %or3A_428, %ne3A_431 : vector<16xi1>
      %ge3A_433 = arith.constant 0 : i32
      %ge3A_434 = vector.broadcast %ge3A_433 : i32 to vector<16xi32>
      %ge3A_435 = arith.cmpi sge, %convert_element_type3A_419, %ge3A_434 : vector<16xi32>
      %lt3A_436 = arith.constant 16 : i32
      %lt3A_437 = vector.broadcast %lt3A_436 : i32 to vector<16xi32>
      %lt3A_438 = arith.cmpi slt, %convert_element_type3A_419, %lt3A_437 : vector<16xi32>
      %and3A_439 = arith.andi %ge3A_435, %lt3A_438 : vector<16xi1>
      %ge3A_440 = arith.constant 0 : i32
      %ge3A_441 = vector.broadcast %ge3A_440 : i32 to vector<16xi32>
      %ge3A_442 = arith.cmpi sge, %convert_element_type3A_420, %ge3A_441 : vector<16xi32>
      %and3A_443 = arith.andi %and3A_439, %ge3A_442 : vector<16xi1>
      %lt3A_444 = arith.constant 16 : i32
      %lt3A_445 = vector.broadcast %lt3A_444 : i32 to vector<16xi32>
      %lt3A_446 = arith.cmpi slt, %convert_element_type3A_420, %lt3A_445 : vector<16xi32>
      %and3A_447 = arith.andi %and3A_443, %lt3A_446 : vector<16xi1>
      %ge3A_448 = arith.constant 0 : i32
      %ge3A_449 = vector.broadcast %ge3A_448 : i32 to vector<16xi32>
      %ge3A_450 = arith.cmpi sge, %convert_element_type3A_421, %ge3A_449 : vector<16xi32>
      %and3A_451 = arith.andi %and3A_447, %ge3A_450 : vector<16xi1>
      %lt3A_452 = arith.constant 10 : i32
      %lt3A_453 = vector.broadcast %lt3A_452 : i32 to vector<16xi32>
      %lt3A_454 = arith.cmpi slt, %convert_element_type3A_421, %lt3A_453 : vector<16xi32>
      %and3A_455 = arith.andi %and3A_451, %lt3A_454 : vector<16xi1>
      %and3A_456 = arith.andi %and3A_455, %or3A_432 : vector<16xi1>
      %mul3A_457 = arith.constant 160 : i32
      %mul3A_458 = vector.broadcast %mul3A_457 : i32 to vector<16xi32>
      %mul3A_459 = arith.muli %convert_element_type3A_419, %mul3A_458 : vector<16xi32>
      %mul3A_460 = arith.constant 10 : i32
      %mul3A_461 = vector.broadcast %mul3A_460 : i32 to vector<16xi32>
      %mul3A_462 = arith.muli %convert_element_type3A_420, %mul3A_461 : vector<16xi32>
      %add3A_463 = arith.addi %mul3A_459, %mul3A_462 : vector<16xi32>
      %add3A_464 = arith.addi %add3A_463, %convert_element_type3A_421 : vector<16xi32>
      %jit3A_465 = arith.constant 2560 : i32
      %broadcast_in_dim3A_466 = vector.broadcast %jit3A_465 : i32 to vector<16xi32>
      %select_n3A_467 = arith.select %and3A_456, %add3A_464, %broadcast_in_dim3A_466 : vector<16xi1>, vector<16xi32>
      %unique3A_468, %unique3A_469 = tpu.scan_count mask(%broadcast_in_dim3A_42 : vector<16xi1>) value(%select_n3A_467 : vector<16xi32>) : vector<16xi1>, vector<16xi32>
      tpu.vector_store_idx %arg6[%select_n3A_467], %unique3A_469 masked %unique3A_468 {add = true} : memref<2688xi32, #tpu.memory_space<vmem>>[vector<16xi32>], vector<16xi32>, vector<16xi1>
    }
    %scan3A_200 = arith.constant 125 : i32
    %add3A_201 = arith.constant 18000 : i32
    %add3A_202 = arith.addi %add3A_35, %add3A_201 : i32
    %dma_start3A_203 = tpu.memref_slice %arg2[%add3A_202] : memref<800000xf32, #tpu.memory_space<hbm>> -> memref<2000xf32, #tpu.memory_space<hbm>>
    %dma_start3A_204 = tpu.memref_slice %arg2[%add3A_202] : memref<800000xf32, #tpu.memory_space<hbm>> -> memref<2000xf32, #tpu.memory_space<hbm>>
    tpu.enqueue_dma source(%dma_start3A_204 : memref<2000xf32, #tpu.memory_space<hbm>>) target(%arg10 : memref<2000xf32, #tpu.memory_space<vmem>>) target_semaphore(%arg14 : memref<!tpu.dma_semaphore, #tpu.memory_space<semaphore_mem>>)
    %dma_start3A_205 = tpu.memref_slice %arg3[%add3A_202] : memref<800000xf32, #tpu.memory_space<hbm>> -> memref<2000xf32, #tpu.memory_space<hbm>>
    %dma_start3A_206 = tpu.memref_slice %arg3[%add3A_202] : memref<800000xf32, #tpu.memory_space<hbm>> -> memref<2000xf32, #tpu.memory_space<hbm>>
    tpu.enqueue_dma source(%dma_start3A_206 : memref<2000xf32, #tpu.memory_space<hbm>>) target(%arg11 : memref<2000xf32, #tpu.memory_space<vmem>>) target_semaphore(%arg14 : memref<!tpu.dma_semaphore, #tpu.memory_space<semaphore_mem>>)
    %dma_start3A_207 = tpu.memref_slice %arg4[%add3A_202] : memref<800000xf32, #tpu.memory_space<hbm>> -> memref<2000xf32, #tpu.memory_space<hbm>>
    %dma_start3A_208 = tpu.memref_slice %arg4[%add3A_202] : memref<800000xf32, #tpu.memory_space<hbm>> -> memref<2000xf32, #tpu.memory_space<hbm>>
    tpu.enqueue_dma source(%dma_start3A_208 : memref<2000xf32, #tpu.memory_space<hbm>>) target(%arg12 : memref<2000xf32, #tpu.memory_space<vmem>>) target_semaphore(%arg14 : memref<!tpu.dma_semaphore, #tpu.memory_space<semaphore_mem>>)
    %dma_wait3A_209 = tpu.memref_slice %arg2[%add3A_183] : memref<800000xf32, #tpu.memory_space<hbm>> -> memref<2000xf32, #tpu.memory_space<hbm>>
    %dma_wait3A_210 = tpu.memref_slice %arg2[%add3A_183] : memref<800000xf32, #tpu.memory_space<hbm>> -> memref<2000xf32, #tpu.memory_space<hbm>>
    tpu.wait_dma2 semaphore(%arg13 : memref<!tpu.dma_semaphore, #tpu.memory_space<semaphore_mem>>) src(%dma_wait3A_210 : memref<2000xf32, #tpu.memory_space<hbm>>) dst(%arg7 : memref<2000xf32, #tpu.memory_space<vmem>>)
    %dma_wait3A_211 = tpu.memref_slice %arg3[%add3A_183] : memref<800000xf32, #tpu.memory_space<hbm>> -> memref<2000xf32, #tpu.memory_space<hbm>>
    %dma_wait3A_212 = tpu.memref_slice %arg3[%add3A_183] : memref<800000xf32, #tpu.memory_space<hbm>> -> memref<2000xf32, #tpu.memory_space<hbm>>
    tpu.wait_dma2 semaphore(%arg13 : memref<!tpu.dma_semaphore, #tpu.memory_space<semaphore_mem>>) src(%dma_wait3A_212 : memref<2000xf32, #tpu.memory_space<hbm>>) dst(%arg8 : memref<2000xf32, #tpu.memory_space<vmem>>)
    %dma_wait3A_213 = tpu.memref_slice %arg4[%add3A_183] : memref<800000xf32, #tpu.memory_space<hbm>> -> memref<2000xf32, #tpu.memory_space<hbm>>
    %dma_wait3A_214 = tpu.memref_slice %arg4[%add3A_183] : memref<800000xf32, #tpu.memory_space<hbm>> -> memref<2000xf32, #tpu.memory_space<hbm>>
    tpu.wait_dma2 semaphore(%arg13 : memref<!tpu.dma_semaphore, #tpu.memory_space<semaphore_mem>>) src(%dma_wait3A_214 : memref<2000xf32, #tpu.memory_space<hbm>>) dst(%arg9 : memref<2000xf32, #tpu.memory_space<vmem>>)
    %scan3A_215 = arith.constant 0 : i32
    %scan3A_216 = arith.constant 125 : i32
    %scan3A_217 = arith.addi %scan3A_215, %scan3A_216 : i32
    %scan3A_218 = arith.constant 1 : i32
    scf.for %scan3A_390 = %scan3A_215 to %scan3A_217 step %scan3A_218  : i32 {
      %mul3A_391 = arith.constant 16 : i32
      %mul3A_392 = arith.muli %scan3A_390, %mul3A_391 : i32
      %add3A_393 = arith.constant 0 : i32
      %add3A_394 = arith.addi %add3A_393, %mul3A_392 : i32
      %get3A_395 = arith.index_cast %add3A_394 : i32 to index
      %get3A_396 = tpu.vector_load %arg7[%get3A_395] {strides = array<i32>} : memref<2000xf32, #tpu.memory_space<vmem>>, vector<16xf32>,
      %get3A_397 = arith.index_cast %add3A_394 : i32 to index
      %get3A_398 = tpu.vector_load %arg8[%get3A_397] {strides = array<i32>} : memref<2000xf32, #tpu.memory_space<vmem>>, vector<16xf32>,
      %get3A_399 = arith.index_cast %add3A_394 : i32 to index
      %get3A_400 = tpu.vector_load %arg9[%get3A_399] {strides = array<i32>} : memref<2000xf32, #tpu.memory_space<vmem>>, vector<16xf32>,
      %sub3A_401 = arith.constant 0.000000e+00 : f32
      %sub3A_402 = vector.broadcast %sub3A_401 : f32 to vector<16xf32>
      %sub3A_403 = arith.subf %get3A_396, %sub3A_402 : vector<16xf32>
      %div3A_404 = arith.constant 4.000000e-01 : f32
      %div3A_405 = vector.broadcast %div3A_404 : f32 to vector<16xf32>
      %div3A_406 = arith.divf %sub3A_403, %div3A_405 : vector<16xf32>
      %sub3A_407 = arith.constant -3.200000e+00 : f32
      %sub3A_408 = vector.broadcast %sub3A_407 : f32 to vector<16xf32>
      %sub3A_409 = arith.subf %get3A_398, %sub3A_408 : vector<16xf32>
      %div3A_410 = arith.constant 4.000000e-01 : f32
      %div3A_411 = vector.broadcast %div3A_410 : f32 to vector<16xf32>
      %div3A_412 = arith.divf %sub3A_409, %div3A_411 : vector<16xf32>
      %sub3A_413 = arith.constant -2.000000e+00 : f32
      %sub3A_414 = vector.broadcast %sub3A_413 : f32 to vector<16xf32>
      %sub3A_415 = arith.subf %get3A_400, %sub3A_414 : vector<16xf32>
      %div3A_416 = arith.constant 4.000000e-01 : f32
      %div3A_417 = vector.broadcast %div3A_416 : f32 to vector<16xf32>
      %div3A_418 = arith.divf %sub3A_415, %div3A_417 : vector<16xf32>
      %convert_element_type3A_419 = arith.fptosi %div3A_406 : vector<16xf32> to vector<16xi32>
      %convert_element_type3A_420 = arith.fptosi %div3A_412 : vector<16xf32> to vector<16xi32>
      %convert_element_type3A_421 = arith.fptosi %div3A_418 : vector<16xf32> to vector<16xi32>
      %ne3A_422 = arith.constant 0.000000e+00 : f32
      %ne3A_423 = vector.broadcast %ne3A_422 : f32 to vector<16xf32>
      %ne3A_424 = arith.cmpf one, %get3A_396, %ne3A_423 : vector<16xf32>
      %ne3A_425 = arith.constant 0.000000e+00 : f32
      %ne3A_426 = vector.broadcast %ne3A_425 : f32 to vector<16xf32>
      %ne3A_427 = arith.cmpf one, %get3A_398, %ne3A_426 : vector<16xf32>
      %or3A_428 = arith.ori %ne3A_424, %ne3A_427 : vector<16xi1>
      %ne3A_429 = arith.constant 0.000000e+00 : f32
      %ne3A_430 = vector.broadcast %ne3A_429 : f32 to vector<16xf32>
      %ne3A_431 = arith.cmpf one, %get3A_400, %ne3A_430 : vector<16xf32>
      %or3A_432 = arith.ori %or3A_428, %ne3A_431 : vector<16xi1>
      %ge3A_433 = arith.constant 0 : i32
      %ge3A_434 = vector.broadcast %ge3A_433 : i32 to vector<16xi32>
      %ge3A_435 = arith.cmpi sge, %convert_element_type3A_419, %ge3A_434 : vector<16xi32>
      %lt3A_436 = arith.constant 16 : i32
      %lt3A_437 = vector.broadcast %lt3A_436 : i32 to vector<16xi32>
      %lt3A_438 = arith.cmpi slt, %convert_element_type3A_419, %lt3A_437 : vector<16xi32>
      %and3A_439 = arith.andi %ge3A_435, %lt3A_438 : vector<16xi1>
      %ge3A_440 = arith.constant 0 : i32
      %ge3A_441 = vector.broadcast %ge3A_440 : i32 to vector<16xi32>
      %ge3A_442 = arith.cmpi sge, %convert_element_type3A_420, %ge3A_441 : vector<16xi32>
      %and3A_443 = arith.andi %and3A_439, %ge3A_442 : vector<16xi1>
      %lt3A_444 = arith.constant 16 : i32
      %lt3A_445 = vector.broadcast %lt3A_444 : i32 to vector<16xi32>
      %lt3A_446 = arith.cmpi slt, %convert_element_type3A_420, %lt3A_445 : vector<16xi32>
      %and3A_447 = arith.andi %and3A_443, %lt3A_446 : vector<16xi1>
      %ge3A_448 = arith.constant 0 : i32
      %ge3A_449 = vector.broadcast %ge3A_448 : i32 to vector<16xi32>
      %ge3A_450 = arith.cmpi sge, %convert_element_type3A_421, %ge3A_449 : vector<16xi32>
      %and3A_451 = arith.andi %and3A_447, %ge3A_450 : vector<16xi1>
      %lt3A_452 = arith.constant 10 : i32
      %lt3A_453 = vector.broadcast %lt3A_452 : i32 to vector<16xi32>
      %lt3A_454 = arith.cmpi slt, %convert_element_type3A_421, %lt3A_453 : vector<16xi32>
      %and3A_455 = arith.andi %and3A_451, %lt3A_454 : vector<16xi1>
      %and3A_456 = arith.andi %and3A_455, %or3A_432 : vector<16xi1>
      %mul3A_457 = arith.constant 160 : i32
      %mul3A_458 = vector.broadcast %mul3A_457 : i32 to vector<16xi32>
      %mul3A_459 = arith.muli %convert_element_type3A_419, %mul3A_458 : vector<16xi32>
      %mul3A_460 = arith.constant 10 : i32
      %mul3A_461 = vector.broadcast %mul3A_460 : i32 to vector<16xi32>
      %mul3A_462 = arith.muli %convert_element_type3A_420, %mul3A_461 : vector<16xi32>
      %add3A_463 = arith.addi %mul3A_459, %mul3A_462 : vector<16xi32>
      %add3A_464 = arith.addi %add3A_463, %convert_element_type3A_421 : vector<16xi32>
      %jit3A_465 = arith.constant 2560 : i32
      %broadcast_in_dim3A_466 = vector.broadcast %jit3A_465 : i32 to vector<16xi32>
      %select_n3A_467 = arith.select %and3A_456, %add3A_464, %broadcast_in_dim3A_466 : vector<16xi1>, vector<16xi32>
      %unique3A_468, %unique3A_469 = tpu.scan_count mask(%broadcast_in_dim3A_42 : vector<16xi1>) value(%select_n3A_467 : vector<16xi32>) : vector<16xi1>, vector<16xi32>
      tpu.vector_store_idx %arg6[%select_n3A_467], %unique3A_469 masked %unique3A_468 {add = true} : memref<2688xi32, #tpu.memory_space<vmem>>[vector<16xi32>], vector<16xi32>, vector<16xi1>
    }
    %scan3A_219 = arith.constant 125 : i32
    %add3A_220 = arith.constant 20000 : i32
    %add3A_221 = arith.addi %add3A_35, %add3A_220 : i32
    %dma_start3A_222 = tpu.memref_slice %arg2[%add3A_221] : memref<800000xf32, #tpu.memory_space<hbm>> -> memref<2000xf32, #tpu.memory_space<hbm>>
    %dma_start3A_223 = tpu.memref_slice %arg2[%add3A_221] : memref<800000xf32, #tpu.memory_space<hbm>> -> memref<2000xf32, #tpu.memory_space<hbm>>
    tpu.enqueue_dma source(%dma_start3A_223 : memref<2000xf32, #tpu.memory_space<hbm>>) target(%arg7 : memref<2000xf32, #tpu.memory_space<vmem>>) target_semaphore(%arg13 : memref<!tpu.dma_semaphore, #tpu.memory_space<semaphore_mem>>)
    %dma_start3A_224 = tpu.memref_slice %arg3[%add3A_221] : memref<800000xf32, #tpu.memory_space<hbm>> -> memref<2000xf32, #tpu.memory_space<hbm>>
    %dma_start3A_225 = tpu.memref_slice %arg3[%add3A_221] : memref<800000xf32, #tpu.memory_space<hbm>> -> memref<2000xf32, #tpu.memory_space<hbm>>
    tpu.enqueue_dma source(%dma_start3A_225 : memref<2000xf32, #tpu.memory_space<hbm>>) target(%arg8 : memref<2000xf32, #tpu.memory_space<vmem>>) target_semaphore(%arg13 : memref<!tpu.dma_semaphore, #tpu.memory_space<semaphore_mem>>)
    %dma_start3A_226 = tpu.memref_slice %arg4[%add3A_221] : memref<800000xf32, #tpu.memory_space<hbm>> -> memref<2000xf32, #tpu.memory_space<hbm>>
    %dma_start3A_227 = tpu.memref_slice %arg4[%add3A_221] : memref<800000xf32, #tpu.memory_space<hbm>> -> memref<2000xf32, #tpu.memory_space<hbm>>
    tpu.enqueue_dma source(%dma_start3A_227 : memref<2000xf32, #tpu.memory_space<hbm>>) target(%arg9 : memref<2000xf32, #tpu.memory_space<vmem>>) target_semaphore(%arg13 : memref<!tpu.dma_semaphore, #tpu.memory_space<semaphore_mem>>)
    %dma_wait3A_228 = tpu.memref_slice %arg2[%add3A_202] : memref<800000xf32, #tpu.memory_space<hbm>> -> memref<2000xf32, #tpu.memory_space<hbm>>
    %dma_wait3A_229 = tpu.memref_slice %arg2[%add3A_202] : memref<800000xf32, #tpu.memory_space<hbm>> -> memref<2000xf32, #tpu.memory_space<hbm>>
    tpu.wait_dma2 semaphore(%arg14 : memref<!tpu.dma_semaphore, #tpu.memory_space<semaphore_mem>>) src(%dma_wait3A_229 : memref<2000xf32, #tpu.memory_space<hbm>>) dst(%arg10 : memref<2000xf32, #tpu.memory_space<vmem>>)
    %dma_wait3A_230 = tpu.memref_slice %arg3[%add3A_202] : memref<800000xf32, #tpu.memory_space<hbm>> -> memref<2000xf32, #tpu.memory_space<hbm>>
    %dma_wait3A_231 = tpu.memref_slice %arg3[%add3A_202] : memref<800000xf32, #tpu.memory_space<hbm>> -> memref<2000xf32, #tpu.memory_space<hbm>>
    tpu.wait_dma2 semaphore(%arg14 : memref<!tpu.dma_semaphore, #tpu.memory_space<semaphore_mem>>) src(%dma_wait3A_231 : memref<2000xf32, #tpu.memory_space<hbm>>) dst(%arg11 : memref<2000xf32, #tpu.memory_space<vmem>>)
    %dma_wait3A_232 = tpu.memref_slice %arg4[%add3A_202] : memref<800000xf32, #tpu.memory_space<hbm>> -> memref<2000xf32, #tpu.memory_space<hbm>>
    %dma_wait3A_233 = tpu.memref_slice %arg4[%add3A_202] : memref<800000xf32, #tpu.memory_space<hbm>> -> memref<2000xf32, #tpu.memory_space<hbm>>
    tpu.wait_dma2 semaphore(%arg14 : memref<!tpu.dma_semaphore, #tpu.memory_space<semaphore_mem>>) src(%dma_wait3A_233 : memref<2000xf32, #tpu.memory_space<hbm>>) dst(%arg12 : memref<2000xf32, #tpu.memory_space<vmem>>)
    %scan3A_234 = arith.constant 0 : i32
    %scan3A_235 = arith.constant 125 : i32
    %scan3A_236 = arith.addi %scan3A_234, %scan3A_235 : i32
    %scan3A_237 = arith.constant 1 : i32
    scf.for %scan3A_390 = %scan3A_234 to %scan3A_236 step %scan3A_237  : i32 {
      %mul3A_391 = arith.constant 16 : i32
      %mul3A_392 = arith.muli %scan3A_390, %mul3A_391 : i32
      %add3A_393 = arith.constant 0 : i32
      %add3A_394 = arith.addi %add3A_393, %mul3A_392 : i32
      %get3A_395 = arith.index_cast %add3A_394 : i32 to index
      %get3A_396 = tpu.vector_load %arg10[%get3A_395] {strides = array<i32>} : memref<2000xf32, #tpu.memory_space<vmem>>, vector<16xf32>,
      %get3A_397 = arith.index_cast %add3A_394 : i32 to index
      %get3A_398 = tpu.vector_load %arg11[%get3A_397] {strides = array<i32>} : memref<2000xf32, #tpu.memory_space<vmem>>, vector<16xf32>,
      %get3A_399 = arith.index_cast %add3A_394 : i32 to index
      %get3A_400 = tpu.vector_load %arg12[%get3A_399] {strides = array<i32>} : memref<2000xf32, #tpu.memory_space<vmem>>, vector<16xf32>,
      %sub3A_401 = arith.constant 0.000000e+00 : f32
      %sub3A_402 = vector.broadcast %sub3A_401 : f32 to vector<16xf32>
      %sub3A_403 = arith.subf %get3A_396, %sub3A_402 : vector<16xf32>
      %div3A_404 = arith.constant 4.000000e-01 : f32
      %div3A_405 = vector.broadcast %div3A_404 : f32 to vector<16xf32>
      %div3A_406 = arith.divf %sub3A_403, %div3A_405 : vector<16xf32>
      %sub3A_407 = arith.constant -3.200000e+00 : f32
      %sub3A_408 = vector.broadcast %sub3A_407 : f32 to vector<16xf32>
      %sub3A_409 = arith.subf %get3A_398, %sub3A_408 : vector<16xf32>
      %div3A_410 = arith.constant 4.000000e-01 : f32
      %div3A_411 = vector.broadcast %div3A_410 : f32 to vector<16xf32>
      %div3A_412 = arith.divf %sub3A_409, %div3A_411 : vector<16xf32>
      %sub3A_413 = arith.constant -2.000000e+00 : f32
      %sub3A_414 = vector.broadcast %sub3A_413 : f32 to vector<16xf32>
      %sub3A_415 = arith.subf %get3A_400, %sub3A_414 : vector<16xf32>
      %div3A_416 = arith.constant 4.000000e-01 : f32
      %div3A_417 = vector.broadcast %div3A_416 : f32 to vector<16xf32>
      %div3A_418 = arith.divf %sub3A_415, %div3A_417 : vector<16xf32>
      %convert_element_type3A_419 = arith.fptosi %div3A_406 : vector<16xf32> to vector<16xi32>
      %convert_element_type3A_420 = arith.fptosi %div3A_412 : vector<16xf32> to vector<16xi32>
      %convert_element_type3A_421 = arith.fptosi %div3A_418 : vector<16xf32> to vector<16xi32>
      %ne3A_422 = arith.constant 0.000000e+00 : f32
      %ne3A_423 = vector.broadcast %ne3A_422 : f32 to vector<16xf32>
      %ne3A_424 = arith.cmpf one, %get3A_396, %ne3A_423 : vector<16xf32>
      %ne3A_425 = arith.constant 0.000000e+00 : f32
      %ne3A_426 = vector.broadcast %ne3A_425 : f32 to vector<16xf32>
      %ne3A_427 = arith.cmpf one, %get3A_398, %ne3A_426 : vector<16xf32>
      %or3A_428 = arith.ori %ne3A_424, %ne3A_427 : vector<16xi1>
      %ne3A_429 = arith.constant 0.000000e+00 : f32
      %ne3A_430 = vector.broadcast %ne3A_429 : f32 to vector<16xf32>
      %ne3A_431 = arith.cmpf one, %get3A_400, %ne3A_430 : vector<16xf32>
      %or3A_432 = arith.ori %or3A_428, %ne3A_431 : vector<16xi1>
      %ge3A_433 = arith.constant 0 : i32
      %ge3A_434 = vector.broadcast %ge3A_433 : i32 to vector<16xi32>
      %ge3A_435 = arith.cmpi sge, %convert_element_type3A_419, %ge3A_434 : vector<16xi32>
      %lt3A_436 = arith.constant 16 : i32
      %lt3A_437 = vector.broadcast %lt3A_436 : i32 to vector<16xi32>
      %lt3A_438 = arith.cmpi slt, %convert_element_type3A_419, %lt3A_437 : vector<16xi32>
      %and3A_439 = arith.andi %ge3A_435, %lt3A_438 : vector<16xi1>
      %ge3A_440 = arith.constant 0 : i32
      %ge3A_441 = vector.broadcast %ge3A_440 : i32 to vector<16xi32>
      %ge3A_442 = arith.cmpi sge, %convert_element_type3A_420, %ge3A_441 : vector<16xi32>
      %and3A_443 = arith.andi %and3A_439, %ge3A_442 : vector<16xi1>
      %lt3A_444 = arith.constant 16 : i32
      %lt3A_445 = vector.broadcast %lt3A_444 : i32 to vector<16xi32>
      %lt3A_446 = arith.cmpi slt, %convert_element_type3A_420, %lt3A_445 : vector<16xi32>
      %and3A_447 = arith.andi %and3A_443, %lt3A_446 : vector<16xi1>
      %ge3A_448 = arith.constant 0 : i32
      %ge3A_449 = vector.broadcast %ge3A_448 : i32 to vector<16xi32>
      %ge3A_450 = arith.cmpi sge, %convert_element_type3A_421, %ge3A_449 : vector<16xi32>
      %and3A_451 = arith.andi %and3A_447, %ge3A_450 : vector<16xi1>
      %lt3A_452 = arith.constant 10 : i32
      %lt3A_453 = vector.broadcast %lt3A_452 : i32 to vector<16xi32>
      %lt3A_454 = arith.cmpi slt, %convert_element_type3A_421, %lt3A_453 : vector<16xi32>
      %and3A_455 = arith.andi %and3A_451, %lt3A_454 : vector<16xi1>
      %and3A_456 = arith.andi %and3A_455, %or3A_432 : vector<16xi1>
      %mul3A_457 = arith.constant 160 : i32
      %mul3A_458 = vector.broadcast %mul3A_457 : i32 to vector<16xi32>
      %mul3A_459 = arith.muli %convert_element_type3A_419, %mul3A_458 : vector<16xi32>
      %mul3A_460 = arith.constant 10 : i32
      %mul3A_461 = vector.broadcast %mul3A_460 : i32 to vector<16xi32>
      %mul3A_462 = arith.muli %convert_element_type3A_420, %mul3A_461 : vector<16xi32>
      %add3A_463 = arith.addi %mul3A_459, %mul3A_462 : vector<16xi32>
      %add3A_464 = arith.addi %add3A_463, %convert_element_type3A_421 : vector<16xi32>
      %jit3A_465 = arith.constant 2560 : i32
      %broadcast_in_dim3A_466 = vector.broadcast %jit3A_465 : i32 to vector<16xi32>
      %select_n3A_467 = arith.select %and3A_456, %add3A_464, %broadcast_in_dim3A_466 : vector<16xi1>, vector<16xi32>
      %unique3A_468, %unique3A_469 = tpu.scan_count mask(%broadcast_in_dim3A_42 : vector<16xi1>) value(%select_n3A_467 : vector<16xi32>) : vector<16xi1>, vector<16xi32>
      tpu.vector_store_idx %arg6[%select_n3A_467], %unique3A_469 masked %unique3A_468 {add = true} : memref<2688xi32, #tpu.memory_space<vmem>>[vector<16xi32>], vector<16xi32>, vector<16xi1>
    }
    %scan3A_238 = arith.constant 125 : i32
    %add3A_239 = arith.constant 22000 : i32
    %add3A_240 = arith.addi %add3A_35, %add3A_239 : i32
    %dma_start3A_241 = tpu.memref_slice %arg2[%add3A_240] : memref<800000xf32, #tpu.memory_space<hbm>> -> memref<2000xf32, #tpu.memory_space<hbm>>
    %dma_start3A_242 = tpu.memref_slice %arg2[%add3A_240] : memref<800000xf32, #tpu.memory_space<hbm>> -> memref<2000xf32, #tpu.memory_space<hbm>>
    tpu.enqueue_dma source(%dma_start3A_242 : memref<2000xf32, #tpu.memory_space<hbm>>) target(%arg10 : memref<2000xf32, #tpu.memory_space<vmem>>) target_semaphore(%arg14 : memref<!tpu.dma_semaphore, #tpu.memory_space<semaphore_mem>>)
    %dma_start3A_243 = tpu.memref_slice %arg3[%add3A_240] : memref<800000xf32, #tpu.memory_space<hbm>> -> memref<2000xf32, #tpu.memory_space<hbm>>
    %dma_start3A_244 = tpu.memref_slice %arg3[%add3A_240] : memref<800000xf32, #tpu.memory_space<hbm>> -> memref<2000xf32, #tpu.memory_space<hbm>>
    tpu.enqueue_dma source(%dma_start3A_244 : memref<2000xf32, #tpu.memory_space<hbm>>) target(%arg11 : memref<2000xf32, #tpu.memory_space<vmem>>) target_semaphore(%arg14 : memref<!tpu.dma_semaphore, #tpu.memory_space<semaphore_mem>>)
    %dma_start3A_245 = tpu.memref_slice %arg4[%add3A_240] : memref<800000xf32, #tpu.memory_space<hbm>> -> memref<2000xf32, #tpu.memory_space<hbm>>
    %dma_start3A_246 = tpu.memref_slice %arg4[%add3A_240] : memref<800000xf32, #tpu.memory_space<hbm>> -> memref<2000xf32, #tpu.memory_space<hbm>>
    tpu.enqueue_dma source(%dma_start3A_246 : memref<2000xf32, #tpu.memory_space<hbm>>) target(%arg12 : memref<2000xf32, #tpu.memory_space<vmem>>) target_semaphore(%arg14 : memref<!tpu.dma_semaphore, #tpu.memory_space<semaphore_mem>>)
    %dma_wait3A_247 = tpu.memref_slice %arg2[%add3A_221] : memref<800000xf32, #tpu.memory_space<hbm>> -> memref<2000xf32, #tpu.memory_space<hbm>>
    %dma_wait3A_248 = tpu.memref_slice %arg2[%add3A_221] : memref<800000xf32, #tpu.memory_space<hbm>> -> memref<2000xf32, #tpu.memory_space<hbm>>
    tpu.wait_dma2 semaphore(%arg13 : memref<!tpu.dma_semaphore, #tpu.memory_space<semaphore_mem>>) src(%dma_wait3A_248 : memref<2000xf32, #tpu.memory_space<hbm>>) dst(%arg7 : memref<2000xf32, #tpu.memory_space<vmem>>)
    %dma_wait3A_249 = tpu.memref_slice %arg3[%add3A_221] : memref<800000xf32, #tpu.memory_space<hbm>> -> memref<2000xf32, #tpu.memory_space<hbm>>
    %dma_wait3A_250 = tpu.memref_slice %arg3[%add3A_221] : memref<800000xf32, #tpu.memory_space<hbm>> -> memref<2000xf32, #tpu.memory_space<hbm>>
    tpu.wait_dma2 semaphore(%arg13 : memref<!tpu.dma_semaphore, #tpu.memory_space<semaphore_mem>>) src(%dma_wait3A_250 : memref<2000xf32, #tpu.memory_space<hbm>>) dst(%arg8 : memref<2000xf32, #tpu.memory_space<vmem>>)
    %dma_wait3A_251 = tpu.memref_slice %arg4[%add3A_221] : memref<800000xf32, #tpu.memory_space<hbm>> -> memref<2000xf32, #tpu.memory_space<hbm>>
    %dma_wait3A_252 = tpu.memref_slice %arg4[%add3A_221] : memref<800000xf32, #tpu.memory_space<hbm>> -> memref<2000xf32, #tpu.memory_space<hbm>>
    tpu.wait_dma2 semaphore(%arg13 : memref<!tpu.dma_semaphore, #tpu.memory_space<semaphore_mem>>) src(%dma_wait3A_252 : memref<2000xf32, #tpu.memory_space<hbm>>) dst(%arg9 : memref<2000xf32, #tpu.memory_space<vmem>>)
    %scan3A_253 = arith.constant 0 : i32
    %scan3A_254 = arith.constant 125 : i32
    %scan3A_255 = arith.addi %scan3A_253, %scan3A_254 : i32
    %scan3A_256 = arith.constant 1 : i32
    scf.for %scan3A_390 = %scan3A_253 to %scan3A_255 step %scan3A_256  : i32 {
      %mul3A_391 = arith.constant 16 : i32
      %mul3A_392 = arith.muli %scan3A_390, %mul3A_391 : i32
      %add3A_393 = arith.constant 0 : i32
      %add3A_394 = arith.addi %add3A_393, %mul3A_392 : i32
      %get3A_395 = arith.index_cast %add3A_394 : i32 to index
      %get3A_396 = tpu.vector_load %arg7[%get3A_395] {strides = array<i32>} : memref<2000xf32, #tpu.memory_space<vmem>>, vector<16xf32>,
      %get3A_397 = arith.index_cast %add3A_394 : i32 to index
      %get3A_398 = tpu.vector_load %arg8[%get3A_397] {strides = array<i32>} : memref<2000xf32, #tpu.memory_space<vmem>>, vector<16xf32>,
      %get3A_399 = arith.index_cast %add3A_394 : i32 to index
      %get3A_400 = tpu.vector_load %arg9[%get3A_399] {strides = array<i32>} : memref<2000xf32, #tpu.memory_space<vmem>>, vector<16xf32>,
      %sub3A_401 = arith.constant 0.000000e+00 : f32
      %sub3A_402 = vector.broadcast %sub3A_401 : f32 to vector<16xf32>
      %sub3A_403 = arith.subf %get3A_396, %sub3A_402 : vector<16xf32>
      %div3A_404 = arith.constant 4.000000e-01 : f32
      %div3A_405 = vector.broadcast %div3A_404 : f32 to vector<16xf32>
      %div3A_406 = arith.divf %sub3A_403, %div3A_405 : vector<16xf32>
      %sub3A_407 = arith.constant -3.200000e+00 : f32
      %sub3A_408 = vector.broadcast %sub3A_407 : f32 to vector<16xf32>
      %sub3A_409 = arith.subf %get3A_398, %sub3A_408 : vector<16xf32>
      %div3A_410 = arith.constant 4.000000e-01 : f32
      %div3A_411 = vector.broadcast %div3A_410 : f32 to vector<16xf32>
      %div3A_412 = arith.divf %sub3A_409, %div3A_411 : vector<16xf32>
      %sub3A_413 = arith.constant -2.000000e+00 : f32
      %sub3A_414 = vector.broadcast %sub3A_413 : f32 to vector<16xf32>
      %sub3A_415 = arith.subf %get3A_400, %sub3A_414 : vector<16xf32>
      %div3A_416 = arith.constant 4.000000e-01 : f32
      %div3A_417 = vector.broadcast %div3A_416 : f32 to vector<16xf32>
      %div3A_418 = arith.divf %sub3A_415, %div3A_417 : vector<16xf32>
      %convert_element_type3A_419 = arith.fptosi %div3A_406 : vector<16xf32> to vector<16xi32>
      %convert_element_type3A_420 = arith.fptosi %div3A_412 : vector<16xf32> to vector<16xi32>
      %convert_element_type3A_421 = arith.fptosi %div3A_418 : vector<16xf32> to vector<16xi32>
      %ne3A_422 = arith.constant 0.000000e+00 : f32
      %ne3A_423 = vector.broadcast %ne3A_422 : f32 to vector<16xf32>
      %ne3A_424 = arith.cmpf one, %get3A_396, %ne3A_423 : vector<16xf32>
      %ne3A_425 = arith.constant 0.000000e+00 : f32
      %ne3A_426 = vector.broadcast %ne3A_425 : f32 to vector<16xf32>
      %ne3A_427 = arith.cmpf one, %get3A_398, %ne3A_426 : vector<16xf32>
      %or3A_428 = arith.ori %ne3A_424, %ne3A_427 : vector<16xi1>
      %ne3A_429 = arith.constant 0.000000e+00 : f32
      %ne3A_430 = vector.broadcast %ne3A_429 : f32 to vector<16xf32>
      %ne3A_431 = arith.cmpf one, %get3A_400, %ne3A_430 : vector<16xf32>
      %or3A_432 = arith.ori %or3A_428, %ne3A_431 : vector<16xi1>
      %ge3A_433 = arith.constant 0 : i32
      %ge3A_434 = vector.broadcast %ge3A_433 : i32 to vector<16xi32>
      %ge3A_435 = arith.cmpi sge, %convert_element_type3A_419, %ge3A_434 : vector<16xi32>
      %lt3A_436 = arith.constant 16 : i32
      %lt3A_437 = vector.broadcast %lt3A_436 : i32 to vector<16xi32>
      %lt3A_438 = arith.cmpi slt, %convert_element_type3A_419, %lt3A_437 : vector<16xi32>
      %and3A_439 = arith.andi %ge3A_435, %lt3A_438 : vector<16xi1>
      %ge3A_440 = arith.constant 0 : i32
      %ge3A_441 = vector.broadcast %ge3A_440 : i32 to vector<16xi32>
      %ge3A_442 = arith.cmpi sge, %convert_element_type3A_420, %ge3A_441 : vector<16xi32>
      %and3A_443 = arith.andi %and3A_439, %ge3A_442 : vector<16xi1>
      %lt3A_444 = arith.constant 16 : i32
      %lt3A_445 = vector.broadcast %lt3A_444 : i32 to vector<16xi32>
      %lt3A_446 = arith.cmpi slt, %convert_element_type3A_420, %lt3A_445 : vector<16xi32>
      %and3A_447 = arith.andi %and3A_443, %lt3A_446 : vector<16xi1>
      %ge3A_448 = arith.constant 0 : i32
      %ge3A_449 = vector.broadcast %ge3A_448 : i32 to vector<16xi32>
      %ge3A_450 = arith.cmpi sge, %convert_element_type3A_421, %ge3A_449 : vector<16xi32>
      %and3A_451 = arith.andi %and3A_447, %ge3A_450 : vector<16xi1>
      %lt3A_452 = arith.constant 10 : i32
      %lt3A_453 = vector.broadcast %lt3A_452 : i32 to vector<16xi32>
      %lt3A_454 = arith.cmpi slt, %convert_element_type3A_421, %lt3A_453 : vector<16xi32>
      %and3A_455 = arith.andi %and3A_451, %lt3A_454 : vector<16xi1>
      %and3A_456 = arith.andi %and3A_455, %or3A_432 : vector<16xi1>
      %mul3A_457 = arith.constant 160 : i32
      %mul3A_458 = vector.broadcast %mul3A_457 : i32 to vector<16xi32>
      %mul3A_459 = arith.muli %convert_element_type3A_419, %mul3A_458 : vector<16xi32>
      %mul3A_460 = arith.constant 10 : i32
      %mul3A_461 = vector.broadcast %mul3A_460 : i32 to vector<16xi32>
      %mul3A_462 = arith.muli %convert_element_type3A_420, %mul3A_461 : vector<16xi32>
      %add3A_463 = arith.addi %mul3A_459, %mul3A_462 : vector<16xi32>
      %add3A_464 = arith.addi %add3A_463, %convert_element_type3A_421 : vector<16xi32>
      %jit3A_465 = arith.constant 2560 : i32
      %broadcast_in_dim3A_466 = vector.broadcast %jit3A_465 : i32 to vector<16xi32>
      %select_n3A_467 = arith.select %and3A_456, %add3A_464, %broadcast_in_dim3A_466 : vector<16xi1>, vector<16xi32>
      %unique3A_468, %unique3A_469 = tpu.scan_count mask(%broadcast_in_dim3A_42 : vector<16xi1>) value(%select_n3A_467 : vector<16xi32>) : vector<16xi1>, vector<16xi32>
      tpu.vector_store_idx %arg6[%select_n3A_467], %unique3A_469 masked %unique3A_468 {add = true} : memref<2688xi32, #tpu.memory_space<vmem>>[vector<16xi32>], vector<16xi32>, vector<16xi1>
    }
    %scan3A_257 = arith.constant 125 : i32
    %add3A_258 = arith.constant 24000 : i32
    %add3A_259 = arith.addi %add3A_35, %add3A_258 : i32
    %dma_start3A_260 = arith.constant 0 : i32
    %dma_start3A_261 = tpu.memref_slice %arg7[%dma_start3A_260] : memref<2000xf32, #tpu.memory_space<vmem>> -> memref<1000xf32, #tpu.memory_space<vmem>>
    %dma_start3A_262 = tpu.memref_slice %arg2[%add3A_259] : memref<800000xf32, #tpu.memory_space<hbm>> -> memref<1000xf32, #tpu.memory_space<hbm>>
    %dma_start3A_263 = arith.constant 0 : i32
    %dma_start3A_264 = tpu.memref_slice %arg7[%dma_start3A_263] : memref<2000xf32, #tpu.memory_space<vmem>> -> memref<1000xf32, #tpu.memory_space<vmem>>
    %dma_start3A_265 = tpu.memref_slice %arg2[%add3A_259] : memref<800000xf32, #tpu.memory_space<hbm>> -> memref<1000xf32, #tpu.memory_space<hbm>>
    tpu.enqueue_dma source(%dma_start3A_265 : memref<1000xf32, #tpu.memory_space<hbm>>) target(%dma_start3A_264 : memref<1000xf32, #tpu.memory_space<vmem>>) target_semaphore(%arg13 : memref<!tpu.dma_semaphore, #tpu.memory_space<semaphore_mem>>)
    %dma_start3A_266 = arith.constant 0 : i32
    %dma_start3A_267 = tpu.memref_slice %arg8[%dma_start3A_266] : memref<2000xf32, #tpu.memory_space<vmem>> -> memref<1000xf32, #tpu.memory_space<vmem>>
    %dma_start3A_268 = tpu.memref_slice %arg3[%add3A_259] : memref<800000xf32, #tpu.memory_space<hbm>> -> memref<1000xf32, #tpu.memory_space<hbm>>
    %dma_start3A_269 = arith.constant 0 : i32
    %dma_start3A_270 = tpu.memref_slice %arg8[%dma_start3A_269] : memref<2000xf32, #tpu.memory_space<vmem>> -> memref<1000xf32, #tpu.memory_space<vmem>>
    %dma_start3A_271 = tpu.memref_slice %arg3[%add3A_259] : memref<800000xf32, #tpu.memory_space<hbm>> -> memref<1000xf32, #tpu.memory_space<hbm>>
    tpu.enqueue_dma source(%dma_start3A_271 : memref<1000xf32, #tpu.memory_space<hbm>>) target(%dma_start3A_270 : memref<1000xf32, #tpu.memory_space<vmem>>) target_semaphore(%arg13 : memref<!tpu.dma_semaphore, #tpu.memory_space<semaphore_mem>>)
    %dma_start3A_272 = arith.constant 0 : i32
    %dma_start3A_273 = tpu.memref_slice %arg9[%dma_start3A_272] : memref<2000xf32, #tpu.memory_space<vmem>> -> memref<1000xf32, #tpu.memory_space<vmem>>
    %dma_start3A_274 = tpu.memref_slice %arg4[%add3A_259] : memref<800000xf32, #tpu.memory_space<hbm>> -> memref<1000xf32, #tpu.memory_space<hbm>>
    %dma_start3A_275 = arith.constant 0 : i32
    %dma_start3A_276 = tpu.memref_slice %arg9[%dma_start3A_275] : memref<2000xf32, #tpu.memory_space<vmem>> -> memref<1000xf32, #tpu.memory_space<vmem>>
    %dma_start3A_277 = tpu.memref_slice %arg4[%add3A_259] : memref<800000xf32, #tpu.memory_space<hbm>> -> memref<1000xf32, #tpu.memory_space<hbm>>
    tpu.enqueue_dma source(%dma_start3A_277 : memref<1000xf32, #tpu.memory_space<hbm>>) target(%dma_start3A_276 : memref<1000xf32, #tpu.memory_space<vmem>>) target_semaphore(%arg13 : memref<!tpu.dma_semaphore, #tpu.memory_space<semaphore_mem>>)
    %dma_wait3A_278 = tpu.memref_slice %arg2[%add3A_240] : memref<800000xf32, #tpu.memory_space<hbm>> -> memref<2000xf32, #tpu.memory_space<hbm>>
    %dma_wait3A_279 = tpu.memref_slice %arg2[%add3A_240] : memref<800000xf32, #tpu.memory_space<hbm>> -> memref<2000xf32, #tpu.memory_space<hbm>>
    tpu.wait_dma2 semaphore(%arg14 : memref<!tpu.dma_semaphore, #tpu.memory_space<semaphore_mem>>) src(%dma_wait3A_279 : memref<2000xf32, #tpu.memory_space<hbm>>) dst(%arg10 : memref<2000xf32, #tpu.memory_space<vmem>>)
    %dma_wait3A_280 = tpu.memref_slice %arg3[%add3A_240] : memref<800000xf32, #tpu.memory_space<hbm>> -> memref<2000xf32, #tpu.memory_space<hbm>>
    %dma_wait3A_281 = tpu.memref_slice %arg3[%add3A_240] : memref<800000xf32, #tpu.memory_space<hbm>> -> memref<2000xf32, #tpu.memory_space<hbm>>
    tpu.wait_dma2 semaphore(%arg14 : memref<!tpu.dma_semaphore, #tpu.memory_space<semaphore_mem>>) src(%dma_wait3A_281 : memref<2000xf32, #tpu.memory_space<hbm>>) dst(%arg11 : memref<2000xf32, #tpu.memory_space<vmem>>)
    %dma_wait3A_282 = tpu.memref_slice %arg4[%add3A_240] : memref<800000xf32, #tpu.memory_space<hbm>> -> memref<2000xf32, #tpu.memory_space<hbm>>
    %dma_wait3A_283 = tpu.memref_slice %arg4[%add3A_240] : memref<800000xf32, #tpu.memory_space<hbm>> -> memref<2000xf32, #tpu.memory_space<hbm>>
    tpu.wait_dma2 semaphore(%arg14 : memref<!tpu.dma_semaphore, #tpu.memory_space<semaphore_mem>>) src(%dma_wait3A_283 : memref<2000xf32, #tpu.memory_space<hbm>>) dst(%arg12 : memref<2000xf32, #tpu.memory_space<vmem>>)
    %scan3A_284 = arith.constant 0 : i32
    %scan3A_285 = arith.constant 125 : i32
    %scan3A_286 = arith.addi %scan3A_284, %scan3A_285 : i32
    %scan3A_287 = arith.constant 1 : i32
    scf.for %scan3A_390 = %scan3A_284 to %scan3A_286 step %scan3A_287  : i32 {
      %mul3A_391 = arith.constant 16 : i32
      %mul3A_392 = arith.muli %scan3A_390, %mul3A_391 : i32
      %add3A_393 = arith.constant 0 : i32
      %add3A_394 = arith.addi %add3A_393, %mul3A_392 : i32
      %get3A_395 = arith.index_cast %add3A_394 : i32 to index
      %get3A_396 = tpu.vector_load %arg10[%get3A_395] {strides = array<i32>} : memref<2000xf32, #tpu.memory_space<vmem>>, vector<16xf32>,
      %get3A_397 = arith.index_cast %add3A_394 : i32 to index
      %get3A_398 = tpu.vector_load %arg11[%get3A_397] {strides = array<i32>} : memref<2000xf32, #tpu.memory_space<vmem>>, vector<16xf32>,
      %get3A_399 = arith.index_cast %add3A_394 : i32 to index
      %get3A_400 = tpu.vector_load %arg12[%get3A_399] {strides = array<i32>} : memref<2000xf32, #tpu.memory_space<vmem>>, vector<16xf32>,
      %sub3A_401 = arith.constant 0.000000e+00 : f32
      %sub3A_402 = vector.broadcast %sub3A_401 : f32 to vector<16xf32>
      %sub3A_403 = arith.subf %get3A_396, %sub3A_402 : vector<16xf32>
      %div3A_404 = arith.constant 4.000000e-01 : f32
      %div3A_405 = vector.broadcast %div3A_404 : f32 to vector<16xf32>
      %div3A_406 = arith.divf %sub3A_403, %div3A_405 : vector<16xf32>
      %sub3A_407 = arith.constant -3.200000e+00 : f32
      %sub3A_408 = vector.broadcast %sub3A_407 : f32 to vector<16xf32>
      %sub3A_409 = arith.subf %get3A_398, %sub3A_408 : vector<16xf32>
      %div3A_410 = arith.constant 4.000000e-01 : f32
      %div3A_411 = vector.broadcast %div3A_410 : f32 to vector<16xf32>
      %div3A_412 = arith.divf %sub3A_409, %div3A_411 : vector<16xf32>
      %sub3A_413 = arith.constant -2.000000e+00 : f32
      %sub3A_414 = vector.broadcast %sub3A_413 : f32 to vector<16xf32>
      %sub3A_415 = arith.subf %get3A_400, %sub3A_414 : vector<16xf32>
      %div3A_416 = arith.constant 4.000000e-01 : f32
      %div3A_417 = vector.broadcast %div3A_416 : f32 to vector<16xf32>
      %div3A_418 = arith.divf %sub3A_415, %div3A_417 : vector<16xf32>
      %convert_element_type3A_419 = arith.fptosi %div3A_406 : vector<16xf32> to vector<16xi32>
      %convert_element_type3A_420 = arith.fptosi %div3A_412 : vector<16xf32> to vector<16xi32>
      %convert_element_type3A_421 = arith.fptosi %div3A_418 : vector<16xf32> to vector<16xi32>
      %ne3A_422 = arith.constant 0.000000e+00 : f32
      %ne3A_423 = vector.broadcast %ne3A_422 : f32 to vector<16xf32>
      %ne3A_424 = arith.cmpf one, %get3A_396, %ne3A_423 : vector<16xf32>
      %ne3A_425 = arith.constant 0.000000e+00 : f32
      %ne3A_426 = vector.broadcast %ne3A_425 : f32 to vector<16xf32>
      %ne3A_427 = arith.cmpf one, %get3A_398, %ne3A_426 : vector<16xf32>
      %or3A_428 = arith.ori %ne3A_424, %ne3A_427 : vector<16xi1>
      %ne3A_429 = arith.constant 0.000000e+00 : f32
      %ne3A_430 = vector.broadcast %ne3A_429 : f32 to vector<16xf32>
      %ne3A_431 = arith.cmpf one, %get3A_400, %ne3A_430 : vector<16xf32>
      %or3A_432 = arith.ori %or3A_428, %ne3A_431 : vector<16xi1>
      %ge3A_433 = arith.constant 0 : i32
      %ge3A_434 = vector.broadcast %ge3A_433 : i32 to vector<16xi32>
      %ge3A_435 = arith.cmpi sge, %convert_element_type3A_419, %ge3A_434 : vector<16xi32>
      %lt3A_436 = arith.constant 16 : i32
      %lt3A_437 = vector.broadcast %lt3A_436 : i32 to vector<16xi32>
      %lt3A_438 = arith.cmpi slt, %convert_element_type3A_419, %lt3A_437 : vector<16xi32>
      %and3A_439 = arith.andi %ge3A_435, %lt3A_438 : vector<16xi1>
      %ge3A_440 = arith.constant 0 : i32
      %ge3A_441 = vector.broadcast %ge3A_440 : i32 to vector<16xi32>
      %ge3A_442 = arith.cmpi sge, %convert_element_type3A_420, %ge3A_441 : vector<16xi32>
      %and3A_443 = arith.andi %and3A_439, %ge3A_442 : vector<16xi1>
      %lt3A_444 = arith.constant 16 : i32
      %lt3A_445 = vector.broadcast %lt3A_444 : i32 to vector<16xi32>
      %lt3A_446 = arith.cmpi slt, %convert_element_type3A_420, %lt3A_445 : vector<16xi32>
      %and3A_447 = arith.andi %and3A_443, %lt3A_446 : vector<16xi1>
      %ge3A_448 = arith.constant 0 : i32
      %ge3A_449 = vector.broadcast %ge3A_448 : i32 to vector<16xi32>
      %ge3A_450 = arith.cmpi sge, %convert_element_type3A_421, %ge3A_449 : vector<16xi32>
      %and3A_451 = arith.andi %and3A_447, %ge3A_450 : vector<16xi1>
      %lt3A_452 = arith.constant 10 : i32
      %lt3A_453 = vector.broadcast %lt3A_452 : i32 to vector<16xi32>
      %lt3A_454 = arith.cmpi slt, %convert_element_type3A_421, %lt3A_453 : vector<16xi32>
      %and3A_455 = arith.andi %and3A_451, %lt3A_454 : vector<16xi1>
      %and3A_456 = arith.andi %and3A_455, %or3A_432 : vector<16xi1>
      %mul3A_457 = arith.constant 160 : i32
      %mul3A_458 = vector.broadcast %mul3A_457 : i32 to vector<16xi32>
      %mul3A_459 = arith.muli %convert_element_type3A_419, %mul3A_458 : vector<16xi32>
      %mul3A_460 = arith.constant 10 : i32
      %mul3A_461 = vector.broadcast %mul3A_460 : i32 to vector<16xi32>
      %mul3A_462 = arith.muli %convert_element_type3A_420, %mul3A_461 : vector<16xi32>
      %add3A_463 = arith.addi %mul3A_459, %mul3A_462 : vector<16xi32>
      %add3A_464 = arith.addi %add3A_463, %convert_element_type3A_421 : vector<16xi32>
      %jit3A_465 = arith.constant 2560 : i32
      %broadcast_in_dim3A_466 = vector.broadcast %jit3A_465 : i32 to vector<16xi32>
      %select_n3A_467 = arith.select %and3A_456, %add3A_464, %broadcast_in_dim3A_466 : vector<16xi1>, vector<16xi32>
      %unique3A_468, %unique3A_469 = tpu.scan_count mask(%broadcast_in_dim3A_42 : vector<16xi1>) value(%select_n3A_467 : vector<16xi32>) : vector<16xi1>, vector<16xi32>
      tpu.vector_store_idx %arg6[%select_n3A_467], %unique3A_469 masked %unique3A_468 {add = true} : memref<2688xi32, #tpu.memory_space<vmem>>[vector<16xi32>], vector<16xi32>, vector<16xi1>
    }
    %scan3A_288 = arith.constant 125 : i32
    %dma_wait3A_289 = arith.constant 0 : i32
    %dma_wait3A_290 = tpu.memref_slice %arg7[%dma_wait3A_289] : memref<2000xf32, #tpu.memory_space<vmem>> -> memref<1000xf32, #tpu.memory_space<vmem>>
    %dma_wait3A_291 = tpu.memref_slice %arg2[%add3A_259] : memref<800000xf32, #tpu.memory_space<hbm>> -> memref<1000xf32, #tpu.memory_space<hbm>>
    %dma_wait3A_292 = arith.constant 0 : i32
    %dma_wait3A_293 = tpu.memref_slice %arg7[%dma_wait3A_292] : memref<2000xf32, #tpu.memory_space<vmem>> -> memref<1000xf32, #tpu.memory_space<vmem>>
    %dma_wait3A_294 = tpu.memref_slice %arg2[%add3A_259] : memref<800000xf32, #tpu.memory_space<hbm>> -> memref<1000xf32, #tpu.memory_space<hbm>>
    tpu.wait_dma2 semaphore(%arg13 : memref<!tpu.dma_semaphore, #tpu.memory_space<semaphore_mem>>) src(%dma_wait3A_294 : memref<1000xf32, #tpu.memory_space<hbm>>) dst(%dma_wait3A_293 : memref<1000xf32, #tpu.memory_space<vmem>>)
    %dma_wait3A_295 = arith.constant 0 : i32
    %dma_wait3A_296 = tpu.memref_slice %arg8[%dma_wait3A_295] : memref<2000xf32, #tpu.memory_space<vmem>> -> memref<1000xf32, #tpu.memory_space<vmem>>
    %dma_wait3A_297 = tpu.memref_slice %arg3[%add3A_259] : memref<800000xf32, #tpu.memory_space<hbm>> -> memref<1000xf32, #tpu.memory_space<hbm>>
    %dma_wait3A_298 = arith.constant 0 : i32
    %dma_wait3A_299 = tpu.memref_slice %arg8[%dma_wait3A_298] : memref<2000xf32, #tpu.memory_space<vmem>> -> memref<1000xf32, #tpu.memory_space<vmem>>
    %dma_wait3A_300 = tpu.memref_slice %arg3[%add3A_259] : memref<800000xf32, #tpu.memory_space<hbm>> -> memref<1000xf32, #tpu.memory_space<hbm>>
    tpu.wait_dma2 semaphore(%arg13 : memref<!tpu.dma_semaphore, #tpu.memory_space<semaphore_mem>>) src(%dma_wait3A_300 : memref<1000xf32, #tpu.memory_space<hbm>>) dst(%dma_wait3A_299 : memref<1000xf32, #tpu.memory_space<vmem>>)
    %dma_wait3A_301 = arith.constant 0 : i32
    %dma_wait3A_302 = tpu.memref_slice %arg9[%dma_wait3A_301] : memref<2000xf32, #tpu.memory_space<vmem>> -> memref<1000xf32, #tpu.memory_space<vmem>>
    %dma_wait3A_303 = tpu.memref_slice %arg4[%add3A_259] : memref<800000xf32, #tpu.memory_space<hbm>> -> memref<1000xf32, #tpu.memory_space<hbm>>
    %dma_wait3A_304 = arith.constant 0 : i32
    %dma_wait3A_305 = tpu.memref_slice %arg9[%dma_wait3A_304] : memref<2000xf32, #tpu.memory_space<vmem>> -> memref<1000xf32, #tpu.memory_space<vmem>>
    %dma_wait3A_306 = tpu.memref_slice %arg4[%add3A_259] : memref<800000xf32, #tpu.memory_space<hbm>> -> memref<1000xf32, #tpu.memory_space<hbm>>
    tpu.wait_dma2 semaphore(%arg13 : memref<!tpu.dma_semaphore, #tpu.memory_space<semaphore_mem>>) src(%dma_wait3A_306 : memref<1000xf32, #tpu.memory_space<hbm>>) dst(%dma_wait3A_305 : memref<1000xf32, #tpu.memory_space<vmem>>)
    %scan3A_307 = arith.constant 0 : i32
    %scan3A_308 = arith.constant 62 : i32
    %scan3A_309 = arith.addi %scan3A_307, %scan3A_308 : i32
    %scan3A_310 = arith.constant 1 : i32
    scf.for %scan3A_390 = %scan3A_307 to %scan3A_309 step %scan3A_310  : i32 {
      %mul3A_391 = arith.constant 16 : i32
      %mul3A_392 = arith.muli %scan3A_390, %mul3A_391 : i32
      %add3A_393 = arith.constant 0 : i32
      %add3A_394 = arith.addi %add3A_393, %mul3A_392 : i32
      %get3A_395 = arith.index_cast %add3A_394 : i32 to index
      %get3A_396 = tpu.vector_load %arg7[%get3A_395] {strides = array<i32>} : memref<2000xf32, #tpu.memory_space<vmem>>, vector<16xf32>,
      %get3A_397 = arith.index_cast %add3A_394 : i32 to index
      %get3A_398 = tpu.vector_load %arg8[%get3A_397] {strides = array<i32>} : memref<2000xf32, #tpu.memory_space<vmem>>, vector<16xf32>,
      %get3A_399 = arith.index_cast %add3A_394 : i32 to index
      %get3A_400 = tpu.vector_load %arg9[%get3A_399] {strides = array<i32>} : memref<2000xf32, #tpu.memory_space<vmem>>, vector<16xf32>,
      %sub3A_401 = arith.constant 0.000000e+00 : f32
      %sub3A_402 = vector.broadcast %sub3A_401 : f32 to vector<16xf32>
      %sub3A_403 = arith.subf %get3A_396, %sub3A_402 : vector<16xf32>
      %div3A_404 = arith.constant 4.000000e-01 : f32
      %div3A_405 = vector.broadcast %div3A_404 : f32 to vector<16xf32>
      %div3A_406 = arith.divf %sub3A_403, %div3A_405 : vector<16xf32>
      %sub3A_407 = arith.constant -3.200000e+00 : f32
      %sub3A_408 = vector.broadcast %sub3A_407 : f32 to vector<16xf32>
      %sub3A_409 = arith.subf %get3A_398, %sub3A_408 : vector<16xf32>
      %div3A_410 = arith.constant 4.000000e-01 : f32
      %div3A_411 = vector.broadcast %div3A_410 : f32 to vector<16xf32>
      %div3A_412 = arith.divf %sub3A_409, %div3A_411 : vector<16xf32>
      %sub3A_413 = arith.constant -2.000000e+00 : f32
      %sub3A_414 = vector.broadcast %sub3A_413 : f32 to vector<16xf32>
      %sub3A_415 = arith.subf %get3A_400, %sub3A_414 : vector<16xf32>
      %div3A_416 = arith.constant 4.000000e-01 : f32
      %div3A_417 = vector.broadcast %div3A_416 : f32 to vector<16xf32>
      %div3A_418 = arith.divf %sub3A_415, %div3A_417 : vector<16xf32>
      %convert_element_type3A_419 = arith.fptosi %div3A_406 : vector<16xf32> to vector<16xi32>
      %convert_element_type3A_420 = arith.fptosi %div3A_412 : vector<16xf32> to vector<16xi32>
      %convert_element_type3A_421 = arith.fptosi %div3A_418 : vector<16xf32> to vector<16xi32>
      %ne3A_422 = arith.constant 0.000000e+00 : f32
      %ne3A_423 = vector.broadcast %ne3A_422 : f32 to vector<16xf32>
      %ne3A_424 = arith.cmpf one, %get3A_396, %ne3A_423 : vector<16xf32>
      %ne3A_425 = arith.constant 0.000000e+00 : f32
      %ne3A_426 = vector.broadcast %ne3A_425 : f32 to vector<16xf32>
      %ne3A_427 = arith.cmpf one, %get3A_398, %ne3A_426 : vector<16xf32>
      %or3A_428 = arith.ori %ne3A_424, %ne3A_427 : vector<16xi1>
      %ne3A_429 = arith.constant 0.000000e+00 : f32
      %ne3A_430 = vector.broadcast %ne3A_429 : f32 to vector<16xf32>
      %ne3A_431 = arith.cmpf one, %get3A_400, %ne3A_430 : vector<16xf32>
      %or3A_432 = arith.ori %or3A_428, %ne3A_431 : vector<16xi1>
      %ge3A_433 = arith.constant 0 : i32
      %ge3A_434 = vector.broadcast %ge3A_433 : i32 to vector<16xi32>
      %ge3A_435 = arith.cmpi sge, %convert_element_type3A_419, %ge3A_434 : vector<16xi32>
      %lt3A_436 = arith.constant 16 : i32
      %lt3A_437 = vector.broadcast %lt3A_436 : i32 to vector<16xi32>
      %lt3A_438 = arith.cmpi slt, %convert_element_type3A_419, %lt3A_437 : vector<16xi32>
      %and3A_439 = arith.andi %ge3A_435, %lt3A_438 : vector<16xi1>
      %ge3A_440 = arith.constant 0 : i32
      %ge3A_441 = vector.broadcast %ge3A_440 : i32 to vector<16xi32>
      %ge3A_442 = arith.cmpi sge, %convert_element_type3A_420, %ge3A_441 : vector<16xi32>
      %and3A_443 = arith.andi %and3A_439, %ge3A_442 : vector<16xi1>
      %lt3A_444 = arith.constant 16 : i32
      %lt3A_445 = vector.broadcast %lt3A_444 : i32 to vector<16xi32>
      %lt3A_446 = arith.cmpi slt, %convert_element_type3A_420, %lt3A_445 : vector<16xi32>
      %and3A_447 = arith.andi %and3A_443, %lt3A_446 : vector<16xi1>
      %ge3A_448 = arith.constant 0 : i32
      %ge3A_449 = vector.broadcast %ge3A_448 : i32 to vector<16xi32>
      %ge3A_450 = arith.cmpi sge, %convert_element_type3A_421, %ge3A_449 : vector<16xi32>
      %and3A_451 = arith.andi %and3A_447, %ge3A_450 : vector<16xi1>
      %lt3A_452 = arith.constant 10 : i32
      %lt3A_453 = vector.broadcast %lt3A_452 : i32 to vector<16xi32>
      %lt3A_454 = arith.cmpi slt, %convert_element_type3A_421, %lt3A_453 : vector<16xi32>
      %and3A_455 = arith.andi %and3A_451, %lt3A_454 : vector<16xi1>
      %and3A_456 = arith.andi %and3A_455, %or3A_432 : vector<16xi1>
      %mul3A_457 = arith.constant 160 : i32
      %mul3A_458 = vector.broadcast %mul3A_457 : i32 to vector<16xi32>
      %mul3A_459 = arith.muli %convert_element_type3A_419, %mul3A_458 : vector<16xi32>
      %mul3A_460 = arith.constant 10 : i32
      %mul3A_461 = vector.broadcast %mul3A_460 : i32 to vector<16xi32>
      %mul3A_462 = arith.muli %convert_element_type3A_420, %mul3A_461 : vector<16xi32>
      %add3A_463 = arith.addi %mul3A_459, %mul3A_462 : vector<16xi32>
      %add3A_464 = arith.addi %add3A_463, %convert_element_type3A_421 : vector<16xi32>
      %jit3A_465 = arith.constant 2560 : i32
      %broadcast_in_dim3A_466 = vector.broadcast %jit3A_465 : i32 to vector<16xi32>
      %select_n3A_467 = arith.select %and3A_456, %add3A_464, %broadcast_in_dim3A_466 : vector<16xi1>, vector<16xi32>
      %unique3A_468, %unique3A_469 = tpu.scan_count mask(%broadcast_in_dim3A_42 : vector<16xi1>) value(%select_n3A_467 : vector<16xi32>) : vector<16xi1>, vector<16xi32>
      tpu.vector_store_idx %arg6[%select_n3A_467], %unique3A_469 masked %unique3A_468 {add = true} : memref<2688xi32, #tpu.memory_space<vmem>>[vector<16xi32>], vector<16xi32>, vector<16xi1>
    }
    %scan3A_311 = arith.constant 62 : i32
    %lt3A_312 = arith.constant 8 : i32
    %lt3A_313 = vector.broadcast %lt3A_312 : i32 to vector<16xi32>
    %lt3A_314 = arith.cmpi slt, %iota3A, %lt3A_313 : vector<16xi32>
    %get3A = arith.constant 992 : index
    %get3A_315 = tpu.vector_load %arg7[%get3A] {strides = array<i32>} : memref<2000xf32, #tpu.memory_space<vmem>>, vector<16xf32>,
    %get3A_316 = arith.constant 992 : index
    %get3A_317 = tpu.vector_load %arg8[%get3A_316] {strides = array<i32>} : memref<2000xf32, #tpu.memory_space<vmem>>, vector<16xf32>,
    %get3A_318 = arith.constant 992 : index
    %get3A_319 = tpu.vector_load %arg9[%get3A_318] {strides = array<i32>} : memref<2000xf32, #tpu.memory_space<vmem>>, vector<16xf32>,
    %sub3A_320 = arith.constant 0.000000e+00 : f32
    %sub3A_321 = vector.broadcast %sub3A_320 : f32 to vector<16xf32>
    %sub3A_322 = arith.subf %get3A_315, %sub3A_321 : vector<16xf32>
    %div3A_323 = arith.constant 4.000000e-01 : f32
    %div3A_324 = vector.broadcast %div3A_323 : f32 to vector<16xf32>
    %div3A_325 = arith.divf %sub3A_322, %div3A_324 : vector<16xf32>
    %sub3A_326 = arith.constant -3.200000e+00 : f32
    %sub3A_327 = vector.broadcast %sub3A_326 : f32 to vector<16xf32>
    %sub3A_328 = arith.subf %get3A_317, %sub3A_327 : vector<16xf32>
    %div3A_329 = arith.constant 4.000000e-01 : f32
    %div3A_330 = vector.broadcast %div3A_329 : f32 to vector<16xf32>
    %div3A_331 = arith.divf %sub3A_328, %div3A_330 : vector<16xf32>
    %sub3A_332 = arith.constant -2.000000e+00 : f32
    %sub3A_333 = vector.broadcast %sub3A_332 : f32 to vector<16xf32>
    %sub3A_334 = arith.subf %get3A_319, %sub3A_333 : vector<16xf32>
    %div3A_335 = arith.constant 4.000000e-01 : f32
    %div3A_336 = vector.broadcast %div3A_335 : f32 to vector<16xf32>
    %div3A_337 = arith.divf %sub3A_334, %div3A_336 : vector<16xf32>
    %convert_element_type3A = arith.fptosi %div3A_325 : vector<16xf32> to vector<16xi32>
    %convert_element_type3A_338 = arith.fptosi %div3A_331 : vector<16xf32> to vector<16xi32>
    %convert_element_type3A_339 = arith.fptosi %div3A_337 : vector<16xf32> to vector<16xi32>
    %ne3A_340 = arith.constant 0.000000e+00 : f32
    %ne3A_341 = vector.broadcast %ne3A_340 : f32 to vector<16xf32>
    %ne3A_342 = arith.cmpf one, %get3A_315, %ne3A_341 : vector<16xf32>
    %ne3A_343 = arith.constant 0.000000e+00 : f32
    %ne3A_344 = vector.broadcast %ne3A_343 : f32 to vector<16xf32>
    %ne3A_345 = arith.cmpf one, %get3A_317, %ne3A_344 : vector<16xf32>
    %or3A = arith.ori %ne3A_342, %ne3A_345 : vector<16xi1>
    %ne3A_346 = arith.constant 0.000000e+00 : f32
    %ne3A_347 = vector.broadcast %ne3A_346 : f32 to vector<16xf32>
    %ne3A_348 = arith.cmpf one, %get3A_319, %ne3A_347 : vector<16xf32>
    %or3A_349 = arith.ori %or3A, %ne3A_348 : vector<16xi1>
    %ge3A = arith.constant 0 : i32
    %ge3A_350 = vector.broadcast %ge3A : i32 to vector<16xi32>
    %ge3A_351 = arith.cmpi sge, %convert_element_type3A, %ge3A_350 : vector<16xi32>
    %lt3A_352 = arith.constant 16 : i32
    %lt3A_353 = vector.broadcast %lt3A_352 : i32 to vector<16xi32>
    %lt3A_354 = arith.cmpi slt, %convert_element_type3A, %lt3A_353 : vector<16xi32>
    %and3A_355 = arith.andi %ge3A_351, %lt3A_354 : vector<16xi1>
    %ge3A_356 = arith.constant 0 : i32
    %ge3A_357 = vector.broadcast %ge3A_356 : i32 to vector<16xi32>
    %ge3A_358 = arith.cmpi sge, %convert_element_type3A_338, %ge3A_357 : vector<16xi32>
    %and3A_359 = arith.andi %and3A_355, %ge3A_358 : vector<16xi1>
    %lt3A_360 = arith.constant 16 : i32
    %lt3A_361 = vector.broadcast %lt3A_360 : i32 to vector<16xi32>
    %lt3A_362 = arith.cmpi slt, %convert_element_type3A_338, %lt3A_361 : vector<16xi32>
    %and3A_363 = arith.andi %and3A_359, %lt3A_362 : vector<16xi1>
    %ge3A_364 = arith.constant 0 : i32
    %ge3A_365 = vector.broadcast %ge3A_364 : i32 to vector<16xi32>
    %ge3A_366 = arith.cmpi sge, %convert_element_type3A_339, %ge3A_365 : vector<16xi32>
    %and3A_367 = arith.andi %and3A_363, %ge3A_366 : vector<16xi1>
    %lt3A_368 = arith.constant 10 : i32
    %lt3A_369 = vector.broadcast %lt3A_368 : i32 to vector<16xi32>
    %lt3A_370 = arith.cmpi slt, %convert_element_type3A_339, %lt3A_369 : vector<16xi32>
    %and3A_371 = arith.andi %and3A_367, %lt3A_370 : vector<16xi1>
    %and3A_372 = arith.andi %and3A_371, %or3A_349 : vector<16xi1>
    %mul3A_373 = arith.constant 160 : i32
    %mul3A_374 = vector.broadcast %mul3A_373 : i32 to vector<16xi32>
    %mul3A_375 = arith.muli %convert_element_type3A, %mul3A_374 : vector<16xi32>
    %mul3A_376 = arith.constant 10 : i32
    %mul3A_377 = vector.broadcast %mul3A_376 : i32 to vector<16xi32>
    %mul3A_378 = arith.muli %convert_element_type3A_338, %mul3A_377 : vector<16xi32>
    %add3A_379 = arith.addi %mul3A_375, %mul3A_378 : vector<16xi32>
    %add3A_380 = arith.addi %add3A_379, %convert_element_type3A_339 : vector<16xi32>
    %jit3A_381 = arith.constant 2560 : i32
    %broadcast_in_dim3A_382 = vector.broadcast %jit3A_381 : i32 to vector<16xi32>
    %select_n3A_383 = arith.select %and3A_372, %add3A_380, %broadcast_in_dim3A_382 : vector<16xi1>, vector<16xi32>
    %unique3A, %unique3A_384 = tpu.scan_count mask(%lt3A_314 : vector<16xi1>) value(%select_n3A_383 : vector<16xi32>) : vector<16xi1>, vector<16xi32>
    tpu.vector_store_idx %arg6[%select_n3A_383], %unique3A_384 masked %unique3A {add = true} : memref<2688xi32, #tpu.memory_space<vmem>>[vector<16xi32>], vector<16xi32>, vector<16xi1>
    %mul3A_385 = arith.constant 4 : i32
    %mul3A_386 = arith.muli %add3A, %mul3A_385 : i32
    %add3A_387 = arith.addi %mul3A_386, %select_n3A_30 : i32
    %mul3A_388 = arith.constant 2688 : i32
    %mul3A_389 = arith.muli %add3A_387, %mul3A_388 : i32
    "tpu.region"() ({
      %run_scoped3A = tpu.sem_alloc : memref<!tpu.dma_semaphore, #tpu.memory_space<semaphore_mem>>
      %dma_start3A_390 = tpu.memref_slice %arg5[%mul3A_389] : memref<86016xi32, #tpu.memory_space<hbm>> -> memref<2688xi32, #tpu.memory_space<hbm>>
      %dma_start3A_391 = tpu.memref_slice %arg5[%mul3A_389] : memref<86016xi32, #tpu.memory_space<hbm>> -> memref<2688xi32, #tpu.memory_space<hbm>>
      tpu.enqueue_dma source(%arg6 : memref<2688xi32, #tpu.memory_space<vmem>>) target(%dma_start3A_391 : memref<2688xi32, #tpu.memory_space<hbm>>) target_semaphore(%run_scoped3A : memref<!tpu.dma_semaphore, #tpu.memory_space<semaphore_mem>>)
      %dma_wait3A_392 = tpu.memref_slice %arg5[%mul3A_389] : memref<86016xi32, #tpu.memory_space<hbm>> -> memref<2688xi32, #tpu.memory_space<hbm>>
      %dma_wait3A_393 = tpu.memref_slice %arg5[%mul3A_389] : memref<86016xi32, #tpu.memory_space<hbm>> -> memref<2688xi32, #tpu.memory_space<hbm>>
      tpu.wait_dma2 semaphore(%run_scoped3A : memref<!tpu.dma_semaphore, #tpu.memory_space<semaphore_mem>>) src(%arg6 : memref<2688xi32, #tpu.memory_space<vmem>>) dst(%dma_wait3A_393 : memref<2688xi32, #tpu.memory_space<hbm>>)
      tpu.yield
    }) : () -> ()
    return
  }
}

</mosaic_0001>

<sc_bundles>
// kernel: _hist.3.cloned.1.call-start
scs
__scs_entry_jumppad:
0x0: {  	(pc) =	sbr.rel $0x88, $3  }
0x1: {  	(tag) =	ssettag $0x0;
	lr =	simm.s32 $0x1  }
0x2: {  	[smem:$0x3F9E] =	sst lr;
	_ =	strace $0xD0000000  }
0x3: {  	_ = 	snop  }
0x4: {  	_ = 	snop  }
0x5: {  	_ = 	snop  }
0x6: {  	_ = 	snop  }
0x7: {  	_ = 	snop  }
__scs_overlays_trampoline_lowered:
0x8: {  	[smem:$0x3FAD] =	sst s0  }
0x9: {  	[smem:$0x3FAE] =	sst s1  }
0xa: {  	[smem:$0x3FAF] =	sst s2  }
0xb: {  	[smem:$0x3FB0] =	sst s3  }
0xc: {  	[smem:$0x3FB1] =	sst s4  }
0xd: {  	[smem:$0x3FB2] =	sst s5  }
0xe: {  	[smem:$0x3FB3] =	sst s6  }
0xf: {  	[smem:$0x3FB4] =	sst s7  }
0x10: {  	[smem:$0x3FB5] =	sst s8  }
0x11: {  	[smem:$0x3FB6] =	sst s9;
	s0 =	simm.s32 @!p0 $0x0  }
0x12: {  	s1 =	sld [smem:$0x3F9C];
	s0 =	simm.s32 @p0 $0x1  }
0x13: {  	[smem:$0x3FB7] =	sst s0;
	s0 =	simm.s32 @!p1 $0x0  }
0x14: {  	s2 =	sld [smem:$0x3F9B];
	s0 =	simm.s32 @p1 $0x1  }
0x15: {  	[smem:$0x3FB8] =	sst s0;
	s0 =	simm.s32 @!p2 $0x0  }
0x16: {  	s3 =	sld [smem:$0x3FDB];
	s0 =	simm.s32 @p2 $0x1  }
0x17: {  	s4 =	simm.s32 $0x1BF5;
	[smem:$0x3FBA] =	sst s0  }
0x18: {  	s0 =	sld [smem:$0x3F9D];
	_ =	swait.ge [sflag:s4], $0x0  }
0x19: {  	s7 =	sld [smem:$0x3F9E]  }
0x1a: {  	s8 =	sadd.s32 $0xFFFFE003, lr  }
0x1b: {  	s9 =	sadd.s32 $0xFFFFFEF7, lr;
	s5 =	simm.s32 $0xFFFFFFFF;
	p2 =	slt.u32 s8, $0xFFFFF086  }
0x1c: {  	p1 =	slt.u32 s9, $0xF7A;
	s5 =	simm.s32 @!p2 $0x0  }
0x1d: {  	s5 =	simm.s32 @p1 $0x1;
	p0 =	seq.s32 s7, s2  }
0x1e: {  	s7 =	smul.u32 @!p0 $0xF7A, s2;
	p2 =	seq.s32 @!p0 s5, $0x0  }
0x1f: {  	s9 =	smul.u32 $0xF7A, s1;
	s8 =	simm.s32 @!p0 $0x1BF5;
	p2 =	por !p2, p0  }
0x20: {  	[sflag:s8] =	ssyncset.s32 @!p0 $0xFFFFF086;
	s6 =	sadd.s32 @!p0 s3, s7;
	s7 =	simm.s32 @!p0 $0x108  }
0x21: {  	s3 =	sadd.s32 s3, s9;
	s6 =	sadd.s32 @!p0 $0x88, s6;
	s7 =	simm.s32 @p2 $0x1082  }
0x22: {  	[simem:s7], [sflag:s8] =	dma.local @!p0 [hbm:s6], $0xF7A  }
0x23: {  	s9 =	sor.u32 $0xD0000000, s2;
	s6 =	simm.s32 $0x108;
	_ =	swait.ge @!p0 [sflag:s8], $0x0  }
0x24: {  	s3 =	sadd.s32 $0x88, s3;
	s6 =	simm.s32 @!p1 $0x1082;
	[sflag:s4] =	ssyncset.s32 $0xFFFFF086  }
0x25: {  	[simem:s6], [sflag:s4] =	dma.local [hbm:s3], $0xF7A  }
0x26: {  	[smem:$0x3F9E] =	sst s1;
	(tag) =	ssettag s2;
	_ =	strace s9  }
0x27: {  	s1 =	sld [smem:$0x3FAE]  }
0x28: {  	s2 =	sld [smem:$0x3FAF]  }
0x29: {  	s4 =	sld [smem:$0x3FB1]  }
0x2a: {  	p0 =	seq.s32 s5, $0x0;
	s5 =	sld [smem:$0x3FB2]  }
0x2b: {  	s6 =	sld [smem:$0x3FB3]  }
0x2c: {  	s7 =	sld [smem:$0x3FB4]  }
0x2d: {  	s3 =	simm.s32 $0x108;
	s8 =	sld [smem:$0x3FB5]  }
0x2e: {  	s3 =	simm.s32 @!p0 $0x1082;
	s9 =	sld [smem:$0x3FB6]  }
0x2f: {  	lr =	sadd.s32 s0, s3;
	s0 =	sld [smem:$0x3FAD]  }
0x30: {  	s3 =	sld [smem:$0x3FB0]  }
0x31: {  	[smem:$0x3FB9] =	sst s10  }
0x32: {  	s10 =	sld [smem:$0x3FB7];
	_ =	sdelay $0x3  }
0x33: {  	p0 =	seq.s32 s10, $0x1;
	s10 =	sld [smem:$0x3FB9];
	_ =	sdelay $0x3  }
0x34: {  	[smem:$0x3FB9] =	sst s10  }
0x35: {  	s10 =	sld [smem:$0x3FB8];
	_ =	sdelay $0x3  }
0x36: {  	p1 =	seq.s32 s10, $0x1;
	s10 =	sld [smem:$0x3FB9];
	_ =	sdelay $0x3  }
0x37: {  	[smem:$0x3FB9] =	sst s10  }
0x38: {  	s10 =	sld [smem:$0x3FBA]  }
0x39: {  	_ = 	snop;
	(pc) =	sbr.ind lr, $3  }
0x3a: {  	_ = 	snop  }
0x3b: {  	_ = 	snop  }
0x3c: {  	p2 =	seq.s32 s10, $0x1;
	s10 =	sld [smem:$0x3FB9]  }
0x3d: {  	_ =	shalt  }
0x3e: {  	_ =	shalt  }
0x3f: {  	_ =	shalt  }
0x40: {  	_ =	shalt  }
0x41: {  	_ =	shalt  }
0x42: {  	_ =	shalt  }
0x43: {  	_ =	shalt  }
0x44: {  	_ =	shalt  }
0x45: {  	_ =	shalt  }
0x46: {  	_ =	shalt  }
0x47: {  	_ =	shalt  }
0x48: {  	_ =	shalt  }
0x49: {  	_ =	shalt  }
0x4a: {  	_ =	shalt  }
0x4b: {  	_ =	shalt  }
0x4c: {  	_ =	shalt  }
0x4d: {  	_ =	shalt  }
0x4e: {  	_ =	shalt  }
0x4f: {  	_ =	shalt  }
0x50: {  	_ =	shalt  }
0x51: {  	_ =	shalt  }
0x52: {  	_ =	shalt  }
0x53: {  	_ =	shalt  }
0x54: {  	_ =	shalt  }
0x55: {  	_ =	shalt  }
0x56: {  	_ =	shalt  }
0x57: {  	_ =	shalt  }
0x58: {  	_ =	shalt  }
0x59: {  	_ =	shalt  }
0x5a: {  	_ =	shalt  }
0x5b: {  	_ =	shalt  }
0x5c: {  	_ =	shalt  }
0x5d: {  	_ =	shalt  }
0x5e: {  	_ =	shalt  }
0x5f: {  	_ =	shalt  }
0x60: {  	_ =	shalt  }
0x61: {  	_ =	shalt  }
0x62: {  	_ =	shalt  }
0x63: {  	_ =	shalt  }
0x64: {  	_ =	shalt  }
0x65: {  	_ =	shalt  }
0x66: {  	_ =	shalt  }
0x67: {  	_ =	shalt  }
0x68: {  	_ =	shalt  }
0x69: {  	_ =	shalt  }
0x6a: {  	_ =	shalt  }
0x6b: {  	_ =	shalt  }
0x6c: {  	_ =	shalt  }
0x6d: {  	_ =	shalt  }
0x6e: {  	_ =	shalt  }
0x6f: {  	_ =	shalt  }
0x70: {  	_ =	shalt  }
0x71: {  	_ =	shalt  }
0x72: {  	_ =	shalt  }
0x73: {  	_ =	shalt  }
0x74: {  	_ =	shalt  }
0x75: {  	_ =	shalt  }
0x76: {  	_ =	shalt  }
0x77: {  	_ =	shalt  }
0x78: {  	_ =	shalt  }
0x79: {  	_ =	shalt  }
0x7a: {  	_ =	shalt  }
0x7b: {  	_ =	shalt  }
0x7c: {  	_ =	shalt  }
0x7d: {  	_ =	shalt  }
0x7e: {  	_ =	shalt  }
0x7f: {  	_ =	shalt  }
0x80: {  	_ =	shalt  }
0x81: {  	_ =	shalt  }
0x82: {  	_ =	shalt  }
0x83: {  	_ =	shalt  }
0x84: {  	_ =	shalt  }
0x85: {  	_ =	shalt  }
0x86: {  	_ =	shalt  }
0x87: {  	_ =	shalt  }
.Lfunc_end0:
.L_simem_size_0:
called_computation_lowered:
.L_overlay_start_0:
0x88: {  	s2 =	sld [smem:$0x3FD9]  }
0x89: {  	s3 =	sld [smem:$0x3FFE];
	_ =	sdelay $0x1  }
0x8a: {  	s1 =	srdreg.scid  }
0x8b: {  	s0 =	sand.u32 $0x1, s1  }
0x8c: {  	s18 =	sshll.u32 s0, $0xA;
	s2 =	sadd.s32 s3, s2  }
0x8d: {  	s2 =	sadd.s32 s2, s18  }
0x8e: {  	[smem:$0x3FC5] =	sst s2  }
0x8f: {  	_ = 	snop  }
0x90: {  	s2 =	sld [smem:$0x3FC9]  }
0x91: {  	s19 =	sld [smem:$0x3FC8]  }
0x92: {  	s4 =	sld [smem:$0x3FC7]  }
0x93: {  	s5 =	sld [smem:$0x3FD0];
	(tm) =	ssettm $0x1  }
0x94: {  	s6 =	sld [smem:$0x3FFB];
	_ =	sdelay $0x3  }
0x95: {  	_ =	strace s6  }
0x96: {  	s6 =	sld [smem:$0x3FFC];
	_ =	sdelay $0x3  }
0x97: {  	_ =	strace s6  }
0x98: {  	s6 =	sld [smem:$0x3FFD];
	_ =	sdelay $0x3  }
0x99: {  	_ =	strace s6  }
0x9a: {  	_ =	strace $0x8FFFFFFF  }
0x9b: {  	s20 =	sld [smem:$0x3FDB];
	_ =	sdelay $0x1  }
0x9c: {  	s7 =	simm.s32 $_scs_section_size  }
0x9d: {  	s8 =	simm.s32 $_size__tile_overlayer_lowered;
	s9 =	simm.s32 $_tile_overlayer_lowered  }
0x9e: {  	s23 =	simm.s32 $0x1BFF;
	s22 =	sshll.u32 s9, $0x1;
	s6 =	sadd.s32 s7, s20  }
0x9f: {  	s10 =	simm.s32 $0x0;
	s21 =	sshll.u32 s8, $0x1;
	s8 =	sadd.s32 s22, s6  }
0xa0: {  	[timem:s10], [sflag:s23] =	dma.local [hbm:s8], s21  }
0xa1: {  	_ =	swait.ge [sflag:s23], s21  }
0xa2: {  	s7 =	ssub.s32 $0x0, s21;
	[sflag:s23] =	ssyncset.done $0x0  }
0xa3: {  	[sflag:s23] =	ssyncadd.s32 s7;
	_ =	sdelay $0x1  }
0xa4: {  	s24 =	simm.s32 $0x1B8B  }
0xa5: {  	_ =	swait.ge [sflag:s24], $0x1  }
0xa6: {  	[sflag:s24] =	ssyncset.done $0x0  }
0xa7: {  	s25 =	simm.s32 $0x1B8E;
	[sflag:s24] =	ssyncadd.s32 $0xFFFFFFFF  }
0xa8: {  	s26 =	simm.s32 $execute0_lowered;
	[smem:$0x3FD2] =	sst s25  }
0xa9: {  	s7 =	sshll.u32 s26, $0x1;
	_ =	strace $0x80000046;
	[dreg:$0x1] =	wrdreg $0xFFFFFFFF  }
0xaa: {  	s28 =	simm.s32 $_size_execute0_lowered;
	s6 =	sadd.s32 s6, s7;
	[dreg:$0x0] =	wrdreg $0x0  }
0xab: {  	s7 =	sshll.u32 s28, $0x1;
	[dreg:$0x2] =	wrdreg s6  }
0xac: {  	[dreg:$0x3] =	wrdreg s7  }
0xad: {  	[dreg:$0x4] =	wrdreg $0xC0  }
0xae: {  	_ =	task [dreg:s10], $0x5FFFF  }
0xaf: {  	[dreg:$0x1] =	wrdreg $0xFFFFFFFF  }
0xb0: {  	[dreg:$0x0] =	wrdreg $0x60  }
0xb1: {  	[dreg:$0x2] =	wrdreg s2  }
0xb2: {  	[dreg:$0x3] =	wrdreg s19  }
0xb3: {  	[dreg:$0x4] =	wrdreg s4  }
0xb4: {  	[dreg:$0x5] =	wrdreg s5  }
0xb5: {  	[dreg:$0x6] =	wrdreg $0x9  }
0xb6: {  	_ =	task.clear_ibuf [dreg:s10], $0x7FFFF;
	_ =	strace $0x90000046  }
0xb7: {  	s29 =	simm.s32 $0x9;
	_ =	strace $0x80000048  }
0xb8: {  	_ =	swait.ge [sflag:s29], $0x1  }
0xb9: {  	[sflag:s29] =	ssyncadd.s32 $0xFFFFFFFF  }
0xba: {  	_ =	strace $0x90000048  }
0xbb: {  	_ =	sfence  }
0xbc: {  	s30 =	sld [smem:$0x0];
	_ =	sdelay $0x2  }
0xbd: {  	s31 =	sshll.u32 s1, $0xD;
	s1 =	sshrl.u32 s1, $0x2  }
0xbe: {  	s3 =	sand.u32 $0x4000, s31;
	s1 =	sadd.s32 s1, s30  }
0xbf: {  	s0 =	sor.u32 s3, s0;
	s1 =	sshll.u32 s1, $0x11  }
0xc0: {  	s0 =	sor.u32 s1, s0  }
0xc1: {  	s0 =	sadd.s32 $0x8F2B, s0  }
0xc2: {  	[sflag:s0] =	ssyncadd.remote.s32 $0x1  }
0xc3: {  	_ =	sfence.sel $0xFFFF  }
0xc4: {  	[dreg:$0x0] =	wrdreg $0xFFFFFFFF;
	(pc) =	sbr.abs _section_cstart, $3  }
0xc5: {  	[dreg:$0x1] =	wrdreg $0xFFFFFFFF  }
0xc6: {  	_ =	task.clear_ibuf [dreg:s10], $0x2FFFF;
	_ =	strace $0x9FFFFFFF  }
0xc7: {  	(tm) =	ssettm $0x7FFFFFFF  }
tec
execute0_lowered:
.L_overlay_start_1:
0x0: {  	(tag) =	ssettag $0x1  }
0x1: {  	s0 =	srdreg.scid  }
0x2: {  	s3 =	stileid.u32;
	s0 =	sand.u32 $0x1, s0  }
0x3: {  	s2 =	sshrl.u32 s3, $0x2;
	s3 =	sand.u32 $0x3, s3;
	s1 =	sshll.u32 s0, $0x2  }
0x4: {  	s5 =	smul.u32 $0x61A8, s3;
	s1 =	sor.u32 s2, s1  }
0x5: {  	s4 =	smul.u32 $0x186A0, s1  }
0x6: {  	s9 =	rddreg [dreg:$0x0]  }
0x7: {  	s10 =	rddreg [dreg:$0x1];
	s4 =	sadd.s32 s5, s4  }
0x8: {  	s11 =	rddreg [dreg:$0x2];
	s13 =	sshrl.u32 s4, $0x3  }
0x9: {  	s12 =	rddreg [dreg:$0x3];
	s2 =	simm.s32 $0x0;
	s26 =	sadd.s32 $0xFA, s13  }
0xa: {  	s0 =	ssub.s32 $0x2, s0;
	[smem:$0x7FF] =	sst s2;
	s6 =	sadd.s32 s9, s26  }
0xb: {  	_ =	strace $0x80000047;
	s8 =	sadd.s32 s10, s26;
	[dreg:$0x5] =	wrdreg s6  }
0xc: {  	s7 =	sadd.s32 $0x1F4, s13;
	s15 =	sadd.s32 s11, s26;
	[dreg:$0x6] =	wrdreg s8  }
0xd: {  	s25 =	sshrl.u32 s0, $0x1;
	s16 =	sadd.s32 s9, s7;
	[dreg:$0x7] =	wrdreg s15  }
0xe: {  	s14 =	ssub.s32 s0, s25;
	s17 =	sadd.s32 s10, s7;
	[dreg:$0x8] =	wrdreg s16  }
0xf: {  	s18 =	sadd.s32 $0x2EE, s13;
	s0 =	sadd.s32 s11, s7;
	[dreg:$0x9] =	wrdreg s17  }
0x10: {  	s1 =	sshll.u32 s1, $0x2;
	s19 =	sadd.s32 s9, s18;
	[dreg:$0xa] =	wrdreg s0  }
0x11: {  	s21 =	sadd.s32 $0x3E8, s13;
	s20 =	sadd.s32 s10, s18;
	[dreg:$0xb] =	wrdreg s19  }
0x12: {  	s25 =	sadd.s32 $0x4E2, s13;
	s22 =	sadd.s32 s9, s21;
	[dreg:$0xc] =	wrdreg s20  }
0x13: {  	s5 =	sadd.s32 $0x5DC, s13;
	s23 =	sadd.s32 s10, s21;
	[dreg:$0xe] =	wrdreg s22  }
0x14: {  	s24 =	sadd.s32 s11, s21;
	s26 =	sadd.s32 s9, s25;
	[dreg:$0xf] =	wrdreg s23  }
0x15: {  	s7 =	sadd.s32 s9, s5;
	s0 =	sadd.s32 s11, s18;
	[dreg:$0x10] =	wrdreg s24  }
0x16: {  	[dreg:$0x11] =	wrdreg s26;
	s15 =	sor.u32 s3, s1;
	s6 =	sadd.s32 s10, s25  }
0x17: {  	[dreg:$0x14] =	wrdreg s7;
	s8 =	sadd.s32 s10, s5;
	s16 =	sadd.s32 s11, s5  }
0x18: {  	s17 =	sadd.s32 $0x6D6, s13;
	s20 =	sadd.s32 $0x7D0, s13;
	[dreg:$0xd] =	wrdreg s0  }
0x19: {  	s22 =	sadd.s32 $0x8CA, s13;
	s24 =	sadd.s32 $0x9C4, s13;
	[dreg:$0x12] =	wrdreg s6  }
0x1a: {  	s7 =	sadd.s32 s10, s13;
	s0 =	sadd.s32 s11, s25;
	[dreg:$0x15] =	wrdreg s8  }
0x1b: {  	[dreg:$0x16] =	wrdreg s16;
	s18 =	sadd.s32 s9, s17;
	s19 =	sadd.s32 s10, s17  }
0x1c: {  	s21 =	sadd.s32 s9, s20;
	s23 =	sadd.s32 s10, s20;
	s26 =	sadd.s32 s11, s20  }
0x1d: {  	s28 =	sadd.s32 s9, s22;
	s29 =	sadd.s32 s10, s22;
	s30 =	sadd.s32 s11, s22  }
0x1e: {  	v0 =	vimm.f32 $4.000000060e-01;
	s31 =	sadd.s32 s9, s24;
	s1 =	sadd.s32 s10, s24;
	s25 =	sadd.s32 $0xABE, s13  }
0x1f: {  	(erf) = vrcp.f32 v0;
	s6 =	sadd.s32 s9, s13;
	s8 =	sadd.s32 s11, s13;
	[dreg:$0x13] =	wrdreg s0  }
0x20: {  	s13 =	sadd.s32 $0xBB8, s13;
	s15 =	smul.u32 $0x150, s15;
	[dreg:$0x17] =	wrdreg s18  }
0x21: {  	s16 =	simm.s32 $0x1A80;
	s20 =	simm.s32 $0x1;
	[dreg:$0x18] =	wrdreg s19  }
0x22: {  	s22 =	simm.s32 $0x3;
	s0 =	sadd.s32 s11, s17;
	[dreg:$0x1a] =	wrdreg s21  }
0x23: {  	[dreg:$0x1b] =	wrdreg s23;
	s3 =	sadd.s32 s9, s25;
	s4 =	sadd.s32 s10, s25  }
0x24: {  	s5 =	sadd.s32 s11, s25;
	s9 =	sadd.s32 s9, s13;
	s10 =	sadd.s32 s10, s13  }
0x25: {  	s17 =	simm.s32 $0x2280;
	s18 =	simm.s32 $0x2A80;
	s19 =	simm.s32 $0x3280  }
0x26: {  	s21 =	simm.s32 $0x2;
	s23 =	simm.s32 $0x0;
	[dreg:$0x19] =	wrdreg s0  }
0x27: {  	s0 =	sadd.s32 s11, s24;
	s11 =	sadd.s32 s11, s13;
	s12 =	sadd.s32 s12, s15  }
0x28: {  	v1 =	vimm.s32 $0x0;
	s13 =	smax.u32 s14, $0x1;
	s14 =	simm.s32 $0xA80;
	s15 =	simm.s32 $0x1280;
	v0 =	vpop (erf)  }
.LBB2_1:
0x29: {  	s24 =	simm.s32 $0x40;
	s25 =	simm.s32 $0x0  }
.LBB2_2:
0x2a: {  	p0 =	sne.s32 s24, $0x29C0;
	[tilespmem:s25+$0x0] =	vst v1;
	s25 =	smov.u32 s24;
	s24 =	sadd.s32 $0x40, s24  }
.Ltmp0:
0x2b: {  	(pc) =	sbr.rel @p0 .LBB2_2-.Ltmp0, $2  }
0x2c: {  	_ =	sdelay $0x2  }
0x2d: {  	s25 =	sshra.s32 s25, $0x2  }
0x2e: {  	[tilespmem:s25+$0x0] =	vst v1;
	s24 =	simm.s32 $0x0  }
0x2f: {  	[tilespmem:s14], [sflag:$0x1] =	stream.linear.gather [hbm4b:s6+s24], $0x7D0, $0x38;
	[tilespmem:$0x3A80] =	vst v63  }
0x30: {  	_ = 	snop  }
0x31: {  	[tilespmem:s15], [sflag:$0x1] =	stream.linear.gather [hbm4b:s7+s24], $0x7D0, $0x38;
	[tilespmem:$0x3A80] =	vst v63  }
0x32: {  	_ = 	snop  }
0x33: {  	[tilespmem:s16], [sflag:$0x1] =	stream.linear.gather [hbm4b:s8+s24], $0x7D0, $0x38;
	[tilespmem:$0x3A80] =	vst v63  }
0x34: {  	s25 =	rddreg [dreg:$0x5]  }
0x35: {  	[tilespmem:s17], [sflag:$0x2] =	stream.linear.gather [hbm4b:s25+s24], $0x7D0, $0x38;
	[tilespmem:$0x3A80] =	vst v63  }
0x36: {  	s25 =	rddreg [dreg:$0x6]  }
0x37: {  	[tilespmem:s18], [sflag:$0x2] =	stream.linear.gather [hbm4b:s25+s24], $0x7D0, $0x38;
	[tilespmem:$0x3A80] =	vst v63  }
0x38: {  	s25 =	rddreg [dreg:$0x7]  }
0x39: {  	[tilespmem:s19], [sflag:$0x2] =	stream.linear.gather [hbm4b:s25+s24], $0x7D0, $0x38;
	[tilespmem:$0x3A80] =	vst v63  }
0x3a: {  	_ =	swait.ge [sflag:s20], $0x7D0  }
0x3b: {  	[sflag:s20] =	ssyncset.done $0x0  }
0x3c: {  	[sflag:s20] =	ssyncadd.s32 $0xFFFFF830  }
0x3d: {  	_ =	swait.ge [sflag:s20], $0x7D0  }
0x3e: {  	[sflag:s20] =	ssyncset.done $0x0  }
0x3f: {  	[sflag:s20] =	ssyncadd.s32 $0xFFFFF830  }
0x40: {  	_ =	swait.ge [sflag:s20], $0x7D0  }
0x41: {  	[sflag:s20] =	ssyncset.done $0x0  }
0x42: {  	s25 =	simm.s32 $0x0;
	[sflag:s20] =	ssyncadd.s32 $0xFFFFF830  }
0x43: {  	s24 =	simm.s32 $0x40;
	v2 =	vld [tilespmem:s25+$0x1A80]  }
.LBB2_4:
0x44: {  	p0 =	sne.s32 s24, $0x1F00;
	v3 =	vld [tilespmem:s25+$0x1280]  }
0x45: {  	v4 =	vld [tilespmem:s25+$0xA80];
	_ =	sdelay $0x2  }
0x46: {  	v5 =	vadd.f32 $2.000000000e+00, v2  }
0x47: {  	vm0 =	vlt.f32 v2, $0.0e+00;
	v6 =	vadd.f32 $3.200000050e+00, v3  }
0x48: {  	vm1 =	vgt.f32 v2, $0.0e+00;
	v7 =	vmul.f32 v4, v0;
	v5 =	vmul.f32 v5, v0  }
0x49: {  	vm0 =	vmor vm1, vm0;
	v2 =	vmul.f32 v6, v0  }
0x4a: {  	vm1 =	vlt.f32 v4, $0.0e+00;
	v6 =	vtrunc.f32 v7;
	v5 =	vtrunc.f32 v5  }
0x4b: {  	vm2 =	vgt.f32 v4, $0.0e+00;
	v6 =	vcvt.f32.s32 v6;
	v2 =	vtrunc.f32 v2  }
0x4c: {  	vm1 =	vmor vm2, vm1;
	v4 =	vcvt.f32.s32 v5;
	v2 =	vcvt.f32.s32 v2  }
0x4d: {  	vm3 =	vgt.f32 v3, $0.0e+00;
	vm2 =	vlt.f32 v3, $0.0e+00;
	v3 =	vmul.u32 $0xA0, v6  }
0x4e: {  	vm2 =	vmor vm3, vm2;
	v5 =	vor.u32 v6, v2;
	v2 =	vmul.u32 $0xA, v2  }
0x4f: {  	vm1 =	vmor vm1, vm2;
	vm3 =	vlt.u32 v4, $0xA;
	vm2 =	vlt.u32 v5, $0x10  }
0x50: {  	vm0 =	vmor vm1, vm0;
	vm1 =	vmand vm2, vm3;
	v2 =	vadd.s32 v3, v2  }
0x51: {  	vm0 =	vmand vm0, vm1;
	v2 =	vadd.s32 v4, v2  }
0x52: {  	v2 =	vnsel vm0, $0xA00, v2  }
0x53: {  	(xrf1) =	vunique.msk.u32 $0xffff, v2;
	_ =	sdelay $0xd  }
0x54: {  	_, v3, vm0 =	vpop (xrf1);
	_ =	sdelay $0x2  }
.Ltmp1:
0x55: {  	(pc) =	sbr.rel @p0 .LBB2_4-.Ltmp1, $3  }
0x56: {  	_ =	sdelay $0x1  }
0x57: {  	s25 =	sshra.s32 s24, $0x2;
	[tilespmem:v2+s2+$0x0] =	vst.idx.add.s32.msk vm0, v3  }
0x58: {  	s24 =	sadd.s32 $0x40, s24;
	v2 =	vld [tilespmem:s25+$0x1A80]  }
0x59: {  	v3 =	vld [tilespmem:s25+$0x1280]  }
0x5a: {  	v4 =	vld [tilespmem:s25+$0xA80];
	_ =	sdelay $0x3  }
0x5b: {  	v5 =	vadd.f32 $2.000000000e+00, v2;
	v6 =	vadd.f32 $3.200000050e+00, v3  }
0x5c: {  	vm0 =	vlt.f32 v2, $0.0e+00;
	vm1 =	vgt.f32 v2, $0.0e+00;
	v7 =	vmul.f32 v4, v0  }
0x5d: {  	vm0 =	vmor vm1, vm0;
	v5 =	vmul.f32 v5, v0;
	v2 =	vmul.f32 v6, v0  }
0x5e: {  	vm10 =	vlt.f32 v4, $0.0e+00;
	vm2 =	vgt.f32 v4, $0.0e+00;
	v61 =	vtrunc.f32 v7  }
0x5f: {  	vm11 =	vlt.f32 v3, $0.0e+00;
	v5 =	vtrunc.f32 v5;
	v2 =	vtrunc.f32 v2  }
0x60: {  	vm3 =	vgt.f32 v3, $0.0e+00;
	v6 =	vcvt.f32.s32 v61;
	v2 =	vcvt.f32.s32 v2  }
0x61: {  	vm1 =	vmor vm2, vm10;
	vm2 =	vmor vm3, vm11;
	v62 =	vcvt.f32.s32 v5  }
0x62: {  	v3 =	vmul.u32 $0xA0, v6;
	v63 =	vor.u32 v6, v2;
	v2 =	vmul.u32 $0xA, v2  }
0x63: {  	vm1 =	vmor vm1, vm2;
	vm13 =	vlt.u32 v62, $0xA;
	vm12 =	vlt.u32 v63, $0x10  }
0x64: {  	vm0 =	vmor vm1, vm0;
	vm14 =	vmand vm12, vm13;
	v2 =	vadd.s32 v3, v2  }
0x65: {  	vm0 =	vmand vm0, vm14;
	v2 =	vadd.s32 v62, v2  }
0x66: {  	v2 =	vnsel vm0, $0xA00, v2  }
0x67: {  	(xrf1) =	vunique.msk.u32 $0xffff, v2;
	_ =	sdelay $0xd  }
0x68: {  	_, v3, vm15 =	vpop (xrf1);
	_ =	sdelay $0x5  }
0x69: {  	s24 =	simm.s32 $0x0;
	s25 =	rddreg [dreg:$0x8];
	[tilespmem:v2+s2+$0x0] =	vst.idx.add.s32.msk vm15, v3  }
0x6a: {  	[tilespmem:s14], [sflag:$0x1] =	stream.linear.gather [hbm4b:s25+s24], $0x7D0, $0x38;
	[tilespmem:$0x3A80] =	vst v63  }
0x6b: {  	s25 =	rddreg [dreg:$0x9]  }
0x6c: {  	[tilespmem:s15], [sflag:$0x1] =	stream.linear.gather [hbm4b:s25+s24], $0x7D0, $0x38;
	[tilespmem:$0x3A80] =	vst v63  }
0x6d: {  	s25 =	rddreg [dreg:$0xa]  }
0x6e: {  	[tilespmem:s16], [sflag:$0x1] =	stream.linear.gather [hbm4b:s25+s24], $0x7D0, $0x38;
	[tilespmem:$0x3A80] =	vst v63  }
0x6f: {  	_ =	swait.ge [sflag:s21], $0x7D0  }
0x70: {  	[sflag:s21] =	ssyncset.done $0x0  }
0x71: {  	[sflag:s21] =	ssyncadd.s32 $0xFFFFF830  }
0x72: {  	_ =	swait.ge [sflag:s21], $0x7D0  }
0x73: {  	[sflag:s21] =	ssyncset.done $0x0  }
0x74: {  	[sflag:s21] =	ssyncadd.s32 $0xFFFFF830  }
0x75: {  	_ =	swait.ge [sflag:s21], $0x7D0  }
0x76: {  	[sflag:s21] =	ssyncset.done $0x0  }
0x77: {  	s25 =	simm.s32 $0x0;
	[sflag:s21] =	ssyncadd.s32 $0xFFFFF830  }
0x78: {  	s24 =	simm.s32 $0x40;
	v2 =	vld [tilespmem:s25+$0x3280]  }
.LBB2_6:
0x79: {  	p0 =	sne.s32 s24, $0x1F00;
	v3 =	vld [tilespmem:s25+$0x2A80]  }
0x7a: {  	v4 =	vld [tilespmem:s25+$0x2280];
	_ =	sdelay $0x2  }
0x7b: {  	v5 =	vadd.f32 $2.000000000e+00, v2  }
0x7c: {  	vm0 =	vlt.f32 v2, $0.0e+00;
	v6 =	vadd.f32 $3.200000050e+00, v3  }
0x7d: {  	vm1 =	vgt.f32 v2, $0.0e+00;
	v7 =	vmul.f32 v4, v0;
	v5 =	vmul.f32 v5, v0  }
0x7e: {  	vm0 =	vmor vm1, vm0;
	v2 =	vmul.f32 v6, v0  }
0x7f: {  	vm1 =	vlt.f32 v4, $0.0e+00;
	v6 =	vtrunc.f32 v7;
	v5 =	vtrunc.f32 v5  }
0x80: {  	vm2 =	vgt.f32 v4, $0.0e+00;
	v6 =	vcvt.f32.s32 v6;
	v2 =	vtrunc.f32 v2  }
0x81: {  	vm1 =	vmor vm2, vm1;
	v4 =	vcvt.f32.s32 v5;
	v2 =	vcvt.f32.s32 v2  }
0x82: {  	vm3 =	vgt.f32 v3, $0.0e+00;
	vm2 =	vlt.f32 v3, $0.0e+00;
	v3 =	vmul.u32 $0xA0, v6  }
0x83: {  	vm2 =	vmor vm3, vm2;
	v5 =	vor.u32 v6, v2;
	v2 =	vmul.u32 $0xA, v2  }
0x84: {  	vm1 =	vmor vm1, vm2;
	vm3 =	vlt.u32 v4, $0xA;
	vm2 =	vlt.u32 v5, $0x10  }
0x85: {  	vm0 =	vmor vm1, vm0;
	vm1 =	vmand vm2, vm3;
	v2 =	vadd.s32 v3, v2  }
0x86: {  	vm0 =	vmand vm0, vm1;
	v2 =	vadd.s32 v4, v2  }
0x87: {  	v2 =	vnsel vm0, $0xA00, v2  }
0x88: {  	(xrf1) =	vunique.msk.u32 $0xffff, v2;
	_ =	sdelay $0xd  }
0x89: {  	_, v3, vm0 =	vpop (xrf1);
	_ =	sdelay $0x2  }
.Ltmp2:
0x8a: {  	(pc) =	sbr.rel @p0 .LBB2_6-.Ltmp2, $3  }
0x8b: {  	_ =	sdelay $0x1  }
0x8c: {  	s25 =	sshra.s32 s24, $0x2;
	[tilespmem:v2+s2+$0x0] =	vst.idx.add.s32.msk vm0, v3  }
0x8d: {  	s24 =	sadd.s32 $0x40, s24;
	v2 =	vld [tilespmem:s25+$0x3280]  }
0x8e: {  	v3 =	vld [tilespmem:s25+$0x2A80]  }
0x8f: {  	v4 =	vld [tilespmem:s25+$0x2280];
	_ =	sdelay $0x3  }
0x90: {  	v5 =	vadd.f32 $2.000000000e+00, v2;
	v6 =	vadd.f32 $3.200000050e+00, v3  }
0x91: {  	vm0 =	vlt.f32 v2, $0.0e+00;
	vm1 =	vgt.f32 v2, $0.0e+00;
	v7 =	vmul.f32 v4, v0  }
0x92: {  	vm0 =	vmor vm1, vm0;
	v5 =	vmul.f32 v5, v0;
	v2 =	vmul.f32 v6, v0  }
0x93: {  	vm10 =	vlt.f32 v4, $0.0e+00;
	vm2 =	vgt.f32 v4, $0.0e+00;
	v61 =	vtrunc.f32 v7  }
0x94: {  	vm11 =	vlt.f32 v3, $0.0e+00;
	v5 =	vtrunc.f32 v5;
	v2 =	vtrunc.f32 v2  }
0x95: {  	vm3 =	vgt.f32 v3, $0.0e+00;
	v6 =	vcvt.f32.s32 v61;
	v2 =	vcvt.f32.s32 v2  }
0x96: {  	vm1 =	vmor vm2, vm10;
	vm2 =	vmor vm3, vm11;
	v62 =	vcvt.f32.s32 v5  }
0x97: {  	v3 =	vmul.u32 $0xA0, v6;
	v63 =	vor.u32 v6, v2;
	v2 =	vmul.u32 $0xA, v2  }
0x98: {  	vm1 =	vmor vm1, vm2;
	vm13 =	vlt.u32 v62, $0xA;
	vm12 =	vlt.u32 v63, $0x10  }
0x99: {  	vm0 =	vmor vm1, vm0;
	vm14 =	vmand vm12, vm13;
	v2 =	vadd.s32 v3, v2  }
0x9a: {  	vm0 =	vmand vm0, vm14;
	v2 =	vadd.s32 v62, v2  }
0x9b: {  	v2 =	vnsel vm0, $0xA00, v2  }
0x9c: {  	(xrf1) =	vunique.msk.u32 $0xffff, v2;
	_ =	sdelay $0xd  }
0x9d: {  	_, v3, vm15 =	vpop (xrf1);
	_ =	sdelay $0x5  }
0x9e: {  	s24 =	simm.s32 $0x0;
	s25 =	rddreg [dreg:$0xb];
	[tilespmem:v2+s2+$0x0] =	vst.idx.add.s32.msk vm15, v3  }
0x9f: {  	[tilespmem:s17], [sflag:$0x2] =	stream.linear.gather [hbm4b:s25+s24], $0x7D0, $0x38;
	[tilespmem:$0x3A80] =	vst v63  }
0xa0: {  	s25 =	rddreg [dreg:$0xc]  }
0xa1: {  	[tilespmem:s18], [sflag:$0x2] =	stream.linear.gather [hbm4b:s25+s24], $0x7D0, $0x38;
	[tilespmem:$0x3A80] =	vst v63  }
0xa2: {  	s25 =	rddreg [dreg:$0xd]  }
0xa3: {  	[tilespmem:s19], [sflag:$0x2] =	stream.linear.gather [hbm4b:s25+s24], $0x7D0, $0x38;
	[tilespmem:$0x3A80] =	vst v63  }
0xa4: {  	_ =	swait.ge [sflag:s20], $0x7D0  }
0xa5: {  	[sflag:s20] =	ssyncset.done $0x0  }
0xa6: {  	[sflag:s20] =	ssyncadd.s32 $0xFFFFF830  }
0xa7: {  	_ =	swait.ge [sflag:s20], $0x7D0  }
0xa8: {  	[sflag:s20] =	ssyncset.done $0x0  }
0xa9: {  	[sflag:s20] =	ssyncadd.s32 $0xFFFFF830  }
0xaa: {  	_ =	swait.ge [sflag:s20], $0x7D0  }
0xab: {  	[sflag:s20] =	ssyncset.done $0x0  }
0xac: {  	s25 =	simm.s32 $0x0;
	[sflag:s20] =	ssyncadd.s32 $0xFFFFF830  }
0xad: {  	s24 =	simm.s32 $0x40;
	v2 =	vld [tilespmem:s25+$0x1A80]  }
.LBB2_8:
0xae: {  	p0 =	sne.s32 s24, $0x1F00;
	v3 =	vld [tilespmem:s25+$0x1280]  }
0xaf: {  	v4 =	vld [tilespmem:s25+$0xA80];
	_ =	sdelay $0x2  }
0xb0: {  	v5 =	vadd.f32 $2.000000000e+00, v2  }
0xb1: {  	vm0 =	vlt.f32 v2, $0.0e+00;
	v6 =	vadd.f32 $3.200000050e+00, v3  }
0xb2: {  	vm1 =	vgt.f32 v2, $0.0e+00;
	v7 =	vmul.f32 v4, v0;
	v5 =	vmul.f32 v5, v0  }
0xb3: {  	vm0 =	vmor vm1, vm0;
	v2 =	vmul.f32 v6, v0  }
0xb4: {  	vm1 =	vlt.f32 v4, $0.0e+00;
	v6 =	vtrunc.f32 v7;
	v5 =	vtrunc.f32 v5  }
0xb5: {  	vm2 =	vgt.f32 v4, $0.0e+00;
	v6 =	vcvt.f32.s32 v6;
	v2 =	vtrunc.f32 v2  }
0xb6: {  	vm1 =	vmor vm2, vm1;
	v4 =	vcvt.f32.s32 v5;
	v2 =	vcvt.f32.s32 v2  }
0xb7: {  	vm3 =	vgt.f32 v3, $0.0e+00;
	vm2 =	vlt.f32 v3, $0.0e+00;
	v3 =	vmul.u32 $0xA0, v6  }
0xb8: {  	vm2 =	vmor vm3, vm2;
	v5 =	vor.u32 v6, v2;
	v2 =	vmul.u32 $0xA, v2  }
0xb9: {  	vm1 =	vmor vm1, vm2;
	vm3 =	vlt.u32 v4, $0xA;
	vm2 =	vlt.u32 v5, $0x10  }
0xba: {  	vm0 =	vmor vm1, vm0;
	vm1 =	vmand vm2, vm3;
	v2 =	vadd.s32 v3, v2  }
0xbb: {  	vm0 =	vmand vm0, vm1;
	v2 =	vadd.s32 v4, v2  }
0xbc: {  	v2 =	vnsel vm0, $0xA00, v2  }
0xbd: {  	(xrf1) =	vunique.msk.u32 $0xffff, v2;
	_ =	sdelay $0xd  }
0xbe: {  	_, v3, vm0 =	vpop (xrf1);
	_ =	sdelay $0x2  }
.Ltmp3:
0xbf: {  	(pc) =	sbr.rel @p0 .LBB2_8-.Ltmp3, $3  }
0xc0: {  	_ =	sdelay $0x1  }
0xc1: {  	s25 =	sshra.s32 s24, $0x2;
	[tilespmem:v2+s2+$0x0] =	vst.idx.add.s32.msk vm0, v3  }
0xc2: {  	s24 =	sadd.s32 $0x40, s24;
	v2 =	vld [tilespmem:s25+$0x1A80]  }
0xc3: {  	v3 =	vld [tilespmem:s25+$0x1280]  }
0xc4: {  	v4 =	vld [tilespmem:s25+$0xA80];
	_ =	sdelay $0x3  }
0xc5: {  	v5 =	vadd.f32 $2.000000000e+00, v2;
	v6 =	vadd.f32 $3.200000050e+00, v3  }
0xc6: {  	vm0 =	vlt.f32 v2, $0.0e+00;
	vm1 =	vgt.f32 v2, $0.0e+00;
	v7 =	vmul.f32 v4, v0  }
0xc7: {  	vm0 =	vmor vm1, vm0;
	v5 =	vmul.f32 v5, v0;
	v2 =	vmul.f32 v6, v0  }
0xc8: {  	vm10 =	vlt.f32 v4, $0.0e+00;
	vm2 =	vgt.f32 v4, $0.0e+00;
	v61 =	vtrunc.f32 v7  }
0xc9: {  	vm11 =	vlt.f32 v3, $0.0e+00;
	v5 =	vtrunc.f32 v5;
	v2 =	vtrunc.f32 v2  }
0xca: {  	vm3 =	vgt.f32 v3, $0.0e+00;
	v6 =	vcvt.f32.s32 v61;
	v2 =	vcvt.f32.s32 v2  }
0xcb: {  	vm1 =	vmor vm2, vm10;
	vm2 =	vmor vm3, vm11;
	v62 =	vcvt.f32.s32 v5  }
0xcc: {  	v3 =	vmul.u32 $0xA0, v6;
	v63 =	vor.u32 v6, v2;
	v2 =	vmul.u32 $0xA, v2  }
0xcd: {  	vm1 =	vmor vm1, vm2;
	vm13 =	vlt.u32 v62, $0xA;
	vm12 =	vlt.u32 v63, $0x10  }
0xce: {  	vm0 =	vmor vm1, vm0;
	vm14 =	vmand vm12, vm13;
	v2 =	vadd.s32 v3, v2  }
0xcf: {  	vm0 =	vmand vm0, vm14;
	v2 =	vadd.s32 v62, v2  }
0xd0: {  	v2 =	vnsel vm0, $0xA00, v2  }
0xd1: {  	(xrf1) =	vunique.msk.u32 $0xffff, v2;
	_ =	sdelay $0xd  }
0xd2: {  	_, v3, vm15 =	vpop (xrf1);
	_ =	sdelay $0x5  }
0xd3: {  	s24 =	simm.s32 $0x0;
	s25 =	rddreg [dreg:$0xe];
	[tilespmem:v2+s2+$0x0] =	vst.idx.add.s32.msk vm15, v3  }
0xd4: {  	[tilespmem:s14], [sflag:$0x1] =	stream.linear.gather [hbm4b:s25+s24], $0x7D0, $0x38;
	[tilespmem:$0x3A80] =	vst v63  }
0xd5: {  	s25 =	rddreg [dreg:$0xf]  }
0xd6: {  	[tilespmem:s15], [sflag:$0x1] =	stream.linear.gather [hbm4b:s25+s24], $0x7D0, $0x38;
	[tilespmem:$0x3A80] =	vst v63  }
0xd7: {  	s25 =	rddreg [dreg:$0x10]  }
0xd8: {  	[tilespmem:s16], [sflag:$0x1] =	stream.linear.gather [hbm4b:s25+s24], $0x7D0, $0x38;
	[tilespmem:$0x3A80] =	vst v63  }
0xd9: {  	_ =	swait.ge [sflag:s21], $0x7D0  }
0xda: {  	[sflag:s21] =	ssyncset.done $0x0  }
0xdb: {  	[sflag:s21] =	ssyncadd.s32 $0xFFFFF830  }
0xdc: {  	_ =	swait.ge [sflag:s21], $0x7D0  }
0xdd: {  	[sflag:s21] =	ssyncset.done $0x0  }
0xde: {  	[sflag:s21] =	ssyncadd.s32 $0xFFFFF830  }
0xdf: {  	_ =	swait.ge [sflag:s21], $0x7D0  }
0xe0: {  	[sflag:s21] =	ssyncset.done $0x0  }
0xe1: {  	s25 =	simm.s32 $0x0;
	[sflag:s21] =	ssyncadd.s32 $0xFFFFF830  }
0xe2: {  	s24 =	simm.s32 $0x40;
	v2 =	vld [tilespmem:s25+$0x3280]  }
.LBB2_10:
0xe3: {  	p0 =	sne.s32 s24, $0x1F00;
	v3 =	vld [tilespmem:s25+$0x2A80]  }
0xe4: {  	v4 =	vld [tilespmem:s25+$0x2280];
	_ =	sdelay $0x2  }
0xe5: {  	v5 =	vadd.f32 $2.000000000e+00, v2  }
0xe6: {  	vm0 =	vlt.f32 v2, $0.0e+00;
	v6 =	vadd.f32 $3.200000050e+00, v3  }
0xe7: {  	vm1 =	vgt.f32 v2, $0.0e+00;
	v7 =	vmul.f32 v4, v0;
	v5 =	vmul.f32 v5, v0  }
0xe8: {  	vm0 =	vmor vm1, vm0;
	v2 =	vmul.f32 v6, v0  }
0xe9: {  	vm1 =	vlt.f32 v4, $0.0e+00;
	v6 =	vtrunc.f32 v7;
	v5 =	vtrunc.f32 v5  }
0xea: {  	vm2 =	vgt.f32 v4, $0.0e+00;
	v6 =	vcvt.f32.s32 v6;
	v2 =	vtrunc.f32 v2  }
0xeb: {  	vm1 =	vmor vm2, vm1;
	v4 =	vcvt.f32.s32 v5;
	v2 =	vcvt.f32.s32 v2  }
0xec: {  	vm3 =	vgt.f32 v3, $0.0e+00;
	vm2 =	vlt.f32 v3, $0.0e+00;
	v3 =	vmul.u32 $0xA0, v6  }
0xed: {  	vm2 =	vmor vm3, vm2;
	v5 =	vor.u32 v6, v2;
	v2 =	vmul.u32 $0xA, v2  }
0xee: {  	vm1 =	vmor vm1, vm2;
	vm3 =	vlt.u32 v4, $0xA;
	vm2 =	vlt.u32 v5, $0x10  }
0xef: {  	vm0 =	vmor vm1, vm0;
	vm1 =	vmand vm2, vm3;
	v2 =	vadd.s32 v3, v2  }
0xf0: {  	vm0 =	vmand vm0, vm1;
	v2 =	vadd.s32 v4, v2  }
0xf1: {  	v2 =	vnsel vm0, $0xA00, v2  }
0xf2: {  	(xrf1) =	vunique.msk.u32 $0xffff, v2;
	_ =	sdelay $0xd  }
0xf3: {  	_, v3, vm0 =	vpop (xrf1);
	_ =	sdelay $0x2  }
.Ltmp4:
0xf4: {  	(pc) =	sbr.rel @p0 .LBB2_10-.Ltmp4, $3  }
0xf5: {  	_ =	sdelay $0x1  }
0xf6: {  	s25 =	sshra.s32 s24, $0x2;
	[tilespmem:v2+s2+$0x0] =	vst.idx.add.s32.msk vm0, v3  }
0xf7: {  	s24 =	sadd.s32 $0x40, s24;
	v2 =	vld [tilespmem:s25+$0x3280]  }
0xf8: {  	v3 =	vld [tilespmem:s25+$0x2A80]  }
0xf9: {  	v4 =	vld [tilespmem:s25+$0x2280];
	_ =	sdelay $0x3  }
0xfa: {  	v5 =	vadd.f32 $2.000000000e+00, v2;
	v6 =	vadd.f32 $3.200000050e+00, v3  }
0xfb: {  	vm0 =	vlt.f32 v2, $0.0e+00;
	vm1 =	vgt.f32 v2, $0.0e+00;
	v7 =	vmul.f32 v4, v0  }
0xfc: {  	vm0 =	vmor vm1, vm0;
	v5 =	vmul.f32 v5, v0;
	v2 =	vmul.f32 v6, v0  }
0xfd: {  	vm10 =	vlt.f32 v4, $0.0e+00;
	vm2 =	vgt.f32 v4, $0.0e+00;
	v61 =	vtrunc.f32 v7  }
0xfe: {  	vm11 =	vlt.f32 v3, $0.0e+00;
	v5 =	vtrunc.f32 v5;
	v2 =	vtrunc.f32 v2  }
0xff: {  	vm3 =	vgt.f32 v3, $0.0e+00;
	v6 =	vcvt.f32.s32 v61;
	v2 =	vcvt.f32.s32 v2  }
0x100: {  	vm1 =	vmor vm2, vm10;
	vm2 =	vmor vm3, vm11;
	v62 =	vcvt.f32.s32 v5  }
0x101: {  	v3 =	vmul.u32 $0xA0, v6;
	v63 =	vor.u32 v6, v2;
	v2 =	vmul.u32 $0xA, v2  }
0x102: {  	vm1 =	vmor vm1, vm2;
	vm13 =	vlt.u32 v62, $0xA;
	vm12 =	vlt.u32 v63, $0x10  }
0x103: {  	vm0 =	vmor vm1, vm0;
	vm14 =	vmand vm12, vm13;
	v2 =	vadd.s32 v3, v2  }
0x104: {  	vm0 =	vmand vm0, vm14;
	v2 =	vadd.s32 v62, v2  }
0x105: {  	v2 =	vnsel vm0, $0xA00, v2  }
0x106: {  	(xrf1) =	vunique.msk.u32 $0xffff, v2;
	_ =	sdelay $0xd  }
0x107: {  	_, v3, vm15 =	vpop (xrf1);
	_ =	sdelay $0x5  }
0x108: {  	s24 =	simm.s32 $0x0;
	s25 =	rddreg [dreg:$0x11];
	[tilespmem:v2+s2+$0x0] =	vst.idx.add.s32.msk vm15, v3  }
0x109: {  	[tilespmem:s17], [sflag:$0x2] =	stream.linear.gather [hbm4b:s25+s24], $0x7D0, $0x38;
	[tilespmem:$0x3A80] =	vst v63  }
0x10a: {  	s25 =	rddreg [dreg:$0x12]  }
0x10b: {  	[tilespmem:s18], [sflag:$0x2] =	stream.linear.gather [hbm4b:s25+s24], $0x7D0, $0x38;
	[tilespmem:$0x3A80] =	vst v63  }
0x10c: {  	s25 =	rddreg [dreg:$0x13]  }
0x10d: {  	[tilespmem:s19], [sflag:$0x2] =	stream.linear.gather [hbm4b:s25+s24], $0x7D0, $0x38;
	[tilespmem:$0x3A80] =	vst v63  }
0x10e: {  	_ =	swait.ge [sflag:s20], $0x7D0  }
0x10f: {  	[sflag:s20] =	ssyncset.done $0x0  }
0x110: {  	[sflag:s20] =	ssyncadd.s32 $0xFFFFF830  }
0x111: {  	_ =	swait.ge [sflag:s20], $0x7D0  }
0x112: {  	[sflag:s20] =	ssyncset.done $0x0  }
0x113: {  	[sflag:s20] =	ssyncadd.s32 $0xFFFFF830  }
0x114: {  	_ =	swait.ge [sflag:s20], $0x7D0  }
0x115: {  	[sflag:s20] =	ssyncset.done $0x0  }
0x116: {  	s25 =	simm.s32 $0x0;
	[sflag:s20] =	ssyncadd.s32 $0xFFFFF830  }
0x117: {  	s24 =	simm.s32 $0x40;
	v2 =	vld [tilespmem:s25+$0x1A80]  }
.LBB2_12:
0x118: {  	p0 =	sne.s32 s24, $0x1F00;
	v3 =	vld [tilespmem:s25+$0x1280]  }
0x119: {  	v4 =	vld [tilespmem:s25+$0xA80];
	_ =	sdelay $0x2  }
0x11a: {  	v5 =	vadd.f32 $2.000000000e+00, v2  }
0x11b: {  	vm0 =	vlt.f32 v2, $0.0e+00;
	v6 =	vadd.f32 $3.200000050e+00, v3  }
0x11c: {  	vm1 =	vgt.f32 v2, $0.0e+00;
	v7 =	vmul.f32 v4, v0;
	v5 =	vmul.f32 v5, v0  }
0x11d: {  	vm0 =	vmor vm1, vm0;
	v2 =	vmul.f32 v6, v0  }
0x11e: {  	vm1 =	vlt.f32 v4, $0.0e+00;
	v6 =	vtrunc.f32 v7;
	v5 =	vtrunc.f32 v5  }
0x11f: {  	vm2 =	vgt.f32 v4, $0.0e+00;
	v6 =	vcvt.f32.s32 v6;
	v2 =	vtrunc.f32 v2  }
0x120: {  	vm1 =	vmor vm2, vm1;
	v4 =	vcvt.f32.s32 v5;
	v2 =	vcvt.f32.s32 v2  }
0x121: {  	vm3 =	vgt.f32 v3, $0.0e+00;
	vm2 =	vlt.f32 v3, $0.0e+00;
	v3 =	vmul.u32 $0xA0, v6  }
0x122: {  	vm2 =	vmor vm3, vm2;
	v5 =	vor.u32 v6, v2;
	v2 =	vmul.u32 $0xA, v2  }
0x123: {  	vm1 =	vmor vm1, vm2;
	vm3 =	vlt.u32 v4, $0xA;
	vm2 =	vlt.u32 v5, $0x10  }
0x124: {  	vm0 =	vmor vm1, vm0;
	vm1 =	vmand vm2, vm3;
	v2 =	vadd.s32 v3, v2  }
0x125: {  	vm0 =	vmand vm0, vm1;
	v2 =	vadd.s32 v4, v2  }
0x126: {  	v2 =	vnsel vm0, $0xA00, v2  }
0x127: {  	(xrf1) =	vunique.msk.u32 $0xffff, v2;
	_ =	sdelay $0xd  }
0x128: {  	_, v3, vm0 =	vpop (xrf1);
	_ =	sdelay $0x2  }
.Ltmp5:
0x129: {  	(pc) =	sbr.rel @p0 .LBB2_12-.Ltmp5, $3  }
0x12a: {  	_ =	sdelay $0x1  }
0x12b: {  	s25 =	sshra.s32 s24, $0x2;
	[tilespmem:v2+s2+$0x0] =	vst.idx.add.s32.msk vm0, v3  }
0x12c: {  	s24 =	sadd.s32 $0x40, s24;
	v2 =	vld [tilespmem:s25+$0x1A80]  }
0x12d: {  	v3 =	vld [tilespmem:s25+$0x1280]  }
0x12e: {  	v4 =	vld [tilespmem:s25+$0xA80];
	_ =	sdelay $0x3  }
0x12f: {  	v5 =	vadd.f32 $2.000000000e+00, v2;
	v6 =	vadd.f32 $3.200000050e+00, v3  }
0x130: {  	vm0 =	vlt.f32 v2, $0.0e+00;
	vm1 =	vgt.f32 v2, $0.0e+00;
	v7 =	vmul.f32 v4, v0  }
0x131: {  	vm0 =	vmor vm1, vm0;
	v5 =	vmul.f32 v5, v0;
	v2 =	vmul.f32 v6, v0  }
0x132: {  	vm10 =	vlt.f32 v4, $0.0e+00;
	vm2 =	vgt.f32 v4, $0.0e+00;
	v61 =	vtrunc.f32 v7  }
0x133: {  	vm11 =	vlt.f32 v3, $0.0e+00;
	v5 =	vtrunc.f32 v5;
	v2 =	vtrunc.f32 v2  }
0x134: {  	vm3 =	vgt.f32 v3, $0.0e+00;
	v6 =	vcvt.f32.s32 v61;
	v2 =	vcvt.f32.s32 v2  }
0x135: {  	vm1 =	vmor vm2, vm10;
	vm2 =	vmor vm3, vm11;
	v62 =	vcvt.f32.s32 v5  }
0x136: {  	v3 =	vmul.u32 $0xA0, v6;
	v63 =	vor.u32 v6, v2;
	v2 =	vmul.u32 $0xA, v2  }
0x137: {  	vm1 =	vmor vm1, vm2;
	vm13 =	vlt.u32 v62, $0xA;
	vm12 =	vlt.u32 v63, $0x10  }
0x138: {  	vm0 =	vmor vm1, vm0;
	vm14 =	vmand vm12, vm13;
	v2 =	vadd.s32 v3, v2  }
0x139: {  	vm0 =	vmand vm0, vm14;
	v2 =	vadd.s32 v62, v2  }
0x13a: {  	v2 =	vnsel vm0, $0xA00, v2  }
0x13b: {  	(xrf1) =	vunique.msk.u32 $0xffff, v2;
	_ =	sdelay $0xd  }
0x13c: {  	_, v3, vm15 =	vpop (xrf1);
	_ =	sdelay $0x5  }
0x13d: {  	s24 =	simm.s32 $0x0;
	s25 =	rddreg [dreg:$0x14];
	[tilespmem:v2+s2+$0x0] =	vst.idx.add.s32.msk vm15, v3  }
0x13e: {  	[tilespmem:s14], [sflag:$0x1] =	stream.linear.gather [hbm4b:s25+s24], $0x7D0, $0x38;
	[tilespmem:$0x3A80] =	vst v63  }
0x13f: {  	s25 =	rddreg [dreg:$0x15]  }
0x140: {  	[tilespmem:s15], [sflag:$0x1] =	stream.linear.gather [hbm4b:s25+s24], $0x7D0, $0x38;
	[tilespmem:$0x3A80] =	vst v63  }
0x141: {  	s25 =	rddreg [dreg:$0x16]  }
0x142: {  	[tilespmem:s16], [sflag:$0x1] =	stream.linear.gather [hbm4b:s25+s24], $0x7D0, $0x38;
	[tilespmem:$0x3A80] =	vst v63  }
0x143: {  	_ =	swait.ge [sflag:s21], $0x7D0  }
0x144: {  	[sflag:s21] =	ssyncset.done $0x0  }
0x145: {  	[sflag:s21] =	ssyncadd.s32 $0xFFFFF830  }
0x146: {  	_ =	swait.ge [sflag:s21], $0x7D0  }
0x147: {  	[sflag:s21] =	ssyncset.done $0x0  }
0x148: {  	[sflag:s21] =	ssyncadd.s32 $0xFFFFF830  }
0x149: {  	_ =	swait.ge [sflag:s21], $0x7D0  }
0x14a: {  	[sflag:s21] =	ssyncset.done $0x0  }
0x14b: {  	s25 =	simm.s32 $0x0;
	[sflag:s21] =	ssyncadd.s32 $0xFFFFF830  }
0x14c: {  	s24 =	simm.s32 $0x40;
	v2 =	vld [tilespmem:s25+$0x3280]  }
.LBB2_14:
0x14d: {  	p0 =	sne.s32 s24, $0x1F00;
	v3 =	vld [tilespmem:s25+$0x2A80]  }
0x14e: {  	v4 =	vld [tilespmem:s25+$0x2280];
	_ =	sdelay $0x2  }
0x14f: {  	v5 =	vadd.f32 $2.000000000e+00, v2  }
0x150: {  	vm0 =	vlt.f32 v2, $0.0e+00;
	v6 =	vadd.f32 $3.200000050e+00, v3  }
0x151: {  	vm1 =	vgt.f32 v2, $0.0e+00;
	v7 =	vmul.f32 v4, v0;
	v5 =	vmul.f32 v5, v0  }
0x152: {  	vm0 =	vmor vm1, vm0;
	v2 =	vmul.f32 v6, v0  }
0x153: {  	vm1 =	vlt.f32 v4, $0.0e+00;
	v6 =	vtrunc.f32 v7;
	v5 =	vtrunc.f32 v5  }
0x154: {  	vm2 =	vgt.f32 v4, $0.0e+00;
	v6 =	vcvt.f32.s32 v6;
	v2 =	vtrunc.f32 v2  }
0x155: {  	vm1 =	vmor vm2, vm1;
	v4 =	vcvt.f32.s32 v5;
	v2 =	vcvt.f32.s32 v2  }
0x156: {  	vm3 =	vgt.f32 v3, $0.0e+00;
	vm2 =	vlt.f32 v3, $0.0e+00;
	v3 =	vmul.u32 $0xA0, v6  }
0x157: {  	vm2 =	vmor vm3, vm2;
	v5 =	vor.u32 v6, v2;
	v2 =	vmul.u32 $0xA, v2  }
0x158: {  	vm1 =	vmor vm1, vm2;
	vm3 =	vlt.u32 v4, $0xA;
	vm2 =	vlt.u32 v5, $0x10  }
0x159: {  	vm0 =	vmor vm1, vm0;
	vm1 =	vmand vm2, vm3;
	v2 =	vadd.s32 v3, v2  }
0x15a: {  	vm0 =	vmand vm0, vm1;
	v2 =	vadd.s32 v4, v2  }
0x15b: {  	v2 =	vnsel vm0, $0xA00, v2  }
0x15c: {  	(xrf1) =	vunique.msk.u32 $0xffff, v2;
	_ =	sdelay $0xd  }
0x15d: {  	_, v3, vm0 =	vpop (xrf1);
	_ =	sdelay $0x2  }
.Ltmp6:
0x15e: {  	(pc) =	sbr.rel @p0 .LBB2_14-.Ltmp6, $3  }
0x15f: {  	_ =	sdelay $0x1  }
0x160: {  	s25 =	sshra.s32 s24, $0x2;
	[tilespmem:v2+s2+$0x0] =	vst.idx.add.s32.msk vm0, v3  }
0x161: {  	s24 =	sadd.s32 $0x40, s24;
	v2 =	vld [tilespmem:s25+$0x3280]  }
0x162: {  	v3 =	vld [tilespmem:s25+$0x2A80]  }
0x163: {  	v4 =	vld [tilespmem:s25+$0x2280];
	_ =	sdelay $0x3  }
0x164: {  	v5 =	vadd.f32 $2.000000000e+00, v2;
	v6 =	vadd.f32 $3.200000050e+00, v3  }
0x165: {  	vm0 =	vlt.f32 v2, $0.0e+00;
	vm1 =	vgt.f32 v2, $0.0e+00;
	v7 =	vmul.f32 v4, v0  }
0x166: {  	vm0 =	vmor vm1, vm0;
	v5 =	vmul.f32 v5, v0;
	v2 =	vmul.f32 v6, v0  }
0x167: {  	vm10 =	vlt.f32 v4, $0.0e+00;
	vm2 =	vgt.f32 v4, $0.0e+00;
	v61 =	vtrunc.f32 v7  }
0x168: {  	vm11 =	vlt.f32 v3, $0.0e+00;
	v5 =	vtrunc.f32 v5;
	v2 =	vtrunc.f32 v2  }
0x169: {  	vm3 =	vgt.f32 v3, $0.0e+00;
	v6 =	vcvt.f32.s32 v61;
	v2 =	vcvt.f32.s32 v2  }
0x16a: {  	vm1 =	vmor vm2, vm10;
	vm2 =	vmor vm3, vm11;
	v62 =	vcvt.f32.s32 v5  }
0x16b: {  	v3 =	vmul.u32 $0xA0, v6;
	v63 =	vor.u32 v6, v2;
	v2 =	vmul.u32 $0xA, v2  }
0x16c: {  	vm1 =	vmor vm1, vm2;
	vm13 =	vlt.u32 v62, $0xA;
	vm12 =	vlt.u32 v63, $0x10  }
0x16d: {  	vm0 =	vmor vm1, vm0;
	vm14 =	vmand vm12, vm13;
	v2 =	vadd.s32 v3, v2  }
0x16e: {  	vm0 =	vmand vm0, vm14;
	v2 =	vadd.s32 v62, v2  }
0x16f: {  	v2 =	vnsel vm0, $0xA00, v2  }
0x170: {  	(xrf1) =	vunique.msk.u32 $0xffff, v2;
	_ =	sdelay $0xd  }
0x171: {  	_, v3, vm15 =	vpop (xrf1);
	_ =	sdelay $0x5  }
0x172: {  	s24 =	simm.s32 $0x0;
	s25 =	rddreg [dreg:$0x17];
	[tilespmem:v2+s2+$0x0] =	vst.idx.add.s32.msk vm15, v3  }
0x173: {  	[tilespmem:s17], [sflag:$0x2] =	stream.linear.gather [hbm4b:s25+s24], $0x7D0, $0x38;
	[tilespmem:$0x3A80] =	vst v63  }
0x174: {  	s25 =	rddreg [dreg:$0x18]  }
0x175: {  	[tilespmem:s18], [sflag:$0x2] =	stream.linear.gather [hbm4b:s25+s24], $0x7D0, $0x38;
	[tilespmem:$0x3A80] =	vst v63  }
0x176: {  	s25 =	rddreg [dreg:$0x19]  }
0x177: {  	[tilespmem:s19], [sflag:$0x2] =	stream.linear.gather [hbm4b:s25+s24], $0x7D0, $0x38;
	[tilespmem:$0x3A80] =	vst v63  }
0x178: {  	_ =	swait.ge [sflag:s20], $0x7D0  }
0x179: {  	[sflag:s20] =	ssyncset.done $0x0  }
0x17a: {  	[sflag:s20] =	ssyncadd.s32 $0xFFFFF830  }
0x17b: {  	_ =	swait.ge [sflag:s20], $0x7D0  }
0x17c: {  	[sflag:s20] =	ssyncset.done $0x0  }
0x17d: {  	[sflag:s20] =	ssyncadd.s32 $0xFFFFF830  }
0x17e: {  	_ =	swait.ge [sflag:s20], $0x7D0  }
0x17f: {  	[sflag:s20] =	ssyncset.done $0x0  }
0x180: {  	s25 =	simm.s32 $0x0;
	[sflag:s20] =	ssyncadd.s32 $0xFFFFF830  }
0x181: {  	s24 =	simm.s32 $0x40;
	v2 =	vld [tilespmem:s25+$0x1A80]  }
.LBB2_16:
0x182: {  	p0 =	sne.s32 s24, $0x1F00;
	v3 =	vld [tilespmem:s25+$0x1280]  }
0x183: {  	v4 =	vld [tilespmem:s25+$0xA80];
	_ =	sdelay $0x2  }
0x184: {  	v5 =	vadd.f32 $2.000000000e+00, v2  }
0x185: {  	vm0 =	vlt.f32 v2, $0.0e+00;
	v6 =	vadd.f32 $3.200000050e+00, v3  }
0x186: {  	vm1 =	vgt.f32 v2, $0.0e+00;
	v7 =	vmul.f32 v4, v0;
	v5 =	vmul.f32 v5, v0  }
0x187: {  	vm0 =	vmor vm1, vm0;
	v2 =	vmul.f32 v6, v0  }
0x188: {  	vm1 =	vlt.f32 v4, $0.0e+00;
	v6 =	vtrunc.f32 v7;
	v5 =	vtrunc.f32 v5  }
0x189: {  	vm2 =	vgt.f32 v4, $0.0e+00;
	v6 =	vcvt.f32.s32 v6;
	v2 =	vtrunc.f32 v2  }
0x18a: {  	vm1 =	vmor vm2, vm1;
	v4 =	vcvt.f32.s32 v5;
	v2 =	vcvt.f32.s32 v2  }
0x18b: {  	vm3 =	vgt.f32 v3, $0.0e+00;
	vm2 =	vlt.f32 v3, $0.0e+00;
	v3 =	vmul.u32 $0xA0, v6  }
0x18c: {  	vm2 =	vmor vm3, vm2;
	v5 =	vor.u32 v6, v2;
	v2 =	vmul.u32 $0xA, v2  }
0x18d: {  	vm1 =	vmor vm1, vm2;
	vm3 =	vlt.u32 v4, $0xA;
	vm2 =	vlt.u32 v5, $0x10  }
0x18e: {  	vm0 =	vmor vm1, vm0;
	vm1 =	vmand vm2, vm3;
	v2 =	vadd.s32 v3, v2  }
0x18f: {  	vm0 =	vmand vm0, vm1;
	v2 =	vadd.s32 v4, v2  }
0x190: {  	v2 =	vnsel vm0, $0xA00, v2  }
0x191: {  	(xrf1) =	vunique.msk.u32 $0xffff, v2;
	_ =	sdelay $0xd  }
0x192: {  	_, v3, vm0 =	vpop (xrf1);
	_ =	sdelay $0x2  }
.Ltmp7:
0x193: {  	(pc) =	sbr.rel @p0 .LBB2_16-.Ltmp7, $3  }
0x194: {  	_ =	sdelay $0x1  }
0x195: {  	s25 =	sshra.s32 s24, $0x2;
	[tilespmem:v2+s2+$0x0] =	vst.idx.add.s32.msk vm0, v3  }
0x196: {  	s24 =	sadd.s32 $0x40, s24;
	v2 =	vld [tilespmem:s25+$0x1A80]  }
0x197: {  	v3 =	vld [tilespmem:s25+$0x1280]  }
0x198: {  	v4 =	vld [tilespmem:s25+$0xA80];
	_ =	sdelay $0x3  }
0x199: {  	v5 =	vadd.f32 $2.000000000e+00, v2;
	v6 =	vadd.f32 $3.200000050e+00, v3  }
0x19a: {  	vm0 =	vlt.f32 v2, $0.0e+00;
	vm1 =	vgt.f32 v2, $0.0e+00;
	v7 =	vmul.f32 v4, v0  }
0x19b: {  	vm0 =	vmor vm1, vm0;
	v5 =	vmul.f32 v5, v0;
	v2 =	vmul.f32 v6, v0  }
0x19c: {  	vm10 =	vlt.f32 v4, $0.0e+00;
	vm2 =	vgt.f32 v4, $0.0e+00;
	v61 =	vtrunc.f32 v7  }
0x19d: {  	vm11 =	vlt.f32 v3, $0.0e+00;
	v5 =	vtrunc.f32 v5;
	v2 =	vtrunc.f32 v2  }
0x19e: {  	vm3 =	vgt.f32 v3, $0.0e+00;
	v6 =	vcvt.f32.s32 v61;
	v2 =	vcvt.f32.s32 v2  }
0x19f: {  	vm1 =	vmor vm2, vm10;
	vm2 =	vmor vm3, vm11;
	v62 =	vcvt.f32.s32 v5  }
0x1a0: {  	v3 =	vmul.u32 $0xA0, v6;
	v63 =	vor.u32 v6, v2;
	v2 =	vmul.u32 $0xA, v2  }
0x1a1: {  	vm1 =	vmor vm1, vm2;
	vm13 =	vlt.u32 v62, $0xA;
	vm12 =	vlt.u32 v63, $0x10  }
0x1a2: {  	vm0 =	vmor vm1, vm0;
	vm14 =	vmand vm12, vm13;
	v2 =	vadd.s32 v3, v2  }
0x1a3: {  	vm0 =	vmand vm0, vm14;
	v2 =	vadd.s32 v62, v2  }
0x1a4: {  	v2 =	vnsel vm0, $0xA00, v2  }
0x1a5: {  	(xrf1) =	vunique.msk.u32 $0xffff, v2;
	_ =	sdelay $0xd  }
0x1a6: {  	_, v3, vm15 =	vpop (xrf1);
	_ =	sdelay $0x5  }
0x1a7: {  	s24 =	simm.s32 $0x0;
	s25 =	rddreg [dreg:$0x1a];
	[tilespmem:v2+s2+$0x0] =	vst.idx.add.s32.msk vm15, v3  }
0x1a8: {  	[tilespmem:s14], [sflag:$0x1] =	stream.linear.gather [hbm4b:s25+s24], $0x7D0, $0x38;
	[tilespmem:$0x3A80] =	vst v63  }
0x1a9: {  	s25 =	rddreg [dreg:$0x1b]  }
0x1aa: {  	[tilespmem:s15], [sflag:$0x1] =	stream.linear.gather [hbm4b:s25+s24], $0x7D0, $0x38;
	[tilespmem:$0x3A80] =	vst v63  }
0x1ab: {  	_ = 	snop  }
0x1ac: {  	[tilespmem:s16], [sflag:$0x1] =	stream.linear.gather [hbm4b:s26+s24], $0x7D0, $0x38;
	[tilespmem:$0x3A80] =	vst v63  }
0x1ad: {  	_ =	swait.ge [sflag:s21], $0x7D0  }
0x1ae: {  	[sflag:s21] =	ssyncset.done $0x0  }
0x1af: {  	[sflag:s21] =	ssyncadd.s32 $0xFFFFF830  }
0x1b0: {  	_ =	swait.ge [sflag:s21], $0x7D0  }
0x1b1: {  	[sflag:s21] =	ssyncset.done $0x0  }
0x1b2: {  	[sflag:s21] =	ssyncadd.s32 $0xFFFFF830  }
0x1b3: {  	_ =	swait.ge [sflag:s21], $0x7D0  }
0x1b4: {  	[sflag:s21] =	ssyncset.done $0x0  }
0x1b5: {  	s25 =	simm.s32 $0x0;
	[sflag:s21] =	ssyncadd.s32 $0xFFFFF830  }
0x1b6: {  	s24 =	simm.s32 $0x40;
	v2 =	vld [tilespmem:s25+$0x3280]  }
.LBB2_18:
0x1b7: {  	p0 =	sne.s32 s24, $0x1F00;
	v3 =	vld [tilespmem:s25+$0x2A80]  }
0x1b8: {  	v4 =	vld [tilespmem:s25+$0x2280];
	_ =	sdelay $0x2  }
0x1b9: {  	v5 =	vadd.f32 $2.000000000e+00, v2  }
0x1ba: {  	vm0 =	vlt.f32 v2, $0.0e+00;
	v6 =	vadd.f32 $3.200000050e+00, v3  }
0x1bb: {  	vm1 =	vgt.f32 v2, $0.0e+00;
	v7 =	vmul.f32 v4, v0;
	v5 =	vmul.f32 v5, v0  }
0x1bc: {  	vm0 =	vmor vm1, vm0;
	v2 =	vmul.f32 v6, v0  }
0x1bd: {  	vm1 =	vlt.f32 v4, $0.0e+00;
	v6 =	vtrunc.f32 v7;
	v5 =	vtrunc.f32 v5  }
0x1be: {  	vm2 =	vgt.f32 v4, $0.0e+00;
	v6 =	vcvt.f32.s32 v6;
	v2 =	vtrunc.f32 v2  }
0x1bf: {  	vm1 =	vmor vm2, vm1;
	v4 =	vcvt.f32.s32 v5;
	v2 =	vcvt.f32.s32 v2  }
0x1c0: {  	vm3 =	vgt.f32 v3, $0.0e+00;
	vm2 =	vlt.f32 v3, $0.0e+00;
	v3 =	vmul.u32 $0xA0, v6  }
0x1c1: {  	vm2 =	vmor vm3, vm2;
	v5 =	vor.u32 v6, v2;
	v2 =	vmul.u32 $0xA, v2  }
0x1c2: {  	vm1 =	vmor vm1, vm2;
	vm3 =	vlt.u32 v4, $0xA;
	vm2 =	vlt.u32 v5, $0x10  }
0x1c3: {  	vm0 =	vmor vm1, vm0;
	vm1 =	vmand vm2, vm3;
	v2 =	vadd.s32 v3, v2  }
0x1c4: {  	vm0 =	vmand vm0, vm1;
	v2 =	vadd.s32 v4, v2  }
0x1c5: {  	v2 =	vnsel vm0, $0xA00, v2  }
0x1c6: {  	(xrf1) =	vunique.msk.u32 $0xffff, v2;
	_ =	sdelay $0xd  }
0x1c7: {  	_, v3, vm0 =	vpop (xrf1);
	_ =	sdelay $0x2  }
.Ltmp8:
0x1c8: {  	(pc) =	sbr.rel @p0 .LBB2_18-.Ltmp8, $3  }
0x1c9: {  	_ =	sdelay $0x1  }
0x1ca: {  	s25 =	sshra.s32 s24, $0x2;
	[tilespmem:v2+s2+$0x0] =	vst.idx.add.s32.msk vm0, v3  }
0x1cb: {  	s24 =	sadd.s32 $0x40, s24;
	v2 =	vld [tilespmem:s25+$0x3280]  }
0x1cc: {  	v3 =	vld [tilespmem:s25+$0x2A80]  }
0x1cd: {  	v4 =	vld [tilespmem:s25+$0x2280];
	_ =	sdelay $0x3  }
0x1ce: {  	v5 =	vadd.f32 $2.000000000e+00, v2;
	v6 =	vadd.f32 $3.200000050e+00, v3  }
0x1cf: {  	vm0 =	vlt.f32 v2, $0.0e+00;
	vm1 =	vgt.f32 v2, $0.0e+00;
	v7 =	vmul.f32 v4, v0  }
0x1d0: {  	vm0 =	vmor vm1, vm0;
	v5 =	vmul.f32 v5, v0;
	v2 =	vmul.f32 v6, v0  }
0x1d1: {  	vm10 =	vlt.f32 v4, $0.0e+00;
	vm2 =	vgt.f32 v4, $0.0e+00;
	v61 =	vtrunc.f32 v7  }
0x1d2: {  	vm11 =	vlt.f32 v3, $0.0e+00;
	v5 =	vtrunc.f32 v5;
	v2 =	vtrunc.f32 v2  }
0x1d3: {  	vm3 =	vgt.f32 v3, $0.0e+00;
	v6 =	vcvt.f32.s32 v61;
	v2 =	vcvt.f32.s32 v2  }
0x1d4: {  	vm1 =	vmor vm2, vm10;
	vm2 =	vmor vm3, vm11;
	v62 =	vcvt.f32.s32 v5  }
0x1d5: {  	v3 =	vmul.u32 $0xA0, v6;
	v63 =	vor.u32 v6, v2;
	v2 =	vmul.u32 $0xA, v2  }
0x1d6: {  	vm1 =	vmor vm1, vm2;
	vm13 =	vlt.u32 v62, $0xA;
	vm12 =	vlt.u32 v63, $0x10  }
0x1d7: {  	vm0 =	vmor vm1, vm0;
	vm14 =	vmand vm12, vm13;
	v2 =	vadd.s32 v3, v2  }
0x1d8: {  	vm0 =	vmand vm0, vm14;
	v2 =	vadd.s32 v62, v2  }
0x1d9: {  	v2 =	vnsel vm0, $0xA00, v2  }
0x1da: {  	(xrf1) =	vunique.msk.u32 $0xffff, v2;
	_ =	sdelay $0xd  }
0x1db: {  	_, v3, vm15 =	vpop (xrf1);
	_ =	sdelay $0x5  }
0x1dc: {  	s24 =	simm.s32 $0x0;
	[tilespmem:v2+s2+$0x0] =	vst.idx.add.s32.msk vm15, v3  }
0x1dd: {  	[tilespmem:s17], [sflag:$0x2] =	stream.linear.gather [hbm4b:s28+s24], $0x7D0, $0x38;
	[tilespmem:$0x3A80] =	vst v63  }
0x1de: {  	_ = 	snop  }
0x1df: {  	[tilespmem:s18], [sflag:$0x2] =	stream.linear.gather [hbm4b:s29+s24], $0x7D0, $0x38;
	[tilespmem:$0x3A80] =	vst v63  }
0x1e0: {  	_ = 	snop  }
0x1e1: {  	[tilespmem:s19], [sflag:$0x2] =	stream.linear.gather [hbm4b:s30+s24], $0x7D0, $0x38;
	[tilespmem:$0x3A80] =	vst v63  }
0x1e2: {  	_ =	swait.ge [sflag:s20], $0x7D0  }
0x1e3: {  	[sflag:s20] =	ssyncset.done $0x0  }
0x1e4: {  	[sflag:s20] =	ssyncadd.s32 $0xFFFFF830  }
0x1e5: {  	_ =	swait.ge [sflag:s20], $0x7D0  }
0x1e6: {  	[sflag:s20] =	ssyncset.done $0x0  }
0x1e7: {  	[sflag:s20] =	ssyncadd.s32 $0xFFFFF830  }
0x1e8: {  	_ =	swait.ge [sflag:s20], $0x7D0  }
0x1e9: {  	[sflag:s20] =	ssyncset.done $0x0  }
0x1ea: {  	s25 =	simm.s32 $0x0;
	[sflag:s20] =	ssyncadd.s32 $0xFFFFF830  }
0x1eb: {  	s24 =	simm.s32 $0x40;
	v2 =	vld [tilespmem:s25+$0x1A80]  }
.LBB2_20:
0x1ec: {  	p0 =	sne.s32 s24, $0x1F00;
	v3 =	vld [tilespmem:s25+$0x1280]  }
0x1ed: {  	v4 =	vld [tilespmem:s25+$0xA80];
	_ =	sdelay $0x2  }
0x1ee: {  	v5 =	vadd.f32 $2.000000000e+00, v2  }
0x1ef: {  	vm0 =	vlt.f32 v2, $0.0e+00;
	v6 =	vadd.f32 $3.200000050e+00, v3  }
0x1f0: {  	vm1 =	vgt.f32 v2, $0.0e+00;
	v7 =	vmul.f32 v4, v0;
	v5 =	vmul.f32 v5, v0  }
0x1f1: {  	vm0 =	vmor vm1, vm0;
	v2 =	vmul.f32 v6, v0  }
0x1f2: {  	vm1 =	vlt.f32 v4, $0.0e+00;
	v6 =	vtrunc.f32 v7;
	v5 =	vtrunc.f32 v5  }
0x1f3: {  	vm2 =	vgt.f32 v4, $0.0e+00;
	v6 =	vcvt.f32.s32 v6;
	v2 =	vtrunc.f32 v2  }
0x1f4: {  	vm1 =	vmor vm2, vm1;
	v4 =	vcvt.f32.s32 v5;
	v2 =	vcvt.f32.s32 v2  }
0x1f5: {  	vm3 =	vgt.f32 v3, $0.0e+00;
	vm2 =	vlt.f32 v3, $0.0e+00;
	v3 =	vmul.u32 $0xA0, v6  }
0x1f6: {  	vm2 =	vmor vm3, vm2;
	v5 =	vor.u32 v6, v2;
	v2 =	vmul.u32 $0xA, v2  }
0x1f7: {  	vm1 =	vmor vm1, vm2;
	vm3 =	vlt.u32 v4, $0xA;
	vm2 =	vlt.u32 v5, $0x10  }
0x1f8: {  	vm0 =	vmor vm1, vm0;
	vm1 =	vmand vm2, vm3;
	v2 =	vadd.s32 v3, v2  }
0x1f9: {  	vm0 =	vmand vm0, vm1;
	v2 =	vadd.s32 v4, v2  }
0x1fa: {  	v2 =	vnsel vm0, $0xA00, v2  }
0x1fb: {  	(xrf1) =	vunique.msk.u32 $0xffff, v2;
	_ =	sdelay $0xd  }
0x1fc: {  	_, v3, vm0 =	vpop (xrf1);
	_ =	sdelay $0x2  }
.Ltmp9:
0x1fd: {  	(pc) =	sbr.rel @p0 .LBB2_20-.Ltmp9, $3  }
0x1fe: {  	_ =	sdelay $0x1  }
0x1ff: {  	s25 =	sshra.s32 s24, $0x2;
	[tilespmem:v2+s2+$0x0] =	vst.idx.add.s32.msk vm0, v3  }
0x200: {  	s24 =	sadd.s32 $0x40, s24;
	v2 =	vld [tilespmem:s25+$0x1A80]  }
0x201: {  	v3 =	vld [tilespmem:s25+$0x1280]  }
0x202: {  	v4 =	vld [tilespmem:s25+$0xA80];
	_ =	sdelay $0x3  }
0x203: {  	v5 =	vadd.f32 $2.000000000e+00, v2;
	v6 =	vadd.f32 $3.200000050e+00, v3  }
0x204: {  	vm0 =	vlt.f32 v2, $0.0e+00;
	vm1 =	vgt.f32 v2, $0.0e+00;
	v7 =	vmul.f32 v4, v0  }
0x205: {  	vm0 =	vmor vm1, vm0;
	v5 =	vmul.f32 v5, v0;
	v2 =	vmul.f32 v6, v0  }
0x206: {  	vm10 =	vlt.f32 v4, $0.0e+00;
	vm2 =	vgt.f32 v4, $0.0e+00;
	v61 =	vtrunc.f32 v7  }
0x207: {  	vm11 =	vlt.f32 v3, $0.0e+00;
	v5 =	vtrunc.f32 v5;
	v2 =	vtrunc.f32 v2  }
0x208: {  	vm3 =	vgt.f32 v3, $0.0e+00;
	v6 =	vcvt.f32.s32 v61;
	v2 =	vcvt.f32.s32 v2  }
0x209: {  	vm1 =	vmor vm2, vm10;
	vm2 =	vmor vm3, vm11;
	v62 =	vcvt.f32.s32 v5  }
0x20a: {  	v3 =	vmul.u32 $0xA0, v6;
	v63 =	vor.u32 v6, v2;
	v2 =	vmul.u32 $0xA, v2  }
0x20b: {  	vm1 =	vmor vm1, vm2;
	vm13 =	vlt.u32 v62, $0xA;
	vm12 =	vlt.u32 v63, $0x10  }
0x20c: {  	vm0 =	vmor vm1, vm0;
	vm14 =	vmand vm12, vm13;
	v2 =	vadd.s32 v3, v2  }
0x20d: {  	vm0 =	vmand vm0, vm14;
	v2 =	vadd.s32 v62, v2  }
0x20e: {  	v2 =	vnsel vm0, $0xA00, v2  }
0x20f: {  	(xrf1) =	vunique.msk.u32 $0xffff, v2;
	_ =	sdelay $0xd  }
0x210: {  	_, v3, vm15 =	vpop (xrf1);
	_ =	sdelay $0x5  }
0x211: {  	s24 =	simm.s32 $0x0;
	[tilespmem:v2+s2+$0x0] =	vst.idx.add.s32.msk vm15, v3  }
0x212: {  	[tilespmem:s14], [sflag:$0x1] =	stream.linear.gather [hbm4b:s31+s24], $0x7D0, $0x38;
	[tilespmem:$0x3A80] =	vst v63  }
0x213: {  	_ = 	snop  }
0x214: {  	[tilespmem:s15], [sflag:$0x1] =	stream.linear.gather [hbm4b:s1+s24], $0x7D0, $0x38;
	[tilespmem:$0x3A80] =	vst v63  }
0x215: {  	_ = 	snop  }
0x216: {  	[tilespmem:s16], [sflag:$0x1] =	stream.linear.gather [hbm4b:s0+s24], $0x7D0, $0x38;
	[tilespmem:$0x3A80] =	vst v63  }
0x217: {  	_ =	swait.ge [sflag:s21], $0x7D0  }
0x218: {  	[sflag:s21] =	ssyncset.done $0x0  }
0x219: {  	[sflag:s21] =	ssyncadd.s32 $0xFFFFF830  }
0x21a: {  	_ =	swait.ge [sflag:s21], $0x7D0  }
0x21b: {  	[sflag:s21] =	ssyncset.done $0x0  }
0x21c: {  	[sflag:s21] =	ssyncadd.s32 $0xFFFFF830  }
0x21d: {  	_ =	swait.ge [sflag:s21], $0x7D0  }
0x21e: {  	[sflag:s21] =	ssyncset.done $0x0  }
0x21f: {  	s25 =	simm.s32 $0x0;
	[sflag:s21] =	ssyncadd.s32 $0xFFFFF830  }
0x220: {  	s24 =	simm.s32 $0x40;
	v2 =	vld [tilespmem:s25+$0x3280]  }
.LBB2_22:
0x221: {  	p0 =	sne.s32 s24, $0x1F00;
	v3 =	vld [tilespmem:s25+$0x2A80]  }
0x222: {  	v4 =	vld [tilespmem:s25+$0x2280];
	_ =	sdelay $0x2  }
0x223: {  	v5 =	vadd.f32 $2.000000000e+00, v2  }
0x224: {  	vm0 =	vlt.f32 v2, $0.0e+00;
	v6 =	vadd.f32 $3.200000050e+00, v3  }
0x225: {  	vm1 =	vgt.f32 v2, $0.0e+00;
	v7 =	vmul.f32 v4, v0;
	v5 =	vmul.f32 v5, v0  }
0x226: {  	vm0 =	vmor vm1, vm0;
	v2 =	vmul.f32 v6, v0  }
0x227: {  	vm1 =	vlt.f32 v4, $0.0e+00;
	v6 =	vtrunc.f32 v7;
	v5 =	vtrunc.f32 v5  }
0x228: {  	vm2 =	vgt.f32 v4, $0.0e+00;
	v6 =	vcvt.f32.s32 v6;
	v2 =	vtrunc.f32 v2  }
0x229: {  	vm1 =	vmor vm2, vm1;
	v4 =	vcvt.f32.s32 v5;
	v2 =	vcvt.f32.s32 v2  }
0x22a: {  	vm3 =	vgt.f32 v3, $0.0e+00;
	vm2 =	vlt.f32 v3, $0.0e+00;
	v3 =	vmul.u32 $0xA0, v6  }
0x22b: {  	vm2 =	vmor vm3, vm2;
	v5 =	vor.u32 v6, v2;
	v2 =	vmul.u32 $0xA, v2  }
0x22c: {  	vm1 =	vmor vm1, vm2;
	vm3 =	vlt.u32 v4, $0xA;
	vm2 =	vlt.u32 v5, $0x10  }
0x22d: {  	vm0 =	vmor vm1, vm0;
	vm1 =	vmand vm2, vm3;
	v2 =	vadd.s32 v3, v2  }
0x22e: {  	vm0 =	vmand vm0, vm1;
	v2 =	vadd.s32 v4, v2  }
0x22f: {  	v2 =	vnsel vm0, $0xA00, v2  }
0x230: {  	(xrf1) =	vunique.msk.u32 $0xffff, v2;
	_ =	sdelay $0xd  }
0x231: {  	_, v3, vm0 =	vpop (xrf1);
	_ =	sdelay $0x2  }
.Ltmp10:
0x232: {  	(pc) =	sbr.rel @p0 .LBB2_22-.Ltmp10, $3  }
0x233: {  	_ =	sdelay $0x1  }
0x234: {  	s25 =	sshra.s32 s24, $0x2;
	[tilespmem:v2+s2+$0x0] =	vst.idx.add.s32.msk vm0, v3  }
0x235: {  	s24 =	sadd.s32 $0x40, s24;
	v2 =	vld [tilespmem:s25+$0x3280]  }
0x236: {  	v3 =	vld [tilespmem:s25+$0x2A80]  }
0x237: {  	v4 =	vld [tilespmem:s25+$0x2280];
	_ =	sdelay $0x3  }
0x238: {  	v5 =	vadd.f32 $2.000000000e+00, v2;
	v6 =	vadd.f32 $3.200000050e+00, v3  }
0x239: {  	vm0 =	vlt.f32 v2, $0.0e+00;
	vm1 =	vgt.f32 v2, $0.0e+00;
	v7 =	vmul.f32 v4, v0  }
0x23a: {  	vm0 =	vmor vm1, vm0;
	v5 =	vmul.f32 v5, v0;
	v2 =	vmul.f32 v6, v0  }
0x23b: {  	vm10 =	vlt.f32 v4, $0.0e+00;
	vm2 =	vgt.f32 v4, $0.0e+00;
	v61 =	vtrunc.f32 v7  }
0x23c: {  	vm11 =	vlt.f32 v3, $0.0e+00;
	v5 =	vtrunc.f32 v5;
	v2 =	vtrunc.f32 v2  }
0x23d: {  	vm3 =	vgt.f32 v3, $0.0e+00;
	v6 =	vcvt.f32.s32 v61;
	v2 =	vcvt.f32.s32 v2  }
0x23e: {  	vm1 =	vmor vm2, vm10;
	vm2 =	vmor vm3, vm11;
	v62 =	vcvt.f32.s32 v5  }
0x23f: {  	v3 =	vmul.u32 $0xA0, v6;
	v63 =	vor.u32 v6, v2;
	v2 =	vmul.u32 $0xA, v2  }
0x240: {  	vm1 =	vmor vm1, vm2;
	vm13 =	vlt.u32 v62, $0xA;
	vm12 =	vlt.u32 v63, $0x10  }
0x241: {  	vm0 =	vmor vm1, vm0;
	vm14 =	vmand vm12, vm13;
	v2 =	vadd.s32 v3, v2  }
0x242: {  	vm0 =	vmand vm0, vm14;
	v2 =	vadd.s32 v62, v2  }
0x243: {  	v2 =	vnsel vm0, $0xA00, v2  }
0x244: {  	(xrf1) =	vunique.msk.u32 $0xffff, v2;
	_ =	sdelay $0xd  }
0x245: {  	_, v3, vm15 =	vpop (xrf1);
	_ =	sdelay $0x5  }
0x246: {  	s24 =	simm.s32 $0x0;
	[tilespmem:v2+s2+$0x0] =	vst.idx.add.s32.msk vm15, v3  }
0x247: {  	[tilespmem:s17], [sflag:$0x2] =	stream.linear.gather [hbm4b:s3+s24], $0x7D0, $0x38;
	[tilespmem:$0x3A80] =	vst v63  }
0x248: {  	_ = 	snop  }
0x249: {  	[tilespmem:s18], [sflag:$0x2] =	stream.linear.gather [hbm4b:s4+s24], $0x7D0, $0x38;
	[tilespmem:$0x3A80] =	vst v63  }
0x24a: {  	_ = 	snop  }
0x24b: {  	[tilespmem:s19], [sflag:$0x2] =	stream.linear.gather [hbm4b:s5+s24], $0x7D0, $0x38;
	[tilespmem:$0x3A80] =	vst v63  }
0x24c: {  	_ =	swait.ge [sflag:s20], $0x7D0  }
0x24d: {  	[sflag:s20] =	ssyncset.done $0x0  }
0x24e: {  	[sflag:s20] =	ssyncadd.s32 $0xFFFFF830  }
0x24f: {  	_ =	swait.ge [sflag:s20], $0x7D0  }
0x250: {  	[sflag:s20] =	ssyncset.done $0x0  }
0x251: {  	[sflag:s20] =	ssyncadd.s32 $0xFFFFF830  }
0x252: {  	_ =	swait.ge [sflag:s20], $0x7D0  }
0x253: {  	[sflag:s20] =	ssyncset.done $0x0  }
0x254: {  	s25 =	simm.s32 $0x0;
	[sflag:s20] =	ssyncadd.s32 $0xFFFFF830  }
0x255: {  	s24 =	simm.s32 $0x40;
	v2 =	vld [tilespmem:s25+$0x1A80]  }
.LBB2_24:
0x256: {  	p0 =	sne.s32 s24, $0x1F00;
	v3 =	vld [tilespmem:s25+$0x1280]  }
0x257: {  	v4 =	vld [tilespmem:s25+$0xA80];
	_ =	sdelay $0x2  }
0x258: {  	v5 =	vadd.f32 $2.000000000e+00, v2  }
0x259: {  	vm0 =	vlt.f32 v2, $0.0e+00;
	v6 =	vadd.f32 $3.200000050e+00, v3  }
0x25a: {  	vm1 =	vgt.f32 v2, $0.0e+00;
	v7 =	vmul.f32 v4, v0;
	v5 =	vmul.f32 v5, v0  }
0x25b: {  	vm0 =	vmor vm1, vm0;
	v2 =	vmul.f32 v6, v0  }
0x25c: {  	vm1 =	vlt.f32 v4, $0.0e+00;
	v6 =	vtrunc.f32 v7;
	v5 =	vtrunc.f32 v5  }
0x25d: {  	vm2 =	vgt.f32 v4, $0.0e+00;
	v6 =	vcvt.f32.s32 v6;
	v2 =	vtrunc.f32 v2  }
0x25e: {  	vm1 =	vmor vm2, vm1;
	v4 =	vcvt.f32.s32 v5;
	v2 =	vcvt.f32.s32 v2  }
0x25f: {  	vm3 =	vgt.f32 v3, $0.0e+00;
	vm2 =	vlt.f32 v3, $0.0e+00;
	v3 =	vmul.u32 $0xA0, v6  }
0x260: {  	vm2 =	vmor vm3, vm2;
	v5 =	vor.u32 v6, v2;
	v2 =	vmul.u32 $0xA, v2  }
0x261: {  	vm1 =	vmor vm1, vm2;
	vm3 =	vlt.u32 v4, $0xA;
	vm2 =	vlt.u32 v5, $0x10  }
0x262: {  	vm0 =	vmor vm1, vm0;
	vm1 =	vmand vm2, vm3;
	v2 =	vadd.s32 v3, v2  }
0x263: {  	vm0 =	vmand vm0, vm1;
	v2 =	vadd.s32 v4, v2  }
0x264: {  	v2 =	vnsel vm0, $0xA00, v2  }
0x265: {  	(xrf1) =	vunique.msk.u32 $0xffff, v2;
	_ =	sdelay $0xd  }
0x266: {  	_, v3, vm0 =	vpop (xrf1);
	_ =	sdelay $0x2  }
.Ltmp11:
0x267: {  	(pc) =	sbr.rel @p0 .LBB2_24-.Ltmp11, $3  }
0x268: {  	_ =	sdelay $0x1  }
0x269: {  	s25 =	sshra.s32 s24, $0x2;
	[tilespmem:v2+s2+$0x0] =	vst.idx.add.s32.msk vm0, v3  }
0x26a: {  	s24 =	sadd.s32 $0x40, s24;
	v2 =	vld [tilespmem:s25+$0x1A80]  }
0x26b: {  	v3 =	vld [tilespmem:s25+$0x1280]  }
0x26c: {  	v4 =	vld [tilespmem:s25+$0xA80];
	_ =	sdelay $0x3  }
0x26d: {  	v5 =	vadd.f32 $2.000000000e+00, v2;
	v6 =	vadd.f32 $3.200000050e+00, v3  }
0x26e: {  	vm0 =	vlt.f32 v2, $0.0e+00;
	vm1 =	vgt.f32 v2, $0.0e+00;
	v7 =	vmul.f32 v4, v0  }
0x26f: {  	vm0 =	vmor vm1, vm0;
	v5 =	vmul.f32 v5, v0;
	v2 =	vmul.f32 v6, v0  }
0x270: {  	vm10 =	vlt.f32 v4, $0.0e+00;
	vm2 =	vgt.f32 v4, $0.0e+00;
	v61 =	vtrunc.f32 v7  }
0x271: {  	vm11 =	vlt.f32 v3, $0.0e+00;
	v5 =	vtrunc.f32 v5;
	v2 =	vtrunc.f32 v2  }
0x272: {  	vm3 =	vgt.f32 v3, $0.0e+00;
	v6 =	vcvt.f32.s32 v61;
	v2 =	vcvt.f32.s32 v2  }
0x273: {  	vm1 =	vmor vm2, vm10;
	vm2 =	vmor vm3, vm11;
	v62 =	vcvt.f32.s32 v5  }
0x274: {  	v3 =	vmul.u32 $0xA0, v6;
	v63 =	vor.u32 v6, v2;
	v2 =	vmul.u32 $0xA, v2  }
0x275: {  	vm1 =	vmor vm1, vm2;
	vm13 =	vlt.u32 v62, $0xA;
	vm12 =	vlt.u32 v63, $0x10  }
0x276: {  	vm0 =	vmor vm1, vm0;
	vm14 =	vmand vm12, vm13;
	v2 =	vadd.s32 v3, v2  }
0x277: {  	vm0 =	vmand vm0, vm14;
	v2 =	vadd.s32 v62, v2  }
0x278: {  	v2 =	vnsel vm0, $0xA00, v2  }
0x279: {  	(xrf1) =	vunique.msk.u32 $0xffff, v2;
	_ =	sdelay $0xd  }
0x27a: {  	_, v3, vm15 =	vpop (xrf1);
	_ =	sdelay $0x5  }
0x27b: {  	s24 =	simm.s32 $0x0;
	[tilespmem:v2+s2+$0x0] =	vst.idx.add.s32.msk vm15, v3  }
0x27c: {  	[tilespmem:s14], [sflag:$0x1] =	stream.linear.gather [hbm4b:s9+s24], $0x3E8, $0x38;
	[tilespmem:$0x3A80] =	vst v63  }
0x27d: {  	_ = 	snop  }
0x27e: {  	[tilespmem:s15], [sflag:$0x1] =	stream.linear.gather [hbm4b:s10+s24], $0x3E8, $0x38;
	[tilespmem:$0x3A80] =	vst v63  }
0x27f: {  	_ = 	snop  }
0x280: {  	[tilespmem:s16], [sflag:$0x1] =	stream.linear.gather [hbm4b:s11+s24], $0x3E8, $0x38;
	[tilespmem:$0x3A80] =	vst v63  }
0x281: {  	_ =	swait.ge [sflag:s21], $0x7D0  }
0x282: {  	[sflag:s21] =	ssyncset.done $0x0  }
0x283: {  	[sflag:s21] =	ssyncadd.s32 $0xFFFFF830  }
0x284: {  	_ =	swait.ge [sflag:s21], $0x7D0  }
0x285: {  	[sflag:s21] =	ssyncset.done $0x0  }
0x286: {  	[sflag:s21] =	ssyncadd.s32 $0xFFFFF830  }
0x287: {  	_ =	swait.ge [sflag:s21], $0x7D0  }
0x288: {  	[sflag:s21] =	ssyncset.done $0x0  }
0x289: {  	s25 =	simm.s32 $0x0;
	[sflag:s21] =	ssyncadd.s32 $0xFFFFF830  }
0x28a: {  	s24 =	simm.s32 $0x40;
	v2 =	vld [tilespmem:s25+$0x3280]  }
.LBB2_26:
0x28b: {  	p0 =	sne.s32 s24, $0x1F00;
	v3 =	vld [tilespmem:s25+$0x2A80]  }
0x28c: {  	v4 =	vld [tilespmem:s25+$0x2280];
	_ =	sdelay $0x2  }
0x28d: {  	v5 =	vadd.f32 $2.000000000e+00, v2  }
0x28e: {  	vm0 =	vlt.f32 v2, $0.0e+00;
	v6 =	vadd.f32 $3.200000050e+00, v3  }
0x28f: {  	vm1 =	vgt.f32 v2, $0.0e+00;
	v7 =	vmul.f32 v4, v0;
	v5 =	vmul.f32 v5, v0  }
0x290: {  	vm0 =	vmor vm1, vm0;
	v2 =	vmul.f32 v6, v0  }
0x291: {  	vm1 =	vlt.f32 v4, $0.0e+00;
	v6 =	vtrunc.f32 v7;
	v5 =	vtrunc.f32 v5  }
0x292: {  	vm2 =	vgt.f32 v4, $0.0e+00;
	v6 =	vcvt.f32.s32 v6;
	v2 =	vtrunc.f32 v2  }
0x293: {  	vm1 =	vmor vm2, vm1;
	v4 =	vcvt.f32.s32 v5;
	v2 =	vcvt.f32.s32 v2  }
0x294: {  	vm3 =	vgt.f32 v3, $0.0e+00;
	vm2 =	vlt.f32 v3, $0.0e+00;
	v3 =	vmul.u32 $0xA0, v6  }
0x295: {  	vm2 =	vmor vm3, vm2;
	v5 =	vor.u32 v6, v2;
	v2 =	vmul.u32 $0xA, v2  }
0x296: {  	vm1 =	vmor vm1, vm2;
	vm3 =	vlt.u32 v4, $0xA;
	vm2 =	vlt.u32 v5, $0x10  }
0x297: {  	vm0 =	vmor vm1, vm0;
	vm1 =	vmand vm2, vm3;
	v2 =	vadd.s32 v3, v2  }
0x298: {  	vm0 =	vmand vm0, vm1;
	v2 =	vadd.s32 v4, v2  }
0x299: {  	v2 =	vnsel vm0, $0xA00, v2  }
0x29a: {  	(xrf1) =	vunique.msk.u32 $0xffff, v2;
	_ =	sdelay $0xd  }
0x29b: {  	_, v3, vm0 =	vpop (xrf1);
	_ =	sdelay $0x2  }
.Ltmp12:
0x29c: {  	(pc) =	sbr.rel @p0 .LBB2_26-.Ltmp12, $3  }
0x29d: {  	_ =	sdelay $0x1  }
0x29e: {  	s25 =	sshra.s32 s24, $0x2;
	[tilespmem:v2+s2+$0x0] =	vst.idx.add.s32.msk vm0, v3  }
0x29f: {  	s24 =	sadd.s32 $0x40, s24;
	v2 =	vld [tilespmem:s25+$0x3280]  }
0x2a0: {  	v3 =	vld [tilespmem:s25+$0x2A80]  }
0x2a1: {  	v4 =	vld [tilespmem:s25+$0x2280];
	_ =	sdelay $0x3  }
0x2a2: {  	v5 =	vadd.f32 $2.000000000e+00, v2;
	v6 =	vadd.f32 $3.200000050e+00, v3  }
0x2a3: {  	vm0 =	vlt.f32 v2, $0.0e+00;
	vm1 =	vgt.f32 v2, $0.0e+00;
	v7 =	vmul.f32 v4, v0  }
0x2a4: {  	vm0 =	vmor vm1, vm0;
	v5 =	vmul.f32 v5, v0;
	v2 =	vmul.f32 v6, v0  }
0x2a5: {  	vm10 =	vlt.f32 v4, $0.0e+00;
	vm2 =	vgt.f32 v4, $0.0e+00;
	v61 =	vtrunc.f32 v7  }
0x2a6: {  	vm11 =	vlt.f32 v3, $0.0e+00;
	v5 =	vtrunc.f32 v5;
	v2 =	vtrunc.f32 v2  }
0x2a7: {  	vm3 =	vgt.f32 v3, $0.0e+00;
	v6 =	vcvt.f32.s32 v61;
	v2 =	vcvt.f32.s32 v2  }
0x2a8: {  	vm1 =	vmor vm2, vm10;
	vm2 =	vmor vm3, vm11;
	v62 =	vcvt.f32.s32 v5  }
0x2a9: {  	v3 =	vmul.u32 $0xA0, v6;
	v63 =	vor.u32 v6, v2;
	v2 =	vmul.u32 $0xA, v2  }
0x2aa: {  	vm1 =	vmor vm1, vm2;
	vm13 =	vlt.u32 v62, $0xA;
	vm12 =	vlt.u32 v63, $0x10  }
0x2ab: {  	vm0 =	vmor vm1, vm0;
	vm14 =	vmand vm12, vm13;
	v2 =	vadd.s32 v3, v2  }
0x2ac: {  	vm0 =	vmand vm0, vm14;
	v2 =	vadd.s32 v62, v2  }
0x2ad: {  	v2 =	vnsel vm0, $0xA00, v2  }
0x2ae: {  	(xrf1) =	vunique.msk.u32 $0xffff, v2;
	_ =	sdelay $0xd  }
0x2af: {  	_, v3, vm15 =	vpop (xrf1);
	_ =	sdelay $0x5  }
0x2b0: {  	[tilespmem:v2+s2+$0x0] =	vst.idx.add.s32.msk vm15, v3  }
0x2b1: {  	_ =	swait.ge [sflag:s20], $0x3E8  }
0x2b2: {  	[sflag:s20] =	ssyncset.done $0x0  }
0x2b3: {  	[sflag:s20] =	ssyncadd.s32 $0xFFFFFC18  }
0x2b4: {  	_ =	swait.ge [sflag:s20], $0x3E8  }
0x2b5: {  	[sflag:s20] =	ssyncset.done $0x0  }
0x2b6: {  	[sflag:s20] =	ssyncadd.s32 $0xFFFFFC18  }
0x2b7: {  	_ =	swait.ge [sflag:s20], $0x3E8  }
0x2b8: {  	[sflag:s20] =	ssyncset.done $0x0  }
0x2b9: {  	s25 =	simm.s32 $0x0;
	[sflag:s20] =	ssyncadd.s32 $0xFFFFFC18  }
0x2ba: {  	s24 =	simm.s32 $0x40;
	v2 =	vld [tilespmem:s25+$0x1A80]  }
.LBB2_28:
0x2bb: {  	p0 =	sne.s32 s24, $0xF40;
	v3 =	vld [tilespmem:s25+$0x1280]  }
0x2bc: {  	v4 =	vld [tilespmem:s25+$0xA80];
	_ =	sdelay $0x2  }
0x2bd: {  	v5 =	vadd.f32 $2.000000000e+00, v2  }
0x2be: {  	vm0 =	vlt.f32 v2, $0.0e+00;
	v6 =	vadd.f32 $3.200000050e+00, v3  }
0x2bf: {  	vm1 =	vgt.f32 v2, $0.0e+00;
	v7 =	vmul.f32 v4, v0;
	v5 =	vmul.f32 v5, v0  }
0x2c0: {  	vm0 =	vmor vm1, vm0;
	v2 =	vmul.f32 v6, v0  }
0x2c1: {  	vm1 =	vlt.f32 v4, $0.0e+00;
	v6 =	vtrunc.f32 v7;
	v5 =	vtrunc.f32 v5  }
0x2c2: {  	vm2 =	vgt.f32 v4, $0.0e+00;
	v6 =	vcvt.f32.s32 v6;
	v2 =	vtrunc.f32 v2  }
0x2c3: {  	vm1 =	vmor vm2, vm1;
	v4 =	vcvt.f32.s32 v5;
	v2 =	vcvt.f32.s32 v2  }
0x2c4: {  	vm3 =	vgt.f32 v3, $0.0e+00;
	vm2 =	vlt.f32 v3, $0.0e+00;
	v3 =	vmul.u32 $0xA0, v6  }
0x2c5: {  	vm2 =	vmor vm3, vm2;
	v5 =	vor.u32 v6, v2;
	v2 =	vmul.u32 $0xA, v2  }
0x2c6: {  	vm1 =	vmor vm1, vm2;
	vm3 =	vlt.u32 v4, $0xA;
	vm2 =	vlt.u32 v5, $0x10  }
0x2c7: {  	vm0 =	vmor vm1, vm0;
	vm1 =	vmand vm2, vm3;
	v2 =	vadd.s32 v3, v2  }
0x2c8: {  	vm0 =	vmand vm0, vm1;
	v2 =	vadd.s32 v4, v2  }
0x2c9: {  	v2 =	vnsel vm0, $0xA00, v2  }
0x2ca: {  	(xrf1) =	vunique.msk.u32 $0xffff, v2;
	_ =	sdelay $0xd  }
0x2cb: {  	_, v3, vm0 =	vpop (xrf1);
	_ =	sdelay $0x2  }
.Ltmp13:
0x2cc: {  	(pc) =	sbr.rel @p0 .LBB2_28-.Ltmp13, $3  }
0x2cd: {  	_ =	sdelay $0x1  }
0x2ce: {  	s25 =	sshra.s32 s24, $0x2;
	[tilespmem:v2+s2+$0x0] =	vst.idx.add.s32.msk vm0, v3  }
0x2cf: {  	s24 =	sadd.s32 $0x40, s24;
	v2 =	vld [tilespmem:s25+$0x1A80]  }
0x2d0: {  	v3 =	vld [tilespmem:s25+$0x1280]  }
0x2d1: {  	v4 =	vld [tilespmem:s25+$0xA80];
	_ =	sdelay $0x3  }
0x2d2: {  	v5 =	vadd.f32 $2.000000000e+00, v2;
	v6 =	vadd.f32 $3.200000050e+00, v3  }
0x2d3: {  	vm0 =	vlt.f32 v2, $0.0e+00;
	vm1 =	vgt.f32 v2, $0.0e+00;
	v7 =	vmul.f32 v4, v0  }
0x2d4: {  	vm0 =	vmor vm1, vm0;
	v5 =	vmul.f32 v5, v0;
	v2 =	vmul.f32 v6, v0  }
0x2d5: {  	vm9 =	vlt.f32 v4, $0.0e+00;
	vm2 =	vgt.f32 v4, $0.0e+00;
	v56 =	vtrunc.f32 v7  }
0x2d6: {  	vm10 =	vlt.f32 v3, $0.0e+00;
	v5 =	vtrunc.f32 v5;
	v2 =	vtrunc.f32 v2  }
0x2d7: {  	vm3 =	vgt.f32 v3, $0.0e+00;
	v6 =	vcvt.f32.s32 v56;
	v2 =	vcvt.f32.s32 v2  }
0x2d8: {  	vm1 =	vmor vm2, vm9;
	vm2 =	vmor vm3, vm10;
	v57 =	vcvt.f32.s32 v5  }
0x2d9: {  	v3 =	vmul.u32 $0xA0, v6;
	v58 =	vor.u32 v6, v2;
	v2 =	vmul.u32 $0xA, v2  }
0x2da: {  	vm1 =	vmor vm1, vm2;
	vm12 =	vlt.u32 v57, $0xA;
	vm11 =	vlt.u32 v58, $0x10  }
0x2db: {  	vm0 =	vmor vm1, vm0;
	vm13 =	vmand vm11, vm12;
	v2 =	vadd.s32 v3, v2  }
0x2dc: {  	vm0 =	vmand vm0, vm13;
	v2 =	vadd.s32 v57, v2  }
0x2dd: {  	v2 =	vnsel vm0, $0xA00, v2  }
0x2de: {  	(xrf1) =	vunique.msk.u32 $0xffff, v2;
	_ =	sdelay $0xd  }
0x2df: {  	_, v3, vm14 =	vpop (xrf1);
	_ =	sdelay $0x5  }
0x2e0: {  	[tilespmem:v2+s2+$0x0] =	vst.idx.add.s32.msk vm14, v3  }
0x2e1: {  	v2 =	vld [tilespmem:$0xE60]  }
0x2e2: {  	v3 =	vld [tilespmem:$0x1660]  }
0x2e3: {  	v59 =	vld [tilespmem:$0x1E60];
	_ =	sdelay $0x3  }
0x2e4: {  	v60 =	vadd.f32 $3.200000050e+00, v3;
	v61 =	vmul.f32 v2, v0  }
0x2e5: {  	v62 =	vadd.f32 $2.000000000e+00, v59;
	vm15 =	vlt.f32 v2, $0.0e+00;
	vm6 =	vgt.f32 v2, $0.0e+00  }
0x2e6: {  	vm7 =	vlt.f32 v3, $0.0e+00;
	vm8 =	vgt.f32 v3, $0.0e+00;
	v5 =	vmul.f32 v60, v0  }
0x2e7: {  	vm10 =	vlt.f32 v59, $0.0e+00;
	v7 =	vmul.f32 v62, v0;
	v6 =	vtrunc.f32 v61  }
0x2e8: {  	vm11 =	vgt.f32 v59, $0.0e+00;
	v6 =	vcvt.f32.s32 v6;
	v5 =	vtrunc.f32 v5  }
0x2e9: {  	vm0 =	vmor vm6, vm15;
	v7 =	vtrunc.f32 v7;
	v5 =	vcvt.f32.s32 v5  }
0x2ea: {  	vm9 =	vmor vm8, vm7;
	vm1 =	vmor vm11, vm10;
	v2 =	vcvt.f32.s32 v7  }
0x2eb: {  	v63 =	vmul.u32 $0xA0, v6;
	v3 =	vor.u32 v6, v5;
	v5 =	vmul.u32 $0xA, v5  }
0x2ec: {  	vm0 =	vmor vm0, vm9;
	vm13 =	vlt.u32 v2, $0xA;
	vm12 =	vlt.u32 v3, $0x10  }
0x2ed: {  	vm0 =	vmor vm0, vm1;
	vm14 =	vmand vm12, vm13;
	v3 =	vadd.s32 v63, v5  }
0x2ee: {  	vm0 =	vmand vm0, vm14;
	v2 =	vadd.s32 v2, v3  }
0x2ef: {  	v2 =	vnsel vm0, $0xA00, v2  }
0x2f0: {  	(xrf1) =	vunique.msk.u32 $0xff, v2;
	_ =	sdelay $0xd  }
0x2f1: {  	_, v3, vm15 =	vpop (xrf1);
	_ =	sdelay $0x3  }
0x2f2: {  	s23 =	sadd.s32 $0x1, s23  }
0x2f3: {  	p0 =	sne.s32 s23, s13  }
.Ltmp14:
0x2f4: {  	[tilespmem:v2+s2+$0x0] =	vst.idx.add.s32.msk vm15, v3;
	(pc) =	sbr.rel @p0 .LBB2_1-.Ltmp14, $4  }
0x2f5: {  	[hbm4b:s12+s2] =	stream.linear.scatter [tilespmem:s2], [sflag:$0x3], $0xA80, $0x38;
	[tilespmem:$0x3A80] =	vst v63  }
0x2f6: {  	_ =	swait.ge [sflag:s22], $0xA80  }
0x2f7: {  	[sflag:s22] =	ssyncset.done $0x0  }
0x2f8: {  	[sflag:s22] =	ssyncadd.s32 $0xFFFFF580  }
0x2f9: {  	_ =	sfence.sel $0x180000  }
0x2fa: {  	[bflag:$0x0] =	sbarrier.arrive $0xFFFF  }
0x2fb: {  	_ =	strace $0x90000047  }
0x2fc: {  	s0 =	stileid.u32;
	[bflag:$0x2] =	sbarrier.arrive $0xFFFF  }
0x2fd: {  	p0 =	sne.s32 s0, $0x0;
	s0 =	rddreg [dreg:$0x4]  }
0x2fe: {  	s0 =	sadd.s32 @!p0 $0x100000, s0  }
0x2ff: {  	[sflag:s0] =	ssyncadd.tile.s32 @!p0 $0x1;
	_ =	shalt  }
.Lfunc_end2:
_tile_overlayer_lowered:
.L_overlay_start_2:
0x300: {  	(tag) =	ssettag $0x2  }
0x301: {  	s0 =	rddreg [dreg:$0x0];
	s2 =	stileid.u32  }
0x302: {  	s1 =	rddreg [dreg:$0x1];
	p0 =	sne.s32 s2, $0x0  }
0x303: {  	s3 =	rddreg [dreg:$0x2];
	[bflag:$0x3] =	sbarrier.arrive $0xFFFF;
	s2 =	simm.s32 @!p0 $0x1C03  }
0x304: {  	[timem:s3], [sflag:s2] =	dma.local @!p0 [hbm:s0], s1  }
0x305: {  	s0 =	simm.s32 @!p0 $0x3  }
0x306: {  	_ =	swait.ge @!p0 [sflag:s0], s1  }
0x307: {  	s1 =	ssub.s32 @!p0 $0x0, s1;
	[sflag:s0] =	ssyncset.done @!p0 $0x0  }
0x308: {  	[sflag:s0] =	ssyncadd.s32 @!p0 s1  }
0x309: {  	[bflag:$0x3] =	sbarrier.arrive $0xFFFF  }
0x30a: {  	_ =	shalt  }

</sc_bundles>
